<compile_context>
chip_gen: v7x
topology: tpu7x:2x2x1
jax: 0.10.2.dev20260603
libtpu: 0.0.44.dev20260713+nightly
codegen_flags: <defaults>
</compile_context>

<pallas_src>
import functools

import jax
import jax.numpy as jnp
from jax import lax
from jax.experimental import pallas as pl
from jax.experimental.pallas import tpu as pltpu
from jax.experimental.pallas import tpu_sc as plsc

N = 10000
E = 320000
D = 128
H = 128
CW = 16
NC = 2
NS = 16
NW = NC * NS
EPW = E // NW
K = 80
NB = EPW // K
NA = 10240
RPT = NA // NS
CB = 25
NCH = NB // CB


def _sc_segment_sum(x, edge_index, z128, z16, ones16):
    mesh = plsc.VectorSubcoreMesh(core_axis_name="c", subcore_axis_name="s")

    @functools.partial(
        pl.kernel,
        out_type=(jax.ShapeDtypeStruct((NC, NA, D), jnp.float32),
                  jax.ShapeDtypeStruct((NC, NA, CW), jnp.float32)),
        mesh=mesh,
        scratch_types=[
            pltpu.VMEM_SHARED((NA, D), jnp.float32),
            pltpu.VMEM_SHARED((NA, CW), jnp.float32),
            pltpu.VMEM((CB * K,), jnp.int32),
            pltpu.VMEM((CB * K,), jnp.int32),
            pltpu.VMEM((CB * K,), jnp.int32),
            pltpu.VMEM((CB * K,), jnp.int32),
            pltpu.VMEM((K, D), jnp.float32),
            pltpu.VMEM((K, D), jnp.float32),
            pltpu.VMEM((K, CW), jnp.float32),
            pltpu.VMEM((K, CW), jnp.float32),
            pltpu.SemaphoreType.DMA,
            pltpu.SemaphoreType.DMA,
            pltpu.SemaphoreType.DMA,
            pltpu.SemaphoreType.DMA,
            pltpu.SemaphoreType.DMA,
        ],
        compiler_params=pltpu.CompilerParams(use_tc_tiling_on_sc=False),
    )
    def k(x_hbm, ei_hbm, z128_hbm, z16_hbm, ones_hbm, outd_hbm, outc_hbm,
          accd, accc, src_a, dst_a, src_b, dst_b, rows0, rows1, zc_v, ones_v,
          gsem0, gsem1, isem, wsem, osem):
        cid = lax.axis_index("c")
        sid = lax.axis_index("s")
        wid = sid * NC + cid
        srcs = (src_a, src_b)
        dsts = (dst_a, dst_b)
        ebase = wid * EPW

        pltpu.sync_copy(z128_hbm, rows0)
        pltpu.sync_copy(z16_hbm, zc_v)
        pltpu.sync_copy(ones_hbm, ones_v)
        row0 = sid * RPT
        zh = []
        for t in range(RPT // K):
            zh.append(pltpu.async_copy(
                rows0, accd.at[pl.ds(row0 + t * K, K)], wsem))
            zh.append(pltpu.async_copy(
                zc_v, accc.at[pl.ds(row0 + t * K, K)], wsem))
        ih = [pltpu.async_copy(ei_hbm.at[0, pl.ds(ebase, CB * K)], src_a,
                               isem),
              pltpu.async_copy(ei_hbm.at[1, pl.ds(ebase, CB * K)], dst_a,
                               isem)]
        for h in zh:
            h.wait()
        for h in ih:
            h.wait()
        pltpu.async_copy(x_hbm.at[src_a.at[pl.ds(0, K)]], rows0, gsem0)

        plsc.subcore_barrier()

        for c in range(NCH):
            src_v = srcs[c % 2]
            dst_v = dsts[c % 2]
            if c % 2 == 0:
                re, ge = rows0, gsem0
                ro, go = rows1, gsem1
            else:
                re, ge = rows1, gsem1
                ro, go = rows0, gsem0
            if c + 1 < NCH:
                nsrc = srcs[(c + 1) % 2]
                ndst = dsts[(c + 1) % 2]
                off = ebase + (c + 1) * CB * K
                ih = [pltpu.async_copy(ei_hbm.at[0, pl.ds(off, CB * K)],
                                       nsrc, isem),
                      pltpu.async_copy(ei_hbm.at[1, pl.ds(off, CB * K)],
                                       ndst, isem)]

            def cnt_wait():
                pltpu.make_async_copy(
                    ones_v, accc.at[dst_v.at[pl.ds(0, K)]], osem).wait()

            def pair(j, carry):
                i0 = 2 * j
                pltpu.async_copy(
                    x_hbm.at[src_v.at[pl.ds((i0 + 1) * K, K)]], ro, go)
                pltpu.make_async_copy(
                    x_hbm.at[src_v.at[pl.ds(0, K)]], re, ge).wait()
                pltpu.sync_copy(re, accd.at[dst_v.at[pl.ds(i0 * K, K)]],
                                add=True)

                @pl.when(j > 0)
                def _():
                    cnt_wait()

                pltpu.async_copy(ones_v,
                                 accc.at[dst_v.at[pl.ds(i0 * K, K)]],
                                 osem, add=True)
                pltpu.async_copy(
                    x_hbm.at[src_v.at[pl.ds((i0 + 2) * K, K)]], re, ge)
                pltpu.make_async_copy(
                    x_hbm.at[src_v.at[pl.ds(0, K)]], ro, go).wait()
                pltpu.sync_copy(ro,
                                accd.at[dst_v.at[pl.ds((i0 + 1) * K, K)]],
                                add=True)

                @pl.when(j > 0)
                def _():
                    cnt_wait()

                pltpu.async_copy(ones_v,
                                 accc.at[dst_v.at[pl.ds((i0 + 1) * K, K)]],
                                 osem, add=True)
                return carry

            lax.fori_loop(0, CB // 2, pair, 0)
            cnt_wait()
            cnt_wait()

            if c + 1 < NCH:
                for h in ih:
                    h.wait()
            pltpu.make_async_copy(
                x_hbm.at[src_v.at[pl.ds(0, K)]], re, ge).wait()
            if c + 1 < NCH:
                pltpu.async_copy(x_hbm.at[nsrc.at[pl.ds(0, K)]], ro, go)
            pltpu.sync_copy(re, accd.at[dst_v.at[pl.ds((CB - 1) * K, K)]],
                            add=True)
            pltpu.async_copy(ones_v,
                             accc.at[dst_v.at[pl.ds((CB - 1) * K, K)]],
                             osem, add=True)
            cnt_wait()

        plsc.subcore_barrier()

        wh = [None, None, None, None]
        dbufs = (rows0, rows1)
        cbufs = (zc_v, ones_v)
        for t in range(RPT // K):
            b = t % 2
            r = row0 + t * K
            if wh[b] is not None:
                wh[b].wait()
            pltpu.sync_copy(accd.at[pl.ds(r, K)], dbufs[b])
            wh[b] = pltpu.async_copy(dbufs[b], outd_hbm.at[cid, pl.ds(r, K)],
                                     wsem)
            if wh[2 + b] is not None:
                wh[2 + b].wait()
            pltpu.sync_copy(accc.at[pl.ds(r, K)], cbufs[b])
            wh[2 + b] = pltpu.async_copy(cbufs[b],
                                         outc_hbm.at[cid, pl.ds(r, K)], wsem)
        for h in wh:
            h.wait()

    return k(x, edge_index, z128, z16, ones16)


def _tc_dense(accd, accc, x, W_l, b_l, W_r):
    BN = 2000
    grid = (N // BN,)

    def body(ad_ref, ac_ref, x_ref, wl_ref, b_ref, wr_ref, o_ref):
        s = ad_ref[0] + ad_ref[1]
        c = jnp.sum(ac_ref[0] + ac_ref[1], axis=1, keepdims=True)
        mean = s / jnp.maximum(c, 1.0)
        out = lax.dot_general(mean, wl_ref[...], (((1,), (1,)), ((), ())),
                              preferred_element_type=jnp.float32)
        out = out + lax.dot_general(x_ref[...], wr_ref[...],
                                    (((1,), (1,)), ((), ())),
                                    preferred_element_type=jnp.float32)
        o_ref[...] = jnp.maximum(out + b_ref[...], 0.0)

    return pl.pallas_call(
        body,
        grid=grid,
        in_specs=[
            pl.BlockSpec((NC, BN, D), lambda i: (0, i, 0)),
            pl.BlockSpec((NC, BN, CW), lambda i: (0, i, 0)),
            pl.BlockSpec((BN, D), lambda i: (i, 0)),
            pl.BlockSpec((H, D), lambda i: (0, 0)),
            pl.BlockSpec((1, H), lambda i: (0, 0)),
            pl.BlockSpec((H, D), lambda i: (0, 0)),
        ],
        out_specs=pl.BlockSpec((BN, H), lambda i: (i, 0)),
        out_shape=jax.ShapeDtypeStruct((N, H), jnp.float32),
    )(accd, accc, x, W_l, b_l, W_r)


def kernel(x, edge_weight, W_l, b_l, W_r, edge_index):
    del edge_weight
    z128 = jnp.zeros((K, D), jnp.float32)
    z16 = jnp.zeros((K, CW), jnp.float32)
    ones16 = jnp.zeros((K, CW), jnp.float32).at[:, 0].set(1.0)
    accd, accc = _sc_segment_sum(x, edge_index, z128, z16, ones16)
    return _tc_dense(accd, accc, x, W_l, b_l.reshape(1, H), W_r)

# --- scband reference (transcript-rebuilt; emitter-appended) ---
"""Pipeline reference for scband-res-gcn-12764642804231 (READ-ONLY COPY).

The authoritative reference and input builder live on the scoring server;
editing this copy changes nothing except your own understanding.
"""

import jax, jax.numpy as jnp
import numpy as np

N = 10000
E = 320000
D = 128
H = 128

def setup_inputs(seed: int = 0) -> dict:
    key = jax.random.key(seed)
    k1, k2, k3, k4, k5 = jax.random.split(key, 5)
    x = jax.random.normal(k1, (N, D), dtype=jnp.float32)
    edge_index = jax.random.randint(k2, (2, E), 0, N, dtype=jnp.int32)
    edge_weight = jax.random.uniform(k3, (E,), dtype=jnp.float32)
    scale = 1.0 / np.sqrt(D)
    # SAGEConv params: lin_l (neighbor aggr path, with bias), lin_r (root path, no bias)
    W_l = jax.random.normal(k4, (H, D), dtype=jnp.float32) * scale
    b_l = jnp.zeros((H,), dtype=jnp.float32)
    W_r = jax.random.normal(k5, (H, D), dtype=jnp.float32) * scale
    return {"x": x, "edge_weight": edge_weight, "W_l": W_l, "b_l": b_l, "W_r": W_r, "edge_index": edge_index}

def reference(x, edge_weight, W_l, b_l, W_r, edge_index):
    # Res_GCN with gnn_method=['sage']: single SAGEConv layer (mean aggregation),
    # then ReLU, then dropout (eval mode -> identity). edge_weight is unused by SAGEConv.
    src = edge_index[0]
    dst = edge_index[1]
    msgs = jnp.take(x, src, axis=0)                       # gather x_j for each edge
    summed = jax.ops.segment_sum(msgs, dst, num_segments=N)
    cnt = jax.ops.segment_sum(jnp.ones((E,), dtype=x.dtype), dst, num_segments=N)
    mean_aggr = summed / jnp.clip(cnt, 1.0)[:, None]      # mean over in-neighbors
    out = mean_aggr @ W_l.T + b_l + x @ W_r.T             # lin_l(aggr) + lin_r(x)
    fea = jax.nn.relu(out)
    # mid_node_feats is [] since num_layers=1; return fea only
    return fea

if __name__ == "__main__":
    import jax
    _d = setup_inputs()
    print(jax.jit(kernel)(*tuple(_d.values())))

</pallas_src>

<mosaic_0001>
#map = affine_map<(d0, d1) -> (0, 0)>
#map1 = affine_map<(d0, d1) -> (0, 0, 0)>
module attributes {stable_mosaic.version = 14 : i64} {
  func.func @k(%arg0: i32, %arg1: i32, %arg2: memref<10000x128xf32, #tpu.memory_space<hbm>>, %arg3: memref<2x320000xi32, #tpu.memory_space<hbm>>, %arg4: memref<80x128xf32, #tpu.memory_space<hbm>>, %arg5: memref<80x16xf32, #tpu.memory_space<hbm>>, %arg6: memref<80x16xf32, #tpu.memory_space<hbm>>, %arg7: memref<2x10240x128xf32, #tpu.memory_space<hbm>>, %arg8: memref<2x10240x16xf32, #tpu.memory_space<hbm>>, %arg9: memref<10240x128xf32, #tpu.memory_space<vmem_shared>>, %arg10: memref<10240x16xf32, #tpu.memory_space<vmem_shared>>, %arg11: memref<2000xi32, #tpu.memory_space<vmem>>, %arg12: memref<2000xi32, #tpu.memory_space<vmem>>, %arg13: memref<2000xi32, #tpu.memory_space<vmem>>, %arg14: memref<2000xi32, #tpu.memory_space<vmem>>, %arg15: memref<80x128xf32, #tpu.memory_space<vmem>>, %arg16: memref<80x128xf32, #tpu.memory_space<vmem>>, %arg17: memref<80x16xf32, #tpu.memory_space<vmem>>, %arg18: memref<80x16xf32, #tpu.memory_space<vmem>>, %arg19: memref<!tpu.dma_semaphore, #tpu.memory_space<semaphore_mem>>, %arg20: memref<!tpu.dma_semaphore, #tpu.memory_space<semaphore_mem>>, %arg21: memref<!tpu.dma_semaphore, #tpu.memory_space<semaphore_mem>>, %arg22: memref<!tpu.dma_semaphore, #tpu.memory_space<semaphore_mem>>, %arg23: memref<!tpu.dma_semaphore, #tpu.memory_space<semaphore_mem>>) attributes {dimension_semantics = [#tpu.dimension_semantics<core_parallel>, #tpu.dimension_semantics<subcore_parallel>], iteration_bounds = array<i64: 2, 16>, scalar_prefetch = 0 : i64, scratch_operands = 15 : i64, tpu.core_type = #tpu.core_type<sc_vector_subcore>, window_params = [{transform_indices = #map}, {transform_indices = #map}, {transform_indices = #map}, {transform_indices = #map}, {transform_indices = #map}, {transform_indices = #map1}, {transform_indices = #map1}]} {
    %mul3A = arith.constant 2 : i32
    %mul3A_0 = arith.muli %arg1, %mul3A : i32
    %add3A = arith.addi %mul3A_0, %arg0 : i32
    %mul3A_1 = arith.constant 10000 : i32
    %mul3A_2 = arith.muli %add3A, %mul3A_1 : i32
    "tpu.region"() ({
      %run_scoped3A = tpu.sem_alloc : memref<!tpu.dma_semaphore, #tpu.memory_space<semaphore_mem>>
      tpu.enqueue_dma source(%arg4 : memref<80x128xf32, #tpu.memory_space<hbm>>) target(%arg15 : memref<80x128xf32, #tpu.memory_space<vmem>>) target_semaphore(%run_scoped3A : memref<!tpu.dma_semaphore, #tpu.memory_space<semaphore_mem>>)
      tpu.wait_dma2 semaphore(%run_scoped3A : memref<!tpu.dma_semaphore, #tpu.memory_space<semaphore_mem>>) src(%arg4 : memref<80x128xf32, #tpu.memory_space<hbm>>) dst(%arg15 : memref<80x128xf32, #tpu.memory_space<vmem>>)
      tpu.yield
    }) : () -> ()
    "tpu.region"() ({
      %run_scoped3A = tpu.sem_alloc : memref<!tpu.dma_semaphore, #tpu.memory_space<semaphore_mem>>
      tpu.enqueue_dma source(%arg5 : memref<80x16xf32, #tpu.memory_space<hbm>>) target(%arg17 : memref<80x16xf32, #tpu.memory_space<vmem>>) target_semaphore(%run_scoped3A : memref<!tpu.dma_semaphore, #tpu.memory_space<semaphore_mem>>)
      tpu.wait_dma2 semaphore(%run_scoped3A : memref<!tpu.dma_semaphore, #tpu.memory_space<semaphore_mem>>) src(%arg5 : memref<80x16xf32, #tpu.memory_space<hbm>>) dst(%arg17 : memref<80x16xf32, #tpu.memory_space<vmem>>)
      tpu.yield
    }) : () -> ()
    "tpu.region"() ({
      %run_scoped3A = tpu.sem_alloc : memref<!tpu.dma_semaphore, #tpu.memory_space<semaphore_mem>>
      tpu.enqueue_dma source(%arg6 : memref<80x16xf32, #tpu.memory_space<hbm>>) target(%arg18 : memref<80x16xf32, #tpu.memory_space<vmem>>) target_semaphore(%run_scoped3A : memref<!tpu.dma_semaphore, #tpu.memory_space<semaphore_mem>>)
      tpu.wait_dma2 semaphore(%run_scoped3A : memref<!tpu.dma_semaphore, #tpu.memory_space<semaphore_mem>>) src(%arg6 : memref<80x16xf32, #tpu.memory_space<hbm>>) dst(%arg18 : memref<80x16xf32, #tpu.memory_space<vmem>>)
      tpu.yield
    }) : () -> ()
    %mul3A_3 = arith.constant 640 : i32
    %mul3A_4 = arith.muli %arg1, %mul3A_3 : i32
    %add3A_5 = arith.constant 0 : i32
    %add3A_6 = arith.addi %mul3A_4, %add3A_5 : i32
    %dma_start3A = arith.constant 0 : i32
    %dma_start3A_7 = tpu.memref_slice %arg9[%add3A_6, %dma_start3A] : memref<10240x128xf32, #tpu.memory_space<vmem_shared>> -> memref<80x128xf32, #tpu.memory_space<vmem_shared>>
    %dma_start3A_8 = arith.constant 0 : i32
    %dma_start3A_9 = tpu.memref_slice %arg9[%add3A_6, %dma_start3A_8] : memref<10240x128xf32, #tpu.memory_space<vmem_shared>> -> memref<80x128xf32, #tpu.memory_space<vmem_shared>>
    tpu.enqueue_dma source(%arg15 : memref<80x128xf32, #tpu.memory_space<vmem>>) target(%dma_start3A_9 : memref<80x128xf32, #tpu.memory_space<vmem_shared>>) target_semaphore(%arg22 : memref<!tpu.dma_semaphore, #tpu.memory_space<semaphore_mem>>)
    %add3A_10 = arith.constant 0 : i32
    %add3A_11 = arith.addi %mul3A_4, %add3A_10 : i32
    %dma_start3A_12 = arith.constant 0 : i32
    %dma_start3A_13 = tpu.memref_slice %arg10[%add3A_11, %dma_start3A_12] : memref<10240x16xf32, #tpu.memory_space<vmem_shared>> -> memref<80x16xf32, #tpu.memory_space<vmem_shared>>
    %dma_start3A_14 = arith.constant 0 : i32
    %dma_start3A_15 = tpu.memref_slice %arg10[%add3A_11, %dma_start3A_14] : memref<10240x16xf32, #tpu.memory_space<vmem_shared>> -> memref<80x16xf32, #tpu.memory_space<vmem_shared>>
    tpu.enqueue_dma source(%arg17 : memref<80x16xf32, #tpu.memory_space<vmem>>) target(%dma_start3A_15 : memref<80x16xf32, #tpu.memory_space<vmem_shared>>) target_semaphore(%arg22 : memref<!tpu.dma_semaphore, #tpu.memory_space<semaphore_mem>>)
    %add3A_16 = arith.constant 80 : i32
    %add3A_17 = arith.addi %mul3A_4, %add3A_16 : i32
    %dma_start3A_18 = arith.constant 0 : i32
    %dma_start3A_19 = tpu.memref_slice %arg9[%add3A_17, %dma_start3A_18] : memref<10240x128xf32, #tpu.memory_space<vmem_shared>> -> memref<80x128xf32, #tpu.memory_space<vmem_shared>>
    %dma_start3A_20 = arith.constant 0 : i32
    %dma_start3A_21 = tpu.memref_slice %arg9[%add3A_17, %dma_start3A_20] : memref<10240x128xf32, #tpu.memory_space<vmem_shared>> -> memref<80x128xf32, #tpu.memory_space<vmem_shared>>
    tpu.enqueue_dma source(%arg15 : memref<80x128xf32, #tpu.memory_space<vmem>>) target(%dma_start3A_21 : memref<80x128xf32, #tpu.memory_space<vmem_shared>>) target_semaphore(%arg22 : memref<!tpu.dma_semaphore, #tpu.memory_space<semaphore_mem>>)
    %add3A_22 = arith.constant 80 : i32
    %add3A_23 = arith.addi %mul3A_4, %add3A_22 : i32
    %dma_start3A_24 = arith.constant 0 : i32
    %dma_start3A_25 = tpu.memref_slice %arg10[%add3A_23, %dma_start3A_24] : memref<10240x16xf32, #tpu.memory_space<vmem_shared>> -> memref<80x16xf32, #tpu.memory_space<vmem_shared>>
    %dma_start3A_26 = arith.constant 0 : i32
    %dma_start3A_27 = tpu.memref_slice %arg10[%add3A_23, %dma_start3A_26] : memref<10240x16xf32, #tpu.memory_space<vmem_shared>> -> memref<80x16xf32, #tpu.memory_space<vmem_shared>>
    tpu.enqueue_dma source(%arg17 : memref<80x16xf32, #tpu.memory_space<vmem>>) target(%dma_start3A_27 : memref<80x16xf32, #tpu.memory_space<vmem_shared>>) target_semaphore(%arg22 : memref<!tpu.dma_semaphore, #tpu.memory_space<semaphore_mem>>)
    %add3A_28 = arith.constant 160 : i32
    %add3A_29 = arith.addi %mul3A_4, %add3A_28 : i32
    %dma_start3A_30 = arith.constant 0 : i32
    %dma_start3A_31 = tpu.memref_slice %arg9[%add3A_29, %dma_start3A_30] : memref<10240x128xf32, #tpu.memory_space<vmem_shared>> -> memref<80x128xf32, #tpu.memory_space<vmem_shared>>
    %dma_start3A_32 = arith.constant 0 : i32
    %dma_start3A_33 = tpu.memref_slice %arg9[%add3A_29, %dma_start3A_32] : memref<10240x128xf32, #tpu.memory_space<vmem_shared>> -> memref<80x128xf32, #tpu.memory_space<vmem_shared>>
    tpu.enqueue_dma source(%arg15 : memref<80x128xf32, #tpu.memory_space<vmem>>) target(%dma_start3A_33 : memref<80x128xf32, #tpu.memory_space<vmem_shared>>) target_semaphore(%arg22 : memref<!tpu.dma_semaphore, #tpu.memory_space<semaphore_mem>>)
    %add3A_34 = arith.constant 160 : i32
    %add3A_35 = arith.addi %mul3A_4, %add3A_34 : i32
    %dma_start3A_36 = arith.constant 0 : i32
    %dma_start3A_37 = tpu.memref_slice %arg10[%add3A_35, %dma_start3A_36] : memref<10240x16xf32, #tpu.memory_space<vmem_shared>> -> memref<80x16xf32, #tpu.memory_space<vmem_shared>>
    %dma_start3A_38 = arith.constant 0 : i32
    %dma_start3A_39 = tpu.memref_slice %arg10[%add3A_35, %dma_start3A_38] : memref<10240x16xf32, #tpu.memory_space<vmem_shared>> -> memref<80x16xf32, #tpu.memory_space<vmem_shared>>
    tpu.enqueue_dma source(%arg17 : memref<80x16xf32, #tpu.memory_space<vmem>>) target(%dma_start3A_39 : memref<80x16xf32, #tpu.memory_space<vmem_shared>>) target_semaphore(%arg22 : memref<!tpu.dma_semaphore, #tpu.memory_space<semaphore_mem>>)
    %add3A_40 = arith.constant 240 : i32
    %add3A_41 = arith.addi %mul3A_4, %add3A_40 : i32
    %dma_start3A_42 = arith.constant 0 : i32
    %dma_start3A_43 = tpu.memref_slice %arg9[%add3A_41, %dma_start3A_42] : memref<10240x128xf32, #tpu.memory_space<vmem_shared>> -> memref<80x128xf32, #tpu.memory_space<vmem_shared>>
    %dma_start3A_44 = arith.constant 0 : i32
    %dma_start3A_45 = tpu.memref_slice %arg9[%add3A_41, %dma_start3A_44] : memref<10240x128xf32, #tpu.memory_space<vmem_shared>> -> memref<80x128xf32, #tpu.memory_space<vmem_shared>>
    tpu.enqueue_dma source(%arg15 : memref<80x128xf32, #tpu.memory_space<vmem>>) target(%dma_start3A_45 : memref<80x128xf32, #tpu.memory_space<vmem_shared>>) target_semaphore(%arg22 : memref<!tpu.dma_semaphore, #tpu.memory_space<semaphore_mem>>)
    %add3A_46 = arith.constant 240 : i32
    %add3A_47 = arith.addi %mul3A_4, %add3A_46 : i32
    %dma_start3A_48 = arith.constant 0 : i32
    %dma_start3A_49 = tpu.memref_slice %arg10[%add3A_47, %dma_start3A_48] : memref<10240x16xf32, #tpu.memory_space<vmem_shared>> -> memref<80x16xf32, #tpu.memory_space<vmem_shared>>
    %dma_start3A_50 = arith.constant 0 : i32
    %dma_start3A_51 = tpu.memref_slice %arg10[%add3A_47, %dma_start3A_50] : memref<10240x16xf32, #tpu.memory_space<vmem_shared>> -> memref<80x16xf32, #tpu.memory_space<vmem_shared>>
    tpu.enqueue_dma source(%arg17 : memref<80x16xf32, #tpu.memory_space<vmem>>) target(%dma_start3A_51 : memref<80x16xf32, #tpu.memory_space<vmem_shared>>) target_semaphore(%arg22 : memref<!tpu.dma_semaphore, #tpu.memory_space<semaphore_mem>>)
    %add3A_52 = arith.constant 320 : i32
    %add3A_53 = arith.addi %mul3A_4, %add3A_52 : i32
    %dma_start3A_54 = arith.constant 0 : i32
    %dma_start3A_55 = tpu.memref_slice %arg9[%add3A_53, %dma_start3A_54] : memref<10240x128xf32, #tpu.memory_space<vmem_shared>> -> memref<80x128xf32, #tpu.memory_space<vmem_shared>>
    %dma_start3A_56 = arith.constant 0 : i32
    %dma_start3A_57 = tpu.memref_slice %arg9[%add3A_53, %dma_start3A_56] : memref<10240x128xf32, #tpu.memory_space<vmem_shared>> -> memref<80x128xf32, #tpu.memory_space<vmem_shared>>
    tpu.enqueue_dma source(%arg15 : memref<80x128xf32, #tpu.memory_space<vmem>>) target(%dma_start3A_57 : memref<80x128xf32, #tpu.memory_space<vmem_shared>>) target_semaphore(%arg22 : memref<!tpu.dma_semaphore, #tpu.memory_space<semaphore_mem>>)
    %add3A_58 = arith.constant 320 : i32
    %add3A_59 = arith.addi %mul3A_4, %add3A_58 : i32
    %dma_start3A_60 = arith.constant 0 : i32
    %dma_start3A_61 = tpu.memref_slice %arg10[%add3A_59, %dma_start3A_60] : memref<10240x16xf32, #tpu.memory_space<vmem_shared>> -> memref<80x16xf32, #tpu.memory_space<vmem_shared>>
    %dma_start3A_62 = arith.constant 0 : i32
    %dma_start3A_63 = tpu.memref_slice %arg10[%add3A_59, %dma_start3A_62] : memref<10240x16xf32, #tpu.memory_space<vmem_shared>> -> memref<80x16xf32, #tpu.memory_space<vmem_shared>>
    tpu.enqueue_dma source(%arg17 : memref<80x16xf32, #tpu.memory_space<vmem>>) target(%dma_start3A_63 : memref<80x16xf32, #tpu.memory_space<vmem_shared>>) target_semaphore(%arg22 : memref<!tpu.dma_semaphore, #tpu.memory_space<semaphore_mem>>)
    %add3A_64 = arith.constant 400 : i32
    %add3A_65 = arith.addi %mul3A_4, %add3A_64 : i32
    %dma_start3A_66 = arith.constant 0 : i32
    %dma_start3A_67 = tpu.memref_slice %arg9[%add3A_65, %dma_start3A_66] : memref<10240x128xf32, #tpu.memory_space<vmem_shared>> -> memref<80x128xf32, #tpu.memory_space<vmem_shared>>
    %dma_start3A_68 = arith.constant 0 : i32
    %dma_start3A_69 = tpu.memref_slice %arg9[%add3A_65, %dma_start3A_68] : memref<10240x128xf32, #tpu.memory_space<vmem_shared>> -> memref<80x128xf32, #tpu.memory_space<vmem_shared>>
    tpu.enqueue_dma source(%arg15 : memref<80x128xf32, #tpu.memory_space<vmem>>) target(%dma_start3A_69 : memref<80x128xf32, #tpu.memory_space<vmem_shared>>) target_semaphore(%arg22 : memref<!tpu.dma_semaphore, #tpu.memory_space<semaphore_mem>>)
    %add3A_70 = arith.constant 400 : i32
    %add3A_71 = arith.addi %mul3A_4, %add3A_70 : i32
    %dma_start3A_72 = arith.constant 0 : i32
    %dma_start3A_73 = tpu.memref_slice %arg10[%add3A_71, %dma_start3A_72] : memref<10240x16xf32, #tpu.memory_space<vmem_shared>> -> memref<80x16xf32, #tpu.memory_space<vmem_shared>>
    %dma_start3A_74 = arith.constant 0 : i32
    %dma_start3A_75 = tpu.memref_slice %arg10[%add3A_71, %dma_start3A_74] : memref<10240x16xf32, #tpu.memory_space<vmem_shared>> -> memref<80x16xf32, #tpu.memory_space<vmem_shared>>
    tpu.enqueue_dma source(%arg17 : memref<80x16xf32, #tpu.memory_space<vmem>>) target(%dma_start3A_75 : memref<80x16xf32, #tpu.memory_space<vmem_shared>>) target_semaphore(%arg22 : memref<!tpu.dma_semaphore, #tpu.memory_space<semaphore_mem>>)
    %add3A_76 = arith.constant 480 : i32
    %add3A_77 = arith.addi %mul3A_4, %add3A_76 : i32
    %dma_start3A_78 = arith.constant 0 : i32
    %dma_start3A_79 = tpu.memref_slice %arg9[%add3A_77, %dma_start3A_78] : memref<10240x128xf32, #tpu.memory_space<vmem_shared>> -> memref<80x128xf32, #tpu.memory_space<vmem_shared>>
    %dma_start3A_80 = arith.constant 0 : i32
    %dma_start3A_81 = tpu.memref_slice %arg9[%add3A_77, %dma_start3A_80] : memref<10240x128xf32, #tpu.memory_space<vmem_shared>> -> memref<80x128xf32, #tpu.memory_space<vmem_shared>>
    tpu.enqueue_dma source(%arg15 : memref<80x128xf32, #tpu.memory_space<vmem>>) target(%dma_start3A_81 : memref<80x128xf32, #tpu.memory_space<vmem_shared>>) target_semaphore(%arg22 : memref<!tpu.dma_semaphore, #tpu.memory_space<semaphore_mem>>)
    %add3A_82 = arith.constant 480 : i32
    %add3A_83 = arith.addi %mul3A_4, %add3A_82 : i32
    %dma_start3A_84 = arith.constant 0 : i32
    %dma_start3A_85 = tpu.memref_slice %arg10[%add3A_83, %dma_start3A_84] : memref<10240x16xf32, #tpu.memory_space<vmem_shared>> -> memref<80x16xf32, #tpu.memory_space<vmem_shared>>
    %dma_start3A_86 = arith.constant 0 : i32
    %dma_start3A_87 = tpu.memref_slice %arg10[%add3A_83, %dma_start3A_86] : memref<10240x16xf32, #tpu.memory_space<vmem_shared>> -> memref<80x16xf32, #tpu.memory_space<vmem_shared>>
    tpu.enqueue_dma source(%arg17 : memref<80x16xf32, #tpu.memory_space<vmem>>) target(%dma_start3A_87 : memref<80x16xf32, #tpu.memory_space<vmem_shared>>) target_semaphore(%arg22 : memref<!tpu.dma_semaphore, #tpu.memory_space<semaphore_mem>>)
    %add3A_88 = arith.constant 560 : i32
    %add3A_89 = arith.addi %mul3A_4, %add3A_88 : i32
    %dma_start3A_90 = arith.constant 0 : i32
    %dma_start3A_91 = tpu.memref_slice %arg9[%add3A_89, %dma_start3A_90] : memref<10240x128xf32, #tpu.memory_space<vmem_shared>> -> memref<80x128xf32, #tpu.memory_space<vmem_shared>>
    %dma_start3A_92 = arith.constant 0 : i32
    %dma_start3A_93 = tpu.memref_slice %arg9[%add3A_89, %dma_start3A_92] : memref<10240x128xf32, #tpu.memory_space<vmem_shared>> -> memref<80x128xf32, #tpu.memory_space<vmem_shared>>
    tpu.enqueue_dma source(%arg15 : memref<80x128xf32, #tpu.memory_space<vmem>>) target(%dma_start3A_93 : memref<80x128xf32, #tpu.memory_space<vmem_shared>>) target_semaphore(%arg22 : memref<!tpu.dma_semaphore, #tpu.memory_space<semaphore_mem>>)
    %add3A_94 = arith.constant 560 : i32
    %add3A_95 = arith.addi %mul3A_4, %add3A_94 : i32
    %dma_start3A_96 = arith.constant 0 : i32
    %dma_start3A_97 = tpu.memref_slice %arg10[%add3A_95, %dma_start3A_96] : memref<10240x16xf32, #tpu.memory_space<vmem_shared>> -> memref<80x16xf32, #tpu.memory_space<vmem_shared>>
    %dma_start3A_98 = arith.constant 0 : i32
    %dma_start3A_99 = tpu.memref_slice %arg10[%add3A_95, %dma_start3A_98] : memref<10240x16xf32, #tpu.memory_space<vmem_shared>> -> memref<80x16xf32, #tpu.memory_space<vmem_shared>>
    tpu.enqueue_dma source(%arg17 : memref<80x16xf32, #tpu.memory_space<vmem>>) target(%dma_start3A_99 : memref<80x16xf32, #tpu.memory_space<vmem_shared>>) target_semaphore(%arg22 : memref<!tpu.dma_semaphore, #tpu.memory_space<semaphore_mem>>)
    %dma_start3A_100 = arith.constant 0 : i32
    %dma_start3A_101 = tpu.memref_slice %arg3[%dma_start3A_100, %mul3A_2] : memref<2x320000xi32, #tpu.memory_space<hbm>> -> memref<1x2000xi32, #tpu.memory_space<hbm>>
    %dma_start3A_102 = tpu.memref_squeeze %dma_start3A_101 : memref<1x2000xi32, #tpu.memory_space<hbm>> -> memref<2000xi32, #tpu.memory_space<hbm>>
    %dma_start3A_103 = tpu.memref_slice %arg3[%dma_start3A_100, %mul3A_2] : memref<2x320000xi32, #tpu.memory_space<hbm>> -> memref<1x2000xi32, #tpu.memory_space<hbm>>
    %dma_start3A_104 = tpu.memref_squeeze %dma_start3A_103 : memref<1x2000xi32, #tpu.memory_space<hbm>> -> memref<2000xi32, #tpu.memory_space<hbm>>
    tpu.enqueue_dma source(%dma_start3A_104 : memref<2000xi32, #tpu.memory_space<hbm>>) target(%arg11 : memref<2000xi32, #tpu.memory_space<vmem>>) target_semaphore(%arg21 : memref<!tpu.dma_semaphore, #tpu.memory_space<semaphore_mem>>)
    %dma_start3A_105 = arith.constant 1 : i32
    %dma_start3A_106 = tpu.memref_slice %arg3[%dma_start3A_105, %mul3A_2] : memref<2x320000xi32, #tpu.memory_space<hbm>> -> memref<1x2000xi32, #tpu.memory_space<hbm>>
    %dma_start3A_107 = tpu.memref_squeeze %dma_start3A_106 : memref<1x2000xi32, #tpu.memory_space<hbm>> -> memref<2000xi32, #tpu.memory_space<hbm>>
    %dma_start3A_108 = tpu.memref_slice %arg3[%dma_start3A_105, %mul3A_2] : memref<2x320000xi32, #tpu.memory_space<hbm>> -> memref<1x2000xi32, #tpu.memory_space<hbm>>
    %dma_start3A_109 = tpu.memref_squeeze %dma_start3A_108 : memref<1x2000xi32, #tpu.memory_space<hbm>> -> memref<2000xi32, #tpu.memory_space<hbm>>
    tpu.enqueue_dma source(%dma_start3A_109 : memref<2000xi32, #tpu.memory_space<hbm>>) target(%arg12 : memref<2000xi32, #tpu.memory_space<vmem>>) target_semaphore(%arg21 : memref<!tpu.dma_semaphore, #tpu.memory_space<semaphore_mem>>)
    %dma_wait3A = arith.constant 0 : i32
    %dma_wait3A_110 = tpu.memref_slice %arg9[%add3A_6, %dma_wait3A] : memref<10240x128xf32, #tpu.memory_space<vmem_shared>> -> memref<80x128xf32, #tpu.memory_space<vmem_shared>>
    %dma_wait3A_111 = arith.constant 0 : i32
    %dma_wait3A_112 = tpu.memref_slice %arg9[%add3A_6, %dma_wait3A_111] : memref<10240x128xf32, #tpu.memory_space<vmem_shared>> -> memref<80x128xf32, #tpu.memory_space<vmem_shared>>
    tpu.wait_dma2 semaphore(%arg22 : memref<!tpu.dma_semaphore, #tpu.memory_space<semaphore_mem>>) src(%arg15 : memref<80x128xf32, #tpu.memory_space<vmem>>) dst(%dma_wait3A_112 : memref<80x128xf32, #tpu.memory_space<vmem_shared>>)
    %dma_wait3A_113 = arith.constant 0 : i32
    %dma_wait3A_114 = tpu.memref_slice %arg10[%add3A_11, %dma_wait3A_113] : memref<10240x16xf32, #tpu.memory_space<vmem_shared>> -> memref<80x16xf32, #tpu.memory_space<vmem_shared>>
    %dma_wait3A_115 = arith.constant 0 : i32
    %dma_wait3A_116 = tpu.memref_slice %arg10[%add3A_11, %dma_wait3A_115] : memref<10240x16xf32, #tpu.memory_space<vmem_shared>> -> memref<80x16xf32, #tpu.memory_space<vmem_shared>>
    tpu.wait_dma2 semaphore(%arg22 : memref<!tpu.dma_semaphore, #tpu.memory_space<semaphore_mem>>) src(%arg17 : memref<80x16xf32, #tpu.memory_space<vmem>>) dst(%dma_wait3A_116 : memref<80x16xf32, #tpu.memory_space<vmem_shared>>)
    %dma_wait3A_117 = arith.constant 0 : i32
    %dma_wait3A_118 = tpu.memref_slice %arg9[%add3A_17, %dma_wait3A_117] : memref<10240x128xf32, #tpu.memory_space<vmem_shared>> -> memref<80x128xf32, #tpu.memory_space<vmem_shared>>
    %dma_wait3A_119 = arith.constant 0 : i32
    %dma_wait3A_120 = tpu.memref_slice %arg9[%add3A_17, %dma_wait3A_119] : memref<10240x128xf32, #tpu.memory_space<vmem_shared>> -> memref<80x128xf32, #tpu.memory_space<vmem_shared>>
    tpu.wait_dma2 semaphore(%arg22 : memref<!tpu.dma_semaphore, #tpu.memory_space<semaphore_mem>>) src(%arg15 : memref<80x128xf32, #tpu.memory_space<vmem>>) dst(%dma_wait3A_120 : memref<80x128xf32, #tpu.memory_space<vmem_shared>>)
    %dma_wait3A_121 = arith.constant 0 : i32
    %dma_wait3A_122 = tpu.memref_slice %arg10[%add3A_23, %dma_wait3A_121] : memref<10240x16xf32, #tpu.memory_space<vmem_shared>> -> memref<80x16xf32, #tpu.memory_space<vmem_shared>>
    %dma_wait3A_123 = arith.constant 0 : i32
    %dma_wait3A_124 = tpu.memref_slice %arg10[%add3A_23, %dma_wait3A_123] : memref<10240x16xf32, #tpu.memory_space<vmem_shared>> -> memref<80x16xf32, #tpu.memory_space<vmem_shared>>
    tpu.wait_dma2 semaphore(%arg22 : memref<!tpu.dma_semaphore, #tpu.memory_space<semaphore_mem>>) src(%arg17 : memref<80x16xf32, #tpu.memory_space<vmem>>) dst(%dma_wait3A_124 : memref<80x16xf32, #tpu.memory_space<vmem_shared>>)
    %dma_wait3A_125 = arith.constant 0 : i32
    %dma_wait3A_126 = tpu.memref_slice %arg9[%add3A_29, %dma_wait3A_125] : memref<10240x128xf32, #tpu.memory_space<vmem_shared>> -> memref<80x128xf32, #tpu.memory_space<vmem_shared>>
    %dma_wait3A_127 = arith.constant 0 : i32
    %dma_wait3A_128 = tpu.memref_slice %arg9[%add3A_29, %dma_wait3A_127] : memref<10240x128xf32, #tpu.memory_space<vmem_shared>> -> memref<80x128xf32, #tpu.memory_space<vmem_shared>>
    tpu.wait_dma2 semaphore(%arg22 : memref<!tpu.dma_semaphore, #tpu.memory_space<semaphore_mem>>) src(%arg15 : memref<80x128xf32, #tpu.memory_space<vmem>>) dst(%dma_wait3A_128 : memref<80x128xf32, #tpu.memory_space<vmem_shared>>)
    %dma_wait3A_129 = arith.constant 0 : i32
    %dma_wait3A_130 = tpu.memref_slice %arg10[%add3A_35, %dma_wait3A_129] : memref<10240x16xf32, #tpu.memory_space<vmem_shared>> -> memref<80x16xf32, #tpu.memory_space<vmem_shared>>
    %dma_wait3A_131 = arith.constant 0 : i32
    %dma_wait3A_132 = tpu.memref_slice %arg10[%add3A_35, %dma_wait3A_131] : memref<10240x16xf32, #tpu.memory_space<vmem_shared>> -> memref<80x16xf32, #tpu.memory_space<vmem_shared>>
    tpu.wait_dma2 semaphore(%arg22 : memref<!tpu.dma_semaphore, #tpu.memory_space<semaphore_mem>>) src(%arg17 : memref<80x16xf32, #tpu.memory_space<vmem>>) dst(%dma_wait3A_132 : memref<80x16xf32, #tpu.memory_space<vmem_shared>>)
    %dma_wait3A_133 = arith.constant 0 : i32
    %dma_wait3A_134 = tpu.memref_slice %arg9[%add3A_41, %dma_wait3A_133] : memref<10240x128xf32, #tpu.memory_space<vmem_shared>> -> memref<80x128xf32, #tpu.memory_space<vmem_shared>>
    %dma_wait3A_135 = arith.constant 0 : i32
    %dma_wait3A_136 = tpu.memref_slice %arg9[%add3A_41, %dma_wait3A_135] : memref<10240x128xf32, #tpu.memory_space<vmem_shared>> -> memref<80x128xf32, #tpu.memory_space<vmem_shared>>
    tpu.wait_dma2 semaphore(%arg22 : memref<!tpu.dma_semaphore, #tpu.memory_space<semaphore_mem>>) src(%arg15 : memref<80x128xf32, #tpu.memory_space<vmem>>) dst(%dma_wait3A_136 : memref<80x128xf32, #tpu.memory_space<vmem_shared>>)
    %dma_wait3A_137 = arith.constant 0 : i32
    %dma_wait3A_138 = tpu.memref_slice %arg10[%add3A_47, %dma_wait3A_137] : memref<10240x16xf32, #tpu.memory_space<vmem_shared>> -> memref<80x16xf32, #tpu.memory_space<vmem_shared>>
    %dma_wait3A_139 = arith.constant 0 : i32
    %dma_wait3A_140 = tpu.memref_slice %arg10[%add3A_47, %dma_wait3A_139] : memref<10240x16xf32, #tpu.memory_space<vmem_shared>> -> memref<80x16xf32, #tpu.memory_space<vmem_shared>>
    tpu.wait_dma2 semaphore(%arg22 : memref<!tpu.dma_semaphore, #tpu.memory_space<semaphore_mem>>) src(%arg17 : memref<80x16xf32, #tpu.memory_space<vmem>>) dst(%dma_wait3A_140 : memref<80x16xf32, #tpu.memory_space<vmem_shared>>)
    %dma_wait3A_141 = arith.constant 0 : i32
    %dma_wait3A_142 = tpu.memref_slice %arg9[%add3A_53, %dma_wait3A_141] : memref<10240x128xf32, #tpu.memory_space<vmem_shared>> -> memref<80x128xf32, #tpu.memory_space<vmem_shared>>
    %dma_wait3A_143 = arith.constant 0 : i32
    %dma_wait3A_144 = tpu.memref_slice %arg9[%add3A_53, %dma_wait3A_143] : memref<10240x128xf32, #tpu.memory_space<vmem_shared>> -> memref<80x128xf32, #tpu.memory_space<vmem_shared>>
    tpu.wait_dma2 semaphore(%arg22 : memref<!tpu.dma_semaphore, #tpu.memory_space<semaphore_mem>>) src(%arg15 : memref<80x128xf32, #tpu.memory_space<vmem>>) dst(%dma_wait3A_144 : memref<80x128xf32, #tpu.memory_space<vmem_shared>>)
    %dma_wait3A_145 = arith.constant 0 : i32
    %dma_wait3A_146 = tpu.memref_slice %arg10[%add3A_59, %dma_wait3A_145] : memref<10240x16xf32, #tpu.memory_space<vmem_shared>> -> memref<80x16xf32, #tpu.memory_space<vmem_shared>>
    %dma_wait3A_147 = arith.constant 0 : i32
    %dma_wait3A_148 = tpu.memref_slice %arg10[%add3A_59, %dma_wait3A_147] : memref<10240x16xf32, #tpu.memory_space<vmem_shared>> -> memref<80x16xf32, #tpu.memory_space<vmem_shared>>
    tpu.wait_dma2 semaphore(%arg22 : memref<!tpu.dma_semaphore, #tpu.memory_space<semaphore_mem>>) src(%arg17 : memref<80x16xf32, #tpu.memory_space<vmem>>) dst(%dma_wait3A_148 : memref<80x16xf32, #tpu.memory_space<vmem_shared>>)
    %dma_wait3A_149 = arith.constant 0 : i32
    %dma_wait3A_150 = tpu.memref_slice %arg9[%add3A_65, %dma_wait3A_149] : memref<10240x128xf32, #tpu.memory_space<vmem_shared>> -> memref<80x128xf32, #tpu.memory_space<vmem_shared>>
    %dma_wait3A_151 = arith.constant 0 : i32
    %dma_wait3A_152 = tpu.memref_slice %arg9[%add3A_65, %dma_wait3A_151] : memref<10240x128xf32, #tpu.memory_space<vmem_shared>> -> memref<80x128xf32, #tpu.memory_space<vmem_shared>>
    tpu.wait_dma2 semaphore(%arg22 : memref<!tpu.dma_semaphore, #tpu.memory_space<semaphore_mem>>) src(%arg15 : memref<80x128xf32, #tpu.memory_space<vmem>>) dst(%dma_wait3A_152 : memref<80x128xf32, #tpu.memory_space<vmem_shared>>)
    %dma_wait3A_153 = arith.constant 0 : i32
    %dma_wait3A_154 = tpu.memref_slice %arg10[%add3A_71, %dma_wait3A_153] : memref<10240x16xf32, #tpu.memory_space<vmem_shared>> -> memref<80x16xf32, #tpu.memory_space<vmem_shared>>
    %dma_wait3A_155 = arith.constant 0 : i32
    %dma_wait3A_156 = tpu.memref_slice %arg10[%add3A_71, %dma_wait3A_155] : memref<10240x16xf32, #tpu.memory_space<vmem_shared>> -> memref<80x16xf32, #tpu.memory_space<vmem_shared>>
    tpu.wait_dma2 semaphore(%arg22 : memref<!tpu.dma_semaphore, #tpu.memory_space<semaphore_mem>>) src(%arg17 : memref<80x16xf32, #tpu.memory_space<vmem>>) dst(%dma_wait3A_156 : memref<80x16xf32, #tpu.memory_space<vmem_shared>>)
    %dma_wait3A_157 = arith.constant 0 : i32
    %dma_wait3A_158 = tpu.memref_slice %arg9[%add3A_77, %dma_wait3A_157] : memref<10240x128xf32, #tpu.memory_space<vmem_shared>> -> memref<80x128xf32, #tpu.memory_space<vmem_shared>>
    %dma_wait3A_159 = arith.constant 0 : i32
    %dma_wait3A_160 = tpu.memref_slice %arg9[%add3A_77, %dma_wait3A_159] : memref<10240x128xf32, #tpu.memory_space<vmem_shared>> -> memref<80x128xf32, #tpu.memory_space<vmem_shared>>
    tpu.wait_dma2 semaphore(%arg22 : memref<!tpu.dma_semaphore, #tpu.memory_space<semaphore_mem>>) src(%arg15 : memref<80x128xf32, #tpu.memory_space<vmem>>) dst(%dma_wait3A_160 : memref<80x128xf32, #tpu.memory_space<vmem_shared>>)
    %dma_wait3A_161 = arith.constant 0 : i32
    %dma_wait3A_162 = tpu.memref_slice %arg10[%add3A_83, %dma_wait3A_161] : memref<10240x16xf32, #tpu.memory_space<vmem_shared>> -> memref<80x16xf32, #tpu.memory_space<vmem_shared>>
    %dma_wait3A_163 = arith.constant 0 : i32
    %dma_wait3A_164 = tpu.memref_slice %arg10[%add3A_83, %dma_wait3A_163] : memref<10240x16xf32, #tpu.memory_space<vmem_shared>> -> memref<80x16xf32, #tpu.memory_space<vmem_shared>>
    tpu.wait_dma2 semaphore(%arg22 : memref<!tpu.dma_semaphore, #tpu.memory_space<semaphore_mem>>) src(%arg17 : memref<80x16xf32, #tpu.memory_space<vmem>>) dst(%dma_wait3A_164 : memref<80x16xf32, #tpu.memory_space<vmem_shared>>)
    %dma_wait3A_165 = arith.constant 0 : i32
    %dma_wait3A_166 = tpu.memref_slice %arg9[%add3A_89, %dma_wait3A_165] : memref<10240x128xf32, #tpu.memory_space<vmem_shared>> -> memref<80x128xf32, #tpu.memory_space<vmem_shared>>
    %dma_wait3A_167 = arith.constant 0 : i32
    %dma_wait3A_168 = tpu.memref_slice %arg9[%add3A_89, %dma_wait3A_167] : memref<10240x128xf32, #tpu.memory_space<vmem_shared>> -> memref<80x128xf32, #tpu.memory_space<vmem_shared>>
    tpu.wait_dma2 semaphore(%arg22 : memref<!tpu.dma_semaphore, #tpu.memory_space<semaphore_mem>>) src(%arg15 : memref<80x128xf32, #tpu.memory_space<vmem>>) dst(%dma_wait3A_168 : memref<80x128xf32, #tpu.memory_space<vmem_shared>>)
    %dma_wait3A_169 = arith.constant 0 : i32
    %dma_wait3A_170 = tpu.memref_slice %arg10[%add3A_95, %dma_wait3A_169] : memref<10240x16xf32, #tpu.memory_space<vmem_shared>> -> memref<80x16xf32, #tpu.memory_space<vmem_shared>>
    %dma_wait3A_171 = arith.constant 0 : i32
    %dma_wait3A_172 = tpu.memref_slice %arg10[%add3A_95, %dma_wait3A_171] : memref<10240x16xf32, #tpu.memory_space<vmem_shared>> -> memref<80x16xf32, #tpu.memory_space<vmem_shared>>
    tpu.wait_dma2 semaphore(%arg22 : memref<!tpu.dma_semaphore, #tpu.memory_space<semaphore_mem>>) src(%arg17 : memref<80x16xf32, #tpu.memory_space<vmem>>) dst(%dma_wait3A_172 : memref<80x16xf32, #tpu.memory_space<vmem_shared>>)
    %dma_wait3A_173 = arith.constant 0 : i32
    %dma_wait3A_174 = tpu.memref_slice %arg3[%dma_wait3A_173, %mul3A_2] : memref<2x320000xi32, #tpu.memory_space<hbm>> -> memref<1x2000xi32, #tpu.memory_space<hbm>>
    %dma_wait3A_175 = tpu.memref_squeeze %dma_wait3A_174 : memref<1x2000xi32, #tpu.memory_space<hbm>> -> memref<2000xi32, #tpu.memory_space<hbm>>
    %dma_wait3A_176 = tpu.memref_slice %arg3[%dma_wait3A_173, %mul3A_2] : memref<2x320000xi32, #tpu.memory_space<hbm>> -> memref<1x2000xi32, #tpu.memory_space<hbm>>
    %dma_wait3A_177 = tpu.memref_squeeze %dma_wait3A_176 : memref<1x2000xi32, #tpu.memory_space<hbm>> -> memref<2000xi32, #tpu.memory_space<hbm>>
    tpu.wait_dma2 semaphore(%arg21 : memref<!tpu.dma_semaphore, #tpu.memory_space<semaphore_mem>>) src(%dma_wait3A_177 : memref<2000xi32, #tpu.memory_space<hbm>>) dst(%arg11 : memref<2000xi32, #tpu.memory_space<vmem>>)
    %dma_wait3A_178 = arith.constant 1 : i32
    %dma_wait3A_179 = tpu.memref_slice %arg3[%dma_wait3A_178, %mul3A_2] : memref<2x320000xi32, #tpu.memory_space<hbm>> -> memref<1x2000xi32, #tpu.memory_space<hbm>>
    %dma_wait3A_180 = tpu.memref_squeeze %dma_wait3A_179 : memref<1x2000xi32, #tpu.memory_space<hbm>> -> memref<2000xi32, #tpu.memory_space<hbm>>
    %dma_wait3A_181 = tpu.memref_slice %arg3[%dma_wait3A_178, %mul3A_2] : memref<2x320000xi32, #tpu.memory_space<hbm>> -> memref<1x2000xi32, #tpu.memory_space<hbm>>
    %dma_wait3A_182 = tpu.memref_squeeze %dma_wait3A_181 : memref<1x2000xi32, #tpu.memory_space<hbm>> -> memref<2000xi32, #tpu.memory_space<hbm>>
    tpu.wait_dma2 semaphore(%arg21 : memref<!tpu.dma_semaphore, #tpu.memory_space<semaphore_mem>>) src(%dma_wait3A_182 : memref<2000xi32, #tpu.memory_space<hbm>>) dst(%arg12 : memref<2000xi32, #tpu.memory_space<vmem>>)
    %dma_start3A_183 = arith.constant 0 : i32
    %dma_start3A_184 = tpu.memref_slice %arg11[%dma_start3A_183] : memref<2000xi32, #tpu.memory_space<vmem>> -> memref<80xi32, #tpu.memory_space<vmem>>
    %dma_start3A_185 = arith.constant 0 : i32
    %dma_start3A_186 = arith.constant 0 : i32
    %dma_start3A_187 = tpu.memref_slice %arg2[%dma_start3A_185, %dma_start3A_186] : memref<10000x128xf32, #tpu.memory_space<hbm>> -> memref<10000x128xf32, #tpu.memory_space<hbm>>
    tpu.enqueue_indirect_dma source(%dma_start3A_187 : memref<10000x128xf32, #tpu.memory_space<hbm>>) target(%arg15 : memref<80x128xf32, #tpu.memory_space<vmem>>) offsets(%dma_start3A_184 : memref<80xi32, #tpu.memory_space<vmem>>) semaphore(%arg19 : memref<!tpu.dma_semaphore, #tpu.memory_space<semaphore_mem>>)
    %barrier3A = arith.constant 0 : index
    tpu.barrier barrier_id(%barrier3A)
    %add3A_188 = arith.constant 2000 : i32
    %add3A_189 = arith.addi %mul3A_2, %add3A_188 : i32
    %dma_start3A_190 = arith.constant 0 : i32
    %dma_start3A_191 = tpu.memref_slice %arg3[%dma_start3A_190, %add3A_189] : memref<2x320000xi32, #tpu.memory_space<hbm>> -> memref<1x2000xi32, #tpu.memory_space<hbm>>
    %dma_start3A_192 = tpu.memref_squeeze %dma_start3A_191 : memref<1x2000xi32, #tpu.memory_space<hbm>> -> memref<2000xi32, #tpu.memory_space<hbm>>
    %dma_start3A_193 = tpu.memref_slice %arg3[%dma_start3A_190, %add3A_189] : memref<2x320000xi32, #tpu.memory_space<hbm>> -> memref<1x2000xi32, #tpu.memory_space<hbm>>
    %dma_start3A_194 = tpu.memref_squeeze %dma_start3A_193 : memref<1x2000xi32, #tpu.memory_space<hbm>> -> memref<2000xi32, #tpu.memory_space<hbm>>
    tpu.enqueue_dma source(%dma_start3A_194 : memref<2000xi32, #tpu.memory_space<hbm>>) target(%arg13 : memref<2000xi32, #tpu.memory_space<vmem>>) target_semaphore(%arg21 : memref<!tpu.dma_semaphore, #tpu.memory_space<semaphore_mem>>)
    %dma_start3A_195 = arith.constant 1 : i32
    %dma_start3A_196 = tpu.memref_slice %arg3[%dma_start3A_195, %add3A_189] : memref<2x320000xi32, #tpu.memory_space<hbm>> -> memref<1x2000xi32, #tpu.memory_space<hbm>>
    %dma_start3A_197 = tpu.memref_squeeze %dma_start3A_196 : memref<1x2000xi32, #tpu.memory_space<hbm>> -> memref<2000xi32, #tpu.memory_space<hbm>>
    %dma_start3A_198 = tpu.memref_slice %arg3[%dma_start3A_195, %add3A_189] : memref<2x320000xi32, #tpu.memory_space<hbm>> -> memref<1x2000xi32, #tpu.memory_space<hbm>>
    %dma_start3A_199 = tpu.memref_squeeze %dma_start3A_198 : memref<1x2000xi32, #tpu.memory_space<hbm>> -> memref<2000xi32, #tpu.memory_space<hbm>>
    tpu.enqueue_dma source(%dma_start3A_199 : memref<2000xi32, #tpu.memory_space<hbm>>) target(%arg14 : memref<2000xi32, #tpu.memory_space<vmem>>) target_semaphore(%arg21 : memref<!tpu.dma_semaphore, #tpu.memory_space<semaphore_mem>>)
    %scan3A = arith.constant 0 : i32
    %scan3A_200 = arith.constant 0 : i32
    %scan3A_201 = arith.constant 12 : i32
    %scan3A_202 = arith.addi %scan3A_200, %scan3A_201 : i32
    %scan3A_203 = arith.constant 1 : i32
    scf.for %scan3A_659 = %scan3A_200 to %scan3A_202 step %scan3A_203  : i32 {
      %mul3A_660 = arith.constant 2 : i32
      %mul3A_661 = arith.muli %mul3A_660, %scan3A_659 : i32
      %add3A_662 = arith.constant 1 : i32
      %add3A_663 = arith.addi %mul3A_661, %add3A_662 : i32
      %mul3A_664 = arith.constant 80 : i32
      %mul3A_665 = arith.muli %add3A_663, %mul3A_664 : i32
      %dma_start3A_666 = tpu.memref_slice %arg11[%mul3A_665] : memref<2000xi32, #tpu.memory_space<vmem>> -> memref<80xi32, #tpu.memory_space<vmem>>
      %dma_start3A_667 = arith.constant 0 : i32
      %dma_start3A_668 = arith.constant 0 : i32
      %dma_start3A_669 = tpu.memref_slice %arg2[%dma_start3A_667, %dma_start3A_668] : memref<10000x128xf32, #tpu.memory_space<hbm>> -> memref<10000x128xf32, #tpu.memory_space<hbm>>
      tpu.enqueue_indirect_dma source(%dma_start3A_669 : memref<10000x128xf32, #tpu.memory_space<hbm>>) target(%arg16 : memref<80x128xf32, #tpu.memory_space<vmem>>) offsets(%dma_start3A_666 : memref<80xi32, #tpu.memory_space<vmem>>) semaphore(%arg20 : memref<!tpu.dma_semaphore, #tpu.memory_space<semaphore_mem>>)
      %dma_wait3A_670 = arith.constant 0 : i32
      %dma_wait3A_671 = tpu.memref_slice %arg11[%dma_wait3A_670] : memref<2000xi32, #tpu.memory_space<vmem>> -> memref<80xi32, #tpu.memory_space<vmem>>
      %dma_wait3A_672 = arith.constant 0 : i32
      %dma_wait3A_673 = arith.constant 0 : i32
      %dma_wait3A_674 = tpu.memref_slice %arg2[%dma_wait3A_672, %dma_wait3A_673] : memref<10000x128xf32, #tpu.memory_space<hbm>> -> memref<10000x128xf32, #tpu.memory_space<hbm>>
      tpu.wait_indirect_dma semaphore(%arg19 : memref<!tpu.dma_semaphore, #tpu.memory_space<semaphore_mem>>) src(%dma_wait3A_674 : memref<10000x128xf32, #tpu.memory_space<hbm>>) dst(%arg15 : memref<80x128xf32, #tpu.memory_space<vmem>>)
      %mul3A_675 = arith.constant 80 : i32
      %mul3A_676 = arith.muli %mul3A_661, %mul3A_675 : i32
      "tpu.region"() ({
        %run_scoped3A = tpu.sem_alloc : memref<!tpu.dma_semaphore, #tpu.memory_space<semaphore_mem>>
        %dma_start3A_715 = tpu.memref_slice %arg12[%mul3A_676] : memref<2000xi32, #tpu.memory_space<vmem>> -> memref<80xi32, #tpu.memory_space<vmem>>
        %dma_start3A_716 = arith.constant 0 : i32
        %dma_start3A_717 = arith.constant 0 : i32
        %dma_start3A_718 = tpu.memref_slice %arg9[%dma_start3A_716, %dma_start3A_717] : memref<10240x128xf32, #tpu.memory_space<vmem_shared>> -> memref<10240x128xf32, #tpu.memory_space<vmem_shared>>
        tpu.enqueue_indirect_dma source(%arg15 : memref<80x128xf32, #tpu.memory_space<vmem>>) target(%dma_start3A_718 : memref<10240x128xf32, #tpu.memory_space<vmem_shared>>) offsets(%dma_start3A_715 : memref<80xi32, #tpu.memory_space<vmem>>) semaphore(%run_scoped3A : memref<!tpu.dma_semaphore, #tpu.memory_space<semaphore_mem>>) {add = true}
        %dma_wait3A_719 = tpu.memref_slice %arg12[%mul3A_676] : memref<2000xi32, #tpu.memory_space<vmem>> -> memref<80xi32, #tpu.memory_space<vmem>>
        %dma_wait3A_720 = arith.constant 0 : i32
        %dma_wait3A_721 = arith.constant 0 : i32
        %dma_wait3A_722 = tpu.memref_slice %arg9[%dma_wait3A_720, %dma_wait3A_721] : memref<10240x128xf32, #tpu.memory_space<vmem_shared>> -> memref<10240x128xf32, #tpu.memory_space<vmem_shared>>
        tpu.wait_indirect_dma semaphore(%run_scoped3A : memref<!tpu.dma_semaphore, #tpu.memory_space<semaphore_mem>>) src(%arg15 : memref<80x128xf32, #tpu.memory_space<vmem>>) dst(%dma_wait3A_722 : memref<10240x128xf32, #tpu.memory_space<vmem_shared>>)
        tpu.yield
      }) : () -> ()
      %gt3A = arith.constant 0 : i32
      %gt3A_677 = arith.cmpi sgt, %scan3A_659, %gt3A : i32
      %convert_element_type3A = arith.extui %gt3A_677 : i1 to i32
      %cond3A = arith.constant 0 : i32
      %cond3A_678 = arith.cmpi ne, %convert_element_type3A, %cond3A : i32
      scf.if %cond3A_678 {
        %dma_wait3A_715 = arith.constant 0 : i32
        %dma_wait3A_716 = tpu.memref_slice %arg12[%dma_wait3A_715] : memref<2000xi32, #tpu.memory_space<vmem>> -> memref<80xi32, #tpu.memory_space<vmem>>
        %dma_wait3A_717 = arith.constant 0 : i32
        %dma_wait3A_718 = arith.constant 0 : i32
        %dma_wait3A_719 = tpu.memref_slice %arg10[%dma_wait3A_717, %dma_wait3A_718] : memref<10240x16xf32, #tpu.memory_space<vmem_shared>> -> memref<10240x16xf32, #tpu.memory_space<vmem_shared>>
        tpu.wait_indirect_dma semaphore(%arg23 : memref<!tpu.dma_semaphore, #tpu.memory_space<semaphore_mem>>) src(%arg18 : memref<80x16xf32, #tpu.memory_space<vmem>>) dst(%dma_wait3A_719 : memref<10240x16xf32, #tpu.memory_space<vmem_shared>>)
      } else {
      }
      %mul3A_679 = arith.constant 80 : i32
      %mul3A_680 = arith.muli %mul3A_661, %mul3A_679 : i32
      %dma_start3A_681 = tpu.memref_slice %arg12[%mul3A_680] : memref<2000xi32, #tpu.memory_space<vmem>> -> memref<80xi32, #tpu.memory_space<vmem>>
      %dma_start3A_682 = arith.constant 0 : i32
      %dma_start3A_683 = arith.constant 0 : i32
      %dma_start3A_684 = tpu.memref_slice %arg10[%dma_start3A_682, %dma_start3A_683] : memref<10240x16xf32, #tpu.memory_space<vmem_shared>> -> memref<10240x16xf32, #tpu.memory_space<vmem_shared>>
      tpu.enqueue_indirect_dma source(%arg18 : memref<80x16xf32, #tpu.memory_space<vmem>>) target(%dma_start3A_684 : memref<10240x16xf32, #tpu.memory_space<vmem_shared>>) offsets(%dma_start3A_681 : memref<80xi32, #tpu.memory_space<vmem>>) semaphore(%arg23 : memref<!tpu.dma_semaphore, #tpu.memory_space<semaphore_mem>>) {add = true}
      %add3A_685 = arith.constant 2 : i32
      %add3A_686 = arith.addi %mul3A_661, %add3A_685 : i32
      %mul3A_687 = arith.constant 80 : i32
      %mul3A_688 = arith.muli %add3A_686, %mul3A_687 : i32
      %dma_start3A_689 = tpu.memref_slice %arg11[%mul3A_688] : memref<2000xi32, #tpu.memory_space<vmem>> -> memref<80xi32, #tpu.memory_space<vmem>>
      %dma_start3A_690 = arith.constant 0 : i32
      %dma_start3A_691 = arith.constant 0 : i32
      %dma_start3A_692 = tpu.memref_slice %arg2[%dma_start3A_690, %dma_start3A_691] : memref<10000x128xf32, #tpu.memory_space<hbm>> -> memref<10000x128xf32, #tpu.memory_space<hbm>>
      tpu.enqueue_indirect_dma source(%dma_start3A_692 : memref<10000x128xf32, #tpu.memory_space<hbm>>) target(%arg15 : memref<80x128xf32, #tpu.memory_space<vmem>>) offsets(%dma_start3A_689 : memref<80xi32, #tpu.memory_space<vmem>>) semaphore(%arg19 : memref<!tpu.dma_semaphore, #tpu.memory_space<semaphore_mem>>)
      %dma_wait3A_693 = arith.constant 0 : i32
      %dma_wait3A_694 = tpu.memref_slice %arg11[%dma_wait3A_693] : memref<2000xi32, #tpu.memory_space<vmem>> -> memref<80xi32, #tpu.memory_space<vmem>>
      %dma_wait3A_695 = arith.constant 0 : i32
      %dma_wait3A_696 = arith.constant 0 : i32
      %dma_wait3A_697 = tpu.memref_slice %arg2[%dma_wait3A_695, %dma_wait3A_696] : memref<10000x128xf32, #tpu.memory_space<hbm>> -> memref<10000x128xf32, #tpu.memory_space<hbm>>
      tpu.wait_indirect_dma semaphore(%arg20 : memref<!tpu.dma_semaphore, #tpu.memory_space<semaphore_mem>>) src(%dma_wait3A_697 : memref<10000x128xf32, #tpu.memory_space<hbm>>) dst(%arg16 : memref<80x128xf32, #tpu.memory_space<vmem>>)
      %add3A_698 = arith.constant 1 : i32
      %add3A_699 = arith.addi %mul3A_661, %add3A_698 : i32
      %mul3A_700 = arith.constant 80 : i32
      %mul3A_701 = arith.muli %add3A_699, %mul3A_700 : i32
      "tpu.region"() ({
        %run_scoped3A = tpu.sem_alloc : memref<!tpu.dma_semaphore, #tpu.memory_space<semaphore_mem>>
        %dma_start3A_715 = tpu.memref_slice %arg12[%mul3A_701] : memref<2000xi32, #tpu.memory_space<vmem>> -> memref<80xi32, #tpu.memory_space<vmem>>
        %dma_start3A_716 = arith.constant 0 : i32
        %dma_start3A_717 = arith.constant 0 : i32
        %dma_start3A_718 = tpu.memref_slice %arg9[%dma_start3A_716, %dma_start3A_717] : memref<10240x128xf32, #tpu.memory_space<vmem_shared>> -> memref<10240x128xf32, #tpu.memory_space<vmem_shared>>
        tpu.enqueue_indirect_dma source(%arg16 : memref<80x128xf32, #tpu.memory_space<vmem>>) target(%dma_start3A_718 : memref<10240x128xf32, #tpu.memory_space<vmem_shared>>) offsets(%dma_start3A_715 : memref<80xi32, #tpu.memory_space<vmem>>) semaphore(%run_scoped3A : memref<!tpu.dma_semaphore, #tpu.memory_space<semaphore_mem>>) {add = true}
        %dma_wait3A_719 = tpu.memref_slice %arg12[%mul3A_701] : memref<2000xi32, #tpu.memory_space<vmem>> -> memref<80xi32, #tpu.memory_space<vmem>>
        %dma_wait3A_720 = arith.constant 0 : i32
        %dma_wait3A_721 = arith.constant 0 : i32
        %dma_wait3A_722 = tpu.memref_slice %arg9[%dma_wait3A_720, %dma_wait3A_721] : memref<10240x128xf32, #tpu.memory_space<vmem_shared>> -> memref<10240x128xf32, #tpu.memory_space<vmem_shared>>
        tpu.wait_indirect_dma semaphore(%run_scoped3A : memref<!tpu.dma_semaphore, #tpu.memory_space<semaphore_mem>>) src(%arg16 : memref<80x128xf32, #tpu.memory_space<vmem>>) dst(%dma_wait3A_722 : memref<10240x128xf32, #tpu.memory_space<vmem_shared>>)
        tpu.yield
      }) : () -> ()
      %gt3A_702 = arith.constant 0 : i32
      %gt3A_703 = arith.cmpi sgt, %scan3A_659, %gt3A_702 : i32
      %convert_element_type3A_704 = arith.extui %gt3A_703 : i1 to i32
      %cond3A_705 = arith.constant 0 : i32
      %cond3A_706 = arith.cmpi ne, %convert_element_type3A_704, %cond3A_705 : i32
      scf.if %cond3A_706 {
        %dma_wait3A_715 = arith.constant 0 : i32
        %dma_wait3A_716 = tpu.memref_slice %arg12[%dma_wait3A_715] : memref<2000xi32, #tpu.memory_space<vmem>> -> memref<80xi32, #tpu.memory_space<vmem>>
        %dma_wait3A_717 = arith.constant 0 : i32
        %dma_wait3A_718 = arith.constant 0 : i32
        %dma_wait3A_719 = tpu.memref_slice %arg10[%dma_wait3A_717, %dma_wait3A_718] : memref<10240x16xf32, #tpu.memory_space<vmem_shared>> -> memref<10240x16xf32, #tpu.memory_space<vmem_shared>>
        tpu.wait_indirect_dma semaphore(%arg23 : memref<!tpu.dma_semaphore, #tpu.memory_space<semaphore_mem>>) src(%arg18 : memref<80x16xf32, #tpu.memory_space<vmem>>) dst(%dma_wait3A_719 : memref<10240x16xf32, #tpu.memory_space<vmem_shared>>)
      } else {
      }
      %add3A_707 = arith.constant 1 : i32
      %add3A_708 = arith.addi %mul3A_661, %add3A_707 : i32
      %mul3A_709 = arith.constant 80 : i32
      %mul3A_710 = arith.muli %add3A_708, %mul3A_709 : i32
      %dma_start3A_711 = tpu.memref_slice %arg12[%mul3A_710] : memref<2000xi32, #tpu.memory_space<vmem>> -> memref<80xi32, #tpu.memory_space<vmem>>
      %dma_start3A_712 = arith.constant 0 : i32
      %dma_start3A_713 = arith.constant 0 : i32
      %dma_start3A_714 = tpu.memref_slice %arg10[%dma_start3A_712, %dma_start3A_713] : memref<10240x16xf32, #tpu.memory_space<vmem_shared>> -> memref<10240x16xf32, #tpu.memory_space<vmem_shared>>
      tpu.enqueue_indirect_dma source(%arg18 : memref<80x16xf32, #tpu.memory_space<vmem>>) target(%dma_start3A_714 : memref<10240x16xf32, #tpu.memory_space<vmem_shared>>) offsets(%dma_start3A_711 : memref<80xi32, #tpu.memory_space<vmem>>) semaphore(%arg23 : memref<!tpu.dma_semaphore, #tpu.memory_space<semaphore_mem>>) {add = true}
    }
    %scan3A_204 = arith.constant 12 : i32
    %dma_wait3A_205 = arith.constant 0 : i32
    %dma_wait3A_206 = tpu.memref_slice %arg12[%dma_wait3A_205] : memref<2000xi32, #tpu.memory_space<vmem>> -> memref<80xi32, #tpu.memory_space<vmem>>
    %dma_wait3A_207 = arith.constant 0 : i32
    %dma_wait3A_208 = arith.constant 0 : i32
    %dma_wait3A_209 = tpu.memref_slice %arg10[%dma_wait3A_207, %dma_wait3A_208] : memref<10240x16xf32, #tpu.memory_space<vmem_shared>> -> memref<10240x16xf32, #tpu.memory_space<vmem_shared>>
    tpu.wait_indirect_dma semaphore(%arg23 : memref<!tpu.dma_semaphore, #tpu.memory_space<semaphore_mem>>) src(%arg18 : memref<80x16xf32, #tpu.memory_space<vmem>>) dst(%dma_wait3A_209 : memref<10240x16xf32, #tpu.memory_space<vmem_shared>>)
    %dma_wait3A_210 = arith.constant 0 : i32
    %dma_wait3A_211 = tpu.memref_slice %arg12[%dma_wait3A_210] : memref<2000xi32, #tpu.memory_space<vmem>> -> memref<80xi32, #tpu.memory_space<vmem>>
    %dma_wait3A_212 = arith.constant 0 : i32
    %dma_wait3A_213 = arith.constant 0 : i32
    %dma_wait3A_214 = tpu.memref_slice %arg10[%dma_wait3A_212, %dma_wait3A_213] : memref<10240x16xf32, #tpu.memory_space<vmem_shared>> -> memref<10240x16xf32, #tpu.memory_space<vmem_shared>>
    tpu.wait_indirect_dma semaphore(%arg23 : memref<!tpu.dma_semaphore, #tpu.memory_space<semaphore_mem>>) src(%arg18 : memref<80x16xf32, #tpu.memory_space<vmem>>) dst(%dma_wait3A_214 : memref<10240x16xf32, #tpu.memory_space<vmem_shared>>)
    %dma_wait3A_215 = arith.constant 0 : i32
    %dma_wait3A_216 = tpu.memref_slice %arg3[%dma_wait3A_215, %add3A_189] : memref<2x320000xi32, #tpu.memory_space<hbm>> -> memref<1x2000xi32, #tpu.memory_space<hbm>>
    %dma_wait3A_217 = tpu.memref_squeeze %dma_wait3A_216 : memref<1x2000xi32, #tpu.memory_space<hbm>> -> memref<2000xi32, #tpu.memory_space<hbm>>
    %dma_wait3A_218 = tpu.memref_slice %arg3[%dma_wait3A_215, %add3A_189] : memref<2x320000xi32, #tpu.memory_space<hbm>> -> memref<1x2000xi32, #tpu.memory_space<hbm>>
    %dma_wait3A_219 = tpu.memref_squeeze %dma_wait3A_218 : memref<1x2000xi32, #tpu.memory_space<hbm>> -> memref<2000xi32, #tpu.memory_space<hbm>>
    tpu.wait_dma2 semaphore(%arg21 : memref<!tpu.dma_semaphore, #tpu.memory_space<semaphore_mem>>) src(%dma_wait3A_219 : memref<2000xi32, #tpu.memory_space<hbm>>) dst(%arg13 : memref<2000xi32, #tpu.memory_space<vmem>>)
    %dma_wait3A_220 = arith.constant 1 : i32
    %dma_wait3A_221 = tpu.memref_slice %arg3[%dma_wait3A_220, %add3A_189] : memref<2x320000xi32, #tpu.memory_space<hbm>> -> memref<1x2000xi32, #tpu.memory_space<hbm>>
    %dma_wait3A_222 = tpu.memref_squeeze %dma_wait3A_221 : memref<1x2000xi32, #tpu.memory_space<hbm>> -> memref<2000xi32, #tpu.memory_space<hbm>>
    %dma_wait3A_223 = tpu.memref_slice %arg3[%dma_wait3A_220, %add3A_189] : memref<2x320000xi32, #tpu.memory_space<hbm>> -> memref<1x2000xi32, #tpu.memory_space<hbm>>
    %dma_wait3A_224 = tpu.memref_squeeze %dma_wait3A_223 : memref<1x2000xi32, #tpu.memory_space<hbm>> -> memref<2000xi32, #tpu.memory_space<hbm>>
    tpu.wait_dma2 semaphore(%arg21 : memref<!tpu.dma_semaphore, #tpu.memory_space<semaphore_mem>>) src(%dma_wait3A_224 : memref<2000xi32, #tpu.memory_space<hbm>>) dst(%arg14 : memref<2000xi32, #tpu.memory_space<vmem>>)
    %dma_wait3A_225 = arith.constant 0 : i32
    %dma_wait3A_226 = tpu.memref_slice %arg11[%dma_wait3A_225] : memref<2000xi32, #tpu.memory_space<vmem>> -> memref<80xi32, #tpu.memory_space<vmem>>
    %dma_wait3A_227 = arith.constant 0 : i32
    %dma_wait3A_228 = arith.constant 0 : i32
    %dma_wait3A_229 = tpu.memref_slice %arg2[%dma_wait3A_227, %dma_wait3A_228] : memref<10000x128xf32, #tpu.memory_space<hbm>> -> memref<10000x128xf32, #tpu.memory_space<hbm>>
    tpu.wait_indirect_dma semaphore(%arg19 : memref<!tpu.dma_semaphore, #tpu.memory_space<semaphore_mem>>) src(%dma_wait3A_229 : memref<10000x128xf32, #tpu.memory_space<hbm>>) dst(%arg15 : memref<80x128xf32, #tpu.memory_space<vmem>>)
    %dma_start3A_230 = arith.constant 0 : i32
    %dma_start3A_231 = tpu.memref_slice %arg13[%dma_start3A_230] : memref<2000xi32, #tpu.memory_space<vmem>> -> memref<80xi32, #tpu.memory_space<vmem>>
    %dma_start3A_232 = arith.constant 0 : i32
    %dma_start3A_233 = arith.constant 0 : i32
    %dma_start3A_234 = tpu.memref_slice %arg2[%dma_start3A_232, %dma_start3A_233] : memref<10000x128xf32, #tpu.memory_space<hbm>> -> memref<10000x128xf32, #tpu.memory_space<hbm>>
    tpu.enqueue_indirect_dma source(%dma_start3A_234 : memref<10000x128xf32, #tpu.memory_space<hbm>>) target(%arg16 : memref<80x128xf32, #tpu.memory_space<vmem>>) offsets(%dma_start3A_231 : memref<80xi32, #tpu.memory_space<vmem>>) semaphore(%arg20 : memref<!tpu.dma_semaphore, #tpu.memory_space<semaphore_mem>>)
    "tpu.region"() ({
      %run_scoped3A = tpu.sem_alloc : memref<!tpu.dma_semaphore, #tpu.memory_space<semaphore_mem>>
      %dma_start3A_659 = arith.constant 1920 : i32
      %dma_start3A_660 = tpu.memref_slice %arg12[%dma_start3A_659] : memref<2000xi32, #tpu.memory_space<vmem>> -> memref<80xi32, #tpu.memory_space<vmem>>
      %dma_start3A_661 = arith.constant 0 : i32
      %dma_start3A_662 = arith.constant 0 : i32
      %dma_start3A_663 = tpu.memref_slice %arg9[%dma_start3A_661, %dma_start3A_662] : memref<10240x128xf32, #tpu.memory_space<vmem_shared>> -> memref<10240x128xf32, #tpu.memory_space<vmem_shared>>
      tpu.enqueue_indirect_dma source(%arg15 : memref<80x128xf32, #tpu.memory_space<vmem>>) target(%dma_start3A_663 : memref<10240x128xf32, #tpu.memory_space<vmem_shared>>) offsets(%dma_start3A_660 : memref<80xi32, #tpu.memory_space<vmem>>) semaphore(%run_scoped3A : memref<!tpu.dma_semaphore, #tpu.memory_space<semaphore_mem>>) {add = true}
      %dma_wait3A_664 = arith.constant 1920 : i32
      %dma_wait3A_665 = tpu.memref_slice %arg12[%dma_wait3A_664] : memref<2000xi32, #tpu.memory_space<vmem>> -> memref<80xi32, #tpu.memory_space<vmem>>
      %dma_wait3A_666 = arith.constant 0 : i32
      %dma_wait3A_667 = arith.constant 0 : i32
      %dma_wait3A_668 = tpu.memref_slice %arg9[%dma_wait3A_666, %dma_wait3A_667] : memref<10240x128xf32, #tpu.memory_space<vmem_shared>> -> memref<10240x128xf32, #tpu.memory_space<vmem_shared>>
      tpu.wait_indirect_dma semaphore(%run_scoped3A : memref<!tpu.dma_semaphore, #tpu.memory_space<semaphore_mem>>) src(%arg15 : memref<80x128xf32, #tpu.memory_space<vmem>>) dst(%dma_wait3A_668 : memref<10240x128xf32, #tpu.memory_space<vmem_shared>>)
      tpu.yield
    }) : () -> ()
    %dma_start3A_235 = arith.constant 1920 : i32
    %dma_start3A_236 = tpu.memref_slice %arg12[%dma_start3A_235] : memref<2000xi32, #tpu.memory_space<vmem>> -> memref<80xi32, #tpu.memory_space<vmem>>
    %dma_start3A_237 = arith.constant 0 : i32
    %dma_start3A_238 = arith.constant 0 : i32
    %dma_start3A_239 = tpu.memref_slice %arg10[%dma_start3A_237, %dma_start3A_238] : memref<10240x16xf32, #tpu.memory_space<vmem_shared>> -> memref<10240x16xf32, #tpu.memory_space<vmem_shared>>
    tpu.enqueue_indirect_dma source(%arg18 : memref<80x16xf32, #tpu.memory_space<vmem>>) target(%dma_start3A_239 : memref<10240x16xf32, #tpu.memory_space<vmem_shared>>) offsets(%dma_start3A_236 : memref<80xi32, #tpu.memory_space<vmem>>) semaphore(%arg23 : memref<!tpu.dma_semaphore, #tpu.memory_space<semaphore_mem>>) {add = true}
    %dma_wait3A_240 = arith.constant 0 : i32
    %dma_wait3A_241 = tpu.memref_slice %arg12[%dma_wait3A_240] : memref<2000xi32, #tpu.memory_space<vmem>> -> memref<80xi32, #tpu.memory_space<vmem>>
    %dma_wait3A_242 = arith.constant 0 : i32
    %dma_wait3A_243 = arith.constant 0 : i32
    %dma_wait3A_244 = tpu.memref_slice %arg10[%dma_wait3A_242, %dma_wait3A_243] : memref<10240x16xf32, #tpu.memory_space<vmem_shared>> -> memref<10240x16xf32, #tpu.memory_space<vmem_shared>>
    tpu.wait_indirect_dma semaphore(%arg23 : memref<!tpu.dma_semaphore, #tpu.memory_space<semaphore_mem>>) src(%arg18 : memref<80x16xf32, #tpu.memory_space<vmem>>) dst(%dma_wait3A_244 : memref<10240x16xf32, #tpu.memory_space<vmem_shared>>)
    %add3A_245 = arith.constant 4000 : i32
    %add3A_246 = arith.addi %mul3A_2, %add3A_245 : i32
    %dma_start3A_247 = arith.constant 0 : i32
    %dma_start3A_248 = tpu.memref_slice %arg3[%dma_start3A_247, %add3A_246] : memref<2x320000xi32, #tpu.memory_space<hbm>> -> memref<1x2000xi32, #tpu.memory_space<hbm>>
    %dma_start3A_249 = tpu.memref_squeeze %dma_start3A_248 : memref<1x2000xi32, #tpu.memory_space<hbm>> -> memref<2000xi32, #tpu.memory_space<hbm>>
    %dma_start3A_250 = tpu.memref_slice %arg3[%dma_start3A_247, %add3A_246] : memref<2x320000xi32, #tpu.memory_space<hbm>> -> memref<1x2000xi32, #tpu.memory_space<hbm>>
    %dma_start3A_251 = tpu.memref_squeeze %dma_start3A_250 : memref<1x2000xi32, #tpu.memory_space<hbm>> -> memref<2000xi32, #tpu.memory_space<hbm>>
    tpu.enqueue_dma source(%dma_start3A_251 : memref<2000xi32, #tpu.memory_space<hbm>>) target(%arg11 : memref<2000xi32, #tpu.memory_space<vmem>>) target_semaphore(%arg21 : memref<!tpu.dma_semaphore, #tpu.memory_space<semaphore_mem>>)
    %dma_start3A_252 = arith.constant 1 : i32
    %dma_start3A_253 = tpu.memref_slice %arg3[%dma_start3A_252, %add3A_246] : memref<2x320000xi32, #tpu.memory_space<hbm>> -> memref<1x2000xi32, #tpu.memory_space<hbm>>
    %dma_start3A_254 = tpu.memref_squeeze %dma_start3A_253 : memref<1x2000xi32, #tpu.memory_space<hbm>> -> memref<2000xi32, #tpu.memory_space<hbm>>
    %dma_start3A_255 = tpu.memref_slice %arg3[%dma_start3A_252, %add3A_246] : memref<2x320000xi32, #tpu.memory_space<hbm>> -> memref<1x2000xi32, #tpu.memory_space<hbm>>
    %dma_start3A_256 = tpu.memref_squeeze %dma_start3A_255 : memref<1x2000xi32, #tpu.memory_space<hbm>> -> memref<2000xi32, #tpu.memory_space<hbm>>
    tpu.enqueue_dma source(%dma_start3A_256 : memref<2000xi32, #tpu.memory_space<hbm>>) target(%arg12 : memref<2000xi32, #tpu.memory_space<vmem>>) target_semaphore(%arg21 : memref<!tpu.dma_semaphore, #tpu.memory_space<semaphore_mem>>)
    %scan3A_257 = arith.constant 0 : i32
    %scan3A_258 = arith.constant 0 : i32
    %scan3A_259 = arith.constant 12 : i32
    %scan3A_260 = arith.addi %scan3A_258, %scan3A_259 : i32
    %scan3A_261 = arith.constant 1 : i32
    scf.for %scan3A_659 = %scan3A_258 to %scan3A_260 step %scan3A_261  : i32 {
      %mul3A_660 = arith.constant 2 : i32
      %mul3A_661 = arith.muli %mul3A_660, %scan3A_659 : i32
      %add3A_662 = arith.constant 1 : i32
      %add3A_663 = arith.addi %mul3A_661, %add3A_662 : i32
      %mul3A_664 = arith.constant 80 : i32
      %mul3A_665 = arith.muli %add3A_663, %mul3A_664 : i32
      %dma_start3A_666 = tpu.memref_slice %arg13[%mul3A_665] : memref<2000xi32, #tpu.memory_space<vmem>> -> memref<80xi32, #tpu.memory_space<vmem>>
      %dma_start3A_667 = arith.constant 0 : i32
      %dma_start3A_668 = arith.constant 0 : i32
      %dma_start3A_669 = tpu.memref_slice %arg2[%dma_start3A_667, %dma_start3A_668] : memref<10000x128xf32, #tpu.memory_space<hbm>> -> memref<10000x128xf32, #tpu.memory_space<hbm>>
      tpu.enqueue_indirect_dma source(%dma_start3A_669 : memref<10000x128xf32, #tpu.memory_space<hbm>>) target(%arg15 : memref<80x128xf32, #tpu.memory_space<vmem>>) offsets(%dma_start3A_666 : memref<80xi32, #tpu.memory_space<vmem>>) semaphore(%arg19 : memref<!tpu.dma_semaphore, #tpu.memory_space<semaphore_mem>>)
      %dma_wait3A_670 = arith.constant 0 : i32
      %dma_wait3A_671 = tpu.memref_slice %arg13[%dma_wait3A_670] : memref<2000xi32, #tpu.memory_space<vmem>> -> memref<80xi32, #tpu.memory_space<vmem>>
      %dma_wait3A_672 = arith.constant 0 : i32
      %dma_wait3A_673 = arith.constant 0 : i32
      %dma_wait3A_674 = tpu.memref_slice %arg2[%dma_wait3A_672, %dma_wait3A_673] : memref<10000x128xf32, #tpu.memory_space<hbm>> -> memref<10000x128xf32, #tpu.memory_space<hbm>>
      tpu.wait_indirect_dma semaphore(%arg20 : memref<!tpu.dma_semaphore, #tpu.memory_space<semaphore_mem>>) src(%dma_wait3A_674 : memref<10000x128xf32, #tpu.memory_space<hbm>>) dst(%arg16 : memref<80x128xf32, #tpu.memory_space<vmem>>)
      %mul3A_675 = arith.constant 80 : i32
      %mul3A_676 = arith.muli %mul3A_661, %mul3A_675 : i32
      "tpu.region"() ({
        %run_scoped3A = tpu.sem_alloc : memref<!tpu.dma_semaphore, #tpu.memory_space<semaphore_mem>>
        %dma_start3A_715 = tpu.memref_slice %arg14[%mul3A_676] : memref<2000xi32, #tpu.memory_space<vmem>> -> memref<80xi32, #tpu.memory_space<vmem>>
        %dma_start3A_716 = arith.constant 0 : i32
        %dma_start3A_717 = arith.constant 0 : i32
        %dma_start3A_718 = tpu.memref_slice %arg9[%dma_start3A_716, %dma_start3A_717] : memref<10240x128xf32, #tpu.memory_space<vmem_shared>> -> memref<10240x128xf32, #tpu.memory_space<vmem_shared>>
        tpu.enqueue_indirect_dma source(%arg16 : memref<80x128xf32, #tpu.memory_space<vmem>>) target(%dma_start3A_718 : memref<10240x128xf32, #tpu.memory_space<vmem_shared>>) offsets(%dma_start3A_715 : memref<80xi32, #tpu.memory_space<vmem>>) semaphore(%run_scoped3A : memref<!tpu.dma_semaphore, #tpu.memory_space<semaphore_mem>>) {add = true}
        %dma_wait3A_719 = tpu.memref_slice %arg14[%mul3A_676] : memref<2000xi32, #tpu.memory_space<vmem>> -> memref<80xi32, #tpu.memory_space<vmem>>
        %dma_wait3A_720 = arith.constant 0 : i32
        %dma_wait3A_721 = arith.constant 0 : i32
        %dma_wait3A_722 = tpu.memref_slice %arg9[%dma_wait3A_720, %dma_wait3A_721] : memref<10240x128xf32, #tpu.memory_space<vmem_shared>> -> memref<10240x128xf32, #tpu.memory_space<vmem_shared>>
        tpu.wait_indirect_dma semaphore(%run_scoped3A : memref<!tpu.dma_semaphore, #tpu.memory_space<semaphore_mem>>) src(%arg16 : memref<80x128xf32, #tpu.memory_space<vmem>>) dst(%dma_wait3A_722 : memref<10240x128xf32, #tpu.memory_space<vmem_shared>>)
        tpu.yield
      }) : () -> ()
      %gt3A = arith.constant 0 : i32
      %gt3A_677 = arith.cmpi sgt, %scan3A_659, %gt3A : i32
      %convert_element_type3A = arith.extui %gt3A_677 : i1 to i32
      %cond3A = arith.constant 0 : i32
      %cond3A_678 = arith.cmpi ne, %convert_element_type3A, %cond3A : i32
      scf.if %cond3A_678 {
        %dma_wait3A_715 = arith.constant 0 : i32
        %dma_wait3A_716 = tpu.memref_slice %arg14[%dma_wait3A_715] : memref<2000xi32, #tpu.memory_space<vmem>> -> memref<80xi32, #tpu.memory_space<vmem>>
        %dma_wait3A_717 = arith.constant 0 : i32
        %dma_wait3A_718 = arith.constant 0 : i32
        %dma_wait3A_719 = tpu.memref_slice %arg10[%dma_wait3A_717, %dma_wait3A_718] : memref<10240x16xf32, #tpu.memory_space<vmem_shared>> -> memref<10240x16xf32, #tpu.memory_space<vmem_shared>>
        tpu.wait_indirect_dma semaphore(%arg23 : memref<!tpu.dma_semaphore, #tpu.memory_space<semaphore_mem>>) src(%arg18 : memref<80x16xf32, #tpu.memory_space<vmem>>) dst(%dma_wait3A_719 : memref<10240x16xf32, #tpu.memory_space<vmem_shared>>)
      } else {
      }
      %mul3A_679 = arith.constant 80 : i32
      %mul3A_680 = arith.muli %mul3A_661, %mul3A_679 : i32
      %dma_start3A_681 = tpu.memref_slice %arg14[%mul3A_680] : memref<2000xi32, #tpu.memory_space<vmem>> -> memref<80xi32, #tpu.memory_space<vmem>>
      %dma_start3A_682 = arith.constant 0 : i32
      %dma_start3A_683 = arith.constant 0 : i32
      %dma_start3A_684 = tpu.memref_slice %arg10[%dma_start3A_682, %dma_start3A_683] : memref<10240x16xf32, #tpu.memory_space<vmem_shared>> -> memref<10240x16xf32, #tpu.memory_space<vmem_shared>>
      tpu.enqueue_indirect_dma source(%arg18 : memref<80x16xf32, #tpu.memory_space<vmem>>) target(%dma_start3A_684 : memref<10240x16xf32, #tpu.memory_space<vmem_shared>>) offsets(%dma_start3A_681 : memref<80xi32, #tpu.memory_space<vmem>>) semaphore(%arg23 : memref<!tpu.dma_semaphore, #tpu.memory_space<semaphore_mem>>) {add = true}
      %add3A_685 = arith.constant 2 : i32
      %add3A_686 = arith.addi %mul3A_661, %add3A_685 : i32
      %mul3A_687 = arith.constant 80 : i32
      %mul3A_688 = arith.muli %add3A_686, %mul3A_687 : i32
      %dma_start3A_689 = tpu.memref_slice %arg13[%mul3A_688] : memref<2000xi32, #tpu.memory_space<vmem>> -> memref<80xi32, #tpu.memory_space<vmem>>
      %dma_start3A_690 = arith.constant 0 : i32
      %dma_start3A_691 = arith.constant 0 : i32
      %dma_start3A_692 = tpu.memref_slice %arg2[%dma_start3A_690, %dma_start3A_691] : memref<10000x128xf32, #tpu.memory_space<hbm>> -> memref<10000x128xf32, #tpu.memory_space<hbm>>
      tpu.enqueue_indirect_dma source(%dma_start3A_692 : memref<10000x128xf32, #tpu.memory_space<hbm>>) target(%arg16 : memref<80x128xf32, #tpu.memory_space<vmem>>) offsets(%dma_start3A_689 : memref<80xi32, #tpu.memory_space<vmem>>) semaphore(%arg20 : memref<!tpu.dma_semaphore, #tpu.memory_space<semaphore_mem>>)
      %dma_wait3A_693 = arith.constant 0 : i32
      %dma_wait3A_694 = tpu.memref_slice %arg13[%dma_wait3A_693] : memref<2000xi32, #tpu.memory_space<vmem>> -> memref<80xi32, #tpu.memory_space<vmem>>
      %dma_wait3A_695 = arith.constant 0 : i32
      %dma_wait3A_696 = arith.constant 0 : i32
      %dma_wait3A_697 = tpu.memref_slice %arg2[%dma_wait3A_695, %dma_wait3A_696] : memref<10000x128xf32, #tpu.memory_space<hbm>> -> memref<10000x128xf32, #tpu.memory_space<hbm>>
      tpu.wait_indirect_dma semaphore(%arg19 : memref<!tpu.dma_semaphore, #tpu.memory_space<semaphore_mem>>) src(%dma_wait3A_697 : memref<10000x128xf32, #tpu.memory_space<hbm>>) dst(%arg15 : memref<80x128xf32, #tpu.memory_space<vmem>>)
      %add3A_698 = arith.constant 1 : i32
      %add3A_699 = arith.addi %mul3A_661, %add3A_698 : i32
      %mul3A_700 = arith.constant 80 : i32
      %mul3A_701 = arith.muli %add3A_699, %mul3A_700 : i32
      "tpu.region"() ({
        %run_scoped3A = tpu.sem_alloc : memref<!tpu.dma_semaphore, #tpu.memory_space<semaphore_mem>>
        %dma_start3A_715 = tpu.memref_slice %arg14[%mul3A_701] : memref<2000xi32, #tpu.memory_space<vmem>> -> memref<80xi32, #tpu.memory_space<vmem>>
        %dma_start3A_716 = arith.constant 0 : i32
        %dma_start3A_717 = arith.constant 0 : i32
        %dma_start3A_718 = tpu.memref_slice %arg9[%dma_start3A_716, %dma_start3A_717] : memref<10240x128xf32, #tpu.memory_space<vmem_shared>> -> memref<10240x128xf32, #tpu.memory_space<vmem_shared>>
        tpu.enqueue_indirect_dma source(%arg15 : memref<80x128xf32, #tpu.memory_space<vmem>>) target(%dma_start3A_718 : memref<10240x128xf32, #tpu.memory_space<vmem_shared>>) offsets(%dma_start3A_715 : memref<80xi32, #tpu.memory_space<vmem>>) semaphore(%run_scoped3A : memref<!tpu.dma_semaphore, #tpu.memory_space<semaphore_mem>>) {add = true}
        %dma_wait3A_719 = tpu.memref_slice %arg14[%mul3A_701] : memref<2000xi32, #tpu.memory_space<vmem>> -> memref<80xi32, #tpu.memory_space<vmem>>
        %dma_wait3A_720 = arith.constant 0 : i32
        %dma_wait3A_721 = arith.constant 0 : i32
        %dma_wait3A_722 = tpu.memref_slice %arg9[%dma_wait3A_720, %dma_wait3A_721] : memref<10240x128xf32, #tpu.memory_space<vmem_shared>> -> memref<10240x128xf32, #tpu.memory_space<vmem_shared>>
        tpu.wait_indirect_dma semaphore(%run_scoped3A : memref<!tpu.dma_semaphore, #tpu.memory_space<semaphore_mem>>) src(%arg15 : memref<80x128xf32, #tpu.memory_space<vmem>>) dst(%dma_wait3A_722 : memref<10240x128xf32, #tpu.memory_space<vmem_shared>>)
        tpu.yield
      }) : () -> ()
      %gt3A_702 = arith.constant 0 : i32
      %gt3A_703 = arith.cmpi sgt, %scan3A_659, %gt3A_702 : i32
      %convert_element_type3A_704 = arith.extui %gt3A_703 : i1 to i32
      %cond3A_705 = arith.constant 0 : i32
      %cond3A_706 = arith.cmpi ne, %convert_element_type3A_704, %cond3A_705 : i32
      scf.if %cond3A_706 {
        %dma_wait3A_715 = arith.constant 0 : i32
        %dma_wait3A_716 = tpu.memref_slice %arg14[%dma_wait3A_715] : memref<2000xi32, #tpu.memory_space<vmem>> -> memref<80xi32, #tpu.memory_space<vmem>>
        %dma_wait3A_717 = arith.constant 0 : i32
        %dma_wait3A_718 = arith.constant 0 : i32
        %dma_wait3A_719 = tpu.memref_slice %arg10[%dma_wait3A_717, %dma_wait3A_718] : memref<10240x16xf32, #tpu.memory_space<vmem_shared>> -> memref<10240x16xf32, #tpu.memory_space<vmem_shared>>
        tpu.wait_indirect_dma semaphore(%arg23 : memref<!tpu.dma_semaphore, #tpu.memory_space<semaphore_mem>>) src(%arg18 : memref<80x16xf32, #tpu.memory_space<vmem>>) dst(%dma_wait3A_719 : memref<10240x16xf32, #tpu.memory_space<vmem_shared>>)
      } else {
      }
      %add3A_707 = arith.constant 1 : i32
      %add3A_708 = arith.addi %mul3A_661, %add3A_707 : i32
      %mul3A_709 = arith.constant 80 : i32
      %mul3A_710 = arith.muli %add3A_708, %mul3A_709 : i32
      %dma_start3A_711 = tpu.memref_slice %arg14[%mul3A_710] : memref<2000xi32, #tpu.memory_space<vmem>> -> memref<80xi32, #tpu.memory_space<vmem>>
      %dma_start3A_712 = arith.constant 0 : i32
      %dma_start3A_713 = arith.constant 0 : i32
      %dma_start3A_714 = tpu.memref_slice %arg10[%dma_start3A_712, %dma_start3A_713] : memref<10240x16xf32, #tpu.memory_space<vmem_shared>> -> memref<10240x16xf32, #tpu.memory_space<vmem_shared>>
      tpu.enqueue_indirect_dma source(%arg18 : memref<80x16xf32, #tpu.memory_space<vmem>>) target(%dma_start3A_714 : memref<10240x16xf32, #tpu.memory_space<vmem_shared>>) offsets(%dma_start3A_711 : memref<80xi32, #tpu.memory_space<vmem>>) semaphore(%arg23 : memref<!tpu.dma_semaphore, #tpu.memory_space<semaphore_mem>>) {add = true}
    }
    %scan3A_262 = arith.constant 12 : i32
    %dma_wait3A_263 = arith.constant 0 : i32
    %dma_wait3A_264 = tpu.memref_slice %arg14[%dma_wait3A_263] : memref<2000xi32, #tpu.memory_space<vmem>> -> memref<80xi32, #tpu.memory_space<vmem>>
    %dma_wait3A_265 = arith.constant 0 : i32
    %dma_wait3A_266 = arith.constant 0 : i32
    %dma_wait3A_267 = tpu.memref_slice %arg10[%dma_wait3A_265, %dma_wait3A_266] : memref<10240x16xf32, #tpu.memory_space<vmem_shared>> -> memref<10240x16xf32, #tpu.memory_space<vmem_shared>>
    tpu.wait_indirect_dma semaphore(%arg23 : memref<!tpu.dma_semaphore, #tpu.memory_space<semaphore_mem>>) src(%arg18 : memref<80x16xf32, #tpu.memory_space<vmem>>) dst(%dma_wait3A_267 : memref<10240x16xf32, #tpu.memory_space<vmem_shared>>)
    %dma_wait3A_268 = arith.constant 0 : i32
    %dma_wait3A_269 = tpu.memref_slice %arg14[%dma_wait3A_268] : memref<2000xi32, #tpu.memory_space<vmem>> -> memref<80xi32, #tpu.memory_space<vmem>>
    %dma_wait3A_270 = arith.constant 0 : i32
    %dma_wait3A_271 = arith.constant 0 : i32
    %dma_wait3A_272 = tpu.memref_slice %arg10[%dma_wait3A_270, %dma_wait3A_271] : memref<10240x16xf32, #tpu.memory_space<vmem_shared>> -> memref<10240x16xf32, #tpu.memory_space<vmem_shared>>
    tpu.wait_indirect_dma semaphore(%arg23 : memref<!tpu.dma_semaphore, #tpu.memory_space<semaphore_mem>>) src(%arg18 : memref<80x16xf32, #tpu.memory_space<vmem>>) dst(%dma_wait3A_272 : memref<10240x16xf32, #tpu.memory_space<vmem_shared>>)
    %dma_wait3A_273 = arith.constant 0 : i32
    %dma_wait3A_274 = tpu.memref_slice %arg3[%dma_wait3A_273, %add3A_246] : memref<2x320000xi32, #tpu.memory_space<hbm>> -> memref<1x2000xi32, #tpu.memory_space<hbm>>
    %dma_wait3A_275 = tpu.memref_squeeze %dma_wait3A_274 : memref<1x2000xi32, #tpu.memory_space<hbm>> -> memref<2000xi32, #tpu.memory_space<hbm>>
    %dma_wait3A_276 = tpu.memref_slice %arg3[%dma_wait3A_273, %add3A_246] : memref<2x320000xi32, #tpu.memory_space<hbm>> -> memref<1x2000xi32, #tpu.memory_space<hbm>>
    %dma_wait3A_277 = tpu.memref_squeeze %dma_wait3A_276 : memref<1x2000xi32, #tpu.memory_space<hbm>> -> memref<2000xi32, #tpu.memory_space<hbm>>
    tpu.wait_dma2 semaphore(%arg21 : memref<!tpu.dma_semaphore, #tpu.memory_space<semaphore_mem>>) src(%dma_wait3A_277 : memref<2000xi32, #tpu.memory_space<hbm>>) dst(%arg11 : memref<2000xi32, #tpu.memory_space<vmem>>)
    %dma_wait3A_278 = arith.constant 1 : i32
    %dma_wait3A_279 = tpu.memref_slice %arg3[%dma_wait3A_278, %add3A_246] : memref<2x320000xi32, #tpu.memory_space<hbm>> -> memref<1x2000xi32, #tpu.memory_space<hbm>>
    %dma_wait3A_280 = tpu.memref_squeeze %dma_wait3A_279 : memref<1x2000xi32, #tpu.memory_space<hbm>> -> memref<2000xi32, #tpu.memory_space<hbm>>
    %dma_wait3A_281 = tpu.memref_slice %arg3[%dma_wait3A_278, %add3A_246] : memref<2x320000xi32, #tpu.memory_space<hbm>> -> memref<1x2000xi32, #tpu.memory_space<hbm>>
    %dma_wait3A_282 = tpu.memref_squeeze %dma_wait3A_281 : memref<1x2000xi32, #tpu.memory_space<hbm>> -> memref<2000xi32, #tpu.memory_space<hbm>>
    tpu.wait_dma2 semaphore(%arg21 : memref<!tpu.dma_semaphore, #tpu.memory_space<semaphore_mem>>) src(%dma_wait3A_282 : memref<2000xi32, #tpu.memory_space<hbm>>) dst(%arg12 : memref<2000xi32, #tpu.memory_space<vmem>>)
    %dma_wait3A_283 = arith.constant 0 : i32
    %dma_wait3A_284 = tpu.memref_slice %arg13[%dma_wait3A_283] : memref<2000xi32, #tpu.memory_space<vmem>> -> memref<80xi32, #tpu.memory_space<vmem>>
    %dma_wait3A_285 = arith.constant 0 : i32
    %dma_wait3A_286 = arith.constant 0 : i32
    %dma_wait3A_287 = tpu.memref_slice %arg2[%dma_wait3A_285, %dma_wait3A_286] : memref<10000x128xf32, #tpu.memory_space<hbm>> -> memref<10000x128xf32, #tpu.memory_space<hbm>>
    tpu.wait_indirect_dma semaphore(%arg20 : memref<!tpu.dma_semaphore, #tpu.memory_space<semaphore_mem>>) src(%dma_wait3A_287 : memref<10000x128xf32, #tpu.memory_space<hbm>>) dst(%arg16 : memref<80x128xf32, #tpu.memory_space<vmem>>)
    %dma_start3A_288 = arith.constant 0 : i32
    %dma_start3A_289 = tpu.memref_slice %arg11[%dma_start3A_288] : memref<2000xi32, #tpu.memory_space<vmem>> -> memref<80xi32, #tpu.memory_space<vmem>>
    %dma_start3A_290 = arith.constant 0 : i32
    %dma_start3A_291 = arith.constant 0 : i32
    %dma_start3A_292 = tpu.memref_slice %arg2[%dma_start3A_290, %dma_start3A_291] : memref<10000x128xf32, #tpu.memory_space<hbm>> -> memref<10000x128xf32, #tpu.memory_space<hbm>>
    tpu.enqueue_indirect_dma source(%dma_start3A_292 : memref<10000x128xf32, #tpu.memory_space<hbm>>) target(%arg15 : memref<80x128xf32, #tpu.memory_space<vmem>>) offsets(%dma_start3A_289 : memref<80xi32, #tpu.memory_space<vmem>>) semaphore(%arg19 : memref<!tpu.dma_semaphore, #tpu.memory_space<semaphore_mem>>)
    "tpu.region"() ({
      %run_scoped3A = tpu.sem_alloc : memref<!tpu.dma_semaphore, #tpu.memory_space<semaphore_mem>>
      %dma_start3A_659 = arith.constant 1920 : i32
      %dma_start3A_660 = tpu.memref_slice %arg14[%dma_start3A_659] : memref<2000xi32, #tpu.memory_space<vmem>> -> memref<80xi32, #tpu.memory_space<vmem>>
      %dma_start3A_661 = arith.constant 0 : i32
      %dma_start3A_662 = arith.constant 0 : i32
      %dma_start3A_663 = tpu.memref_slice %arg9[%dma_start3A_661, %dma_start3A_662] : memref<10240x128xf32, #tpu.memory_space<vmem_shared>> -> memref<10240x128xf32, #tpu.memory_space<vmem_shared>>
      tpu.enqueue_indirect_dma source(%arg16 : memref<80x128xf32, #tpu.memory_space<vmem>>) target(%dma_start3A_663 : memref<10240x128xf32, #tpu.memory_space<vmem_shared>>) offsets(%dma_start3A_660 : memref<80xi32, #tpu.memory_space<vmem>>) semaphore(%run_scoped3A : memref<!tpu.dma_semaphore, #tpu.memory_space<semaphore_mem>>) {add = true}
      %dma_wait3A_664 = arith.constant 1920 : i32
      %dma_wait3A_665 = tpu.memref_slice %arg14[%dma_wait3A_664] : memref<2000xi32, #tpu.memory_space<vmem>> -> memref<80xi32, #tpu.memory_space<vmem>>
      %dma_wait3A_666 = arith.constant 0 : i32
      %dma_wait3A_667 = arith.constant 0 : i32
      %dma_wait3A_668 = tpu.memref_slice %arg9[%dma_wait3A_666, %dma_wait3A_667] : memref<10240x128xf32, #tpu.memory_space<vmem_shared>> -> memref<10240x128xf32, #tpu.memory_space<vmem_shared>>
      tpu.wait_indirect_dma semaphore(%run_scoped3A : memref<!tpu.dma_semaphore, #tpu.memory_space<semaphore_mem>>) src(%arg16 : memref<80x128xf32, #tpu.memory_space<vmem>>) dst(%dma_wait3A_668 : memref<10240x128xf32, #tpu.memory_space<vmem_shared>>)
      tpu.yield
    }) : () -> ()
    %dma_start3A_293 = arith.constant 1920 : i32
    %dma_start3A_294 = tpu.memref_slice %arg14[%dma_start3A_293] : memref<2000xi32, #tpu.memory_space<vmem>> -> memref<80xi32, #tpu.memory_space<vmem>>
    %dma_start3A_295 = arith.constant 0 : i32
    %dma_start3A_296 = arith.constant 0 : i32
    %dma_start3A_297 = tpu.memref_slice %arg10[%dma_start3A_295, %dma_start3A_296] : memref<10240x16xf32, #tpu.memory_space<vmem_shared>> -> memref<10240x16xf32, #tpu.memory_space<vmem_shared>>
    tpu.enqueue_indirect_dma source(%arg18 : memref<80x16xf32, #tpu.memory_space<vmem>>) target(%dma_start3A_297 : memref<10240x16xf32, #tpu.memory_space<vmem_shared>>) offsets(%dma_start3A_294 : memref<80xi32, #tpu.memory_space<vmem>>) semaphore(%arg23 : memref<!tpu.dma_semaphore, #tpu.memory_space<semaphore_mem>>) {add = true}
    %dma_wait3A_298 = arith.constant 0 : i32
    %dma_wait3A_299 = tpu.memref_slice %arg14[%dma_wait3A_298] : memref<2000xi32, #tpu.memory_space<vmem>> -> memref<80xi32, #tpu.memory_space<vmem>>
    %dma_wait3A_300 = arith.constant 0 : i32
    %dma_wait3A_301 = arith.constant 0 : i32
    %dma_wait3A_302 = tpu.memref_slice %arg10[%dma_wait3A_300, %dma_wait3A_301] : memref<10240x16xf32, #tpu.memory_space<vmem_shared>> -> memref<10240x16xf32, #tpu.memory_space<vmem_shared>>
    tpu.wait_indirect_dma semaphore(%arg23 : memref<!tpu.dma_semaphore, #tpu.memory_space<semaphore_mem>>) src(%arg18 : memref<80x16xf32, #tpu.memory_space<vmem>>) dst(%dma_wait3A_302 : memref<10240x16xf32, #tpu.memory_space<vmem_shared>>)
    %add3A_303 = arith.constant 6000 : i32
    %add3A_304 = arith.addi %mul3A_2, %add3A_303 : i32
    %dma_start3A_305 = arith.constant 0 : i32
    %dma_start3A_306 = tpu.memref_slice %arg3[%dma_start3A_305, %add3A_304] : memref<2x320000xi32, #tpu.memory_space<hbm>> -> memref<1x2000xi32, #tpu.memory_space<hbm>>
    %dma_start3A_307 = tpu.memref_squeeze %dma_start3A_306 : memref<1x2000xi32, #tpu.memory_space<hbm>> -> memref<2000xi32, #tpu.memory_space<hbm>>
    %dma_start3A_308 = tpu.memref_slice %arg3[%dma_start3A_305, %add3A_304] : memref<2x320000xi32, #tpu.memory_space<hbm>> -> memref<1x2000xi32, #tpu.memory_space<hbm>>
    %dma_start3A_309 = tpu.memref_squeeze %dma_start3A_308 : memref<1x2000xi32, #tpu.memory_space<hbm>> -> memref<2000xi32, #tpu.memory_space<hbm>>
    tpu.enqueue_dma source(%dma_start3A_309 : memref<2000xi32, #tpu.memory_space<hbm>>) target(%arg13 : memref<2000xi32, #tpu.memory_space<vmem>>) target_semaphore(%arg21 : memref<!tpu.dma_semaphore, #tpu.memory_space<semaphore_mem>>)
    %dma_start3A_310 = arith.constant 1 : i32
    %dma_start3A_311 = tpu.memref_slice %arg3[%dma_start3A_310, %add3A_304] : memref<2x320000xi32, #tpu.memory_space<hbm>> -> memref<1x2000xi32, #tpu.memory_space<hbm>>
    %dma_start3A_312 = tpu.memref_squeeze %dma_start3A_311 : memref<1x2000xi32, #tpu.memory_space<hbm>> -> memref<2000xi32, #tpu.memory_space<hbm>>
    %dma_start3A_313 = tpu.memref_slice %arg3[%dma_start3A_310, %add3A_304] : memref<2x320000xi32, #tpu.memory_space<hbm>> -> memref<1x2000xi32, #tpu.memory_space<hbm>>
    %dma_start3A_314 = tpu.memref_squeeze %dma_start3A_313 : memref<1x2000xi32, #tpu.memory_space<hbm>> -> memref<2000xi32, #tpu.memory_space<hbm>>
    tpu.enqueue_dma source(%dma_start3A_314 : memref<2000xi32, #tpu.memory_space<hbm>>) target(%arg14 : memref<2000xi32, #tpu.memory_space<vmem>>) target_semaphore(%arg21 : memref<!tpu.dma_semaphore, #tpu.memory_space<semaphore_mem>>)
    %scan3A_315 = arith.constant 0 : i32
    %scan3A_316 = arith.constant 0 : i32
    %scan3A_317 = arith.constant 12 : i32
    %scan3A_318 = arith.addi %scan3A_316, %scan3A_317 : i32
    %scan3A_319 = arith.constant 1 : i32
    scf.for %scan3A_659 = %scan3A_316 to %scan3A_318 step %scan3A_319  : i32 {
      %mul3A_660 = arith.constant 2 : i32
      %mul3A_661 = arith.muli %mul3A_660, %scan3A_659 : i32
      %add3A_662 = arith.constant 1 : i32
      %add3A_663 = arith.addi %mul3A_661, %add3A_662 : i32
      %mul3A_664 = arith.constant 80 : i32
      %mul3A_665 = arith.muli %add3A_663, %mul3A_664 : i32
      %dma_start3A_666 = tpu.memref_slice %arg11[%mul3A_665] : memref<2000xi32, #tpu.memory_space<vmem>> -> memref<80xi32, #tpu.memory_space<vmem>>
      %dma_start3A_667 = arith.constant 0 : i32
      %dma_start3A_668 = arith.constant 0 : i32
      %dma_start3A_669 = tpu.memref_slice %arg2[%dma_start3A_667, %dma_start3A_668] : memref<10000x128xf32, #tpu.memory_space<hbm>> -> memref<10000x128xf32, #tpu.memory_space<hbm>>
      tpu.enqueue_indirect_dma source(%dma_start3A_669 : memref<10000x128xf32, #tpu.memory_space<hbm>>) target(%arg16 : memref<80x128xf32, #tpu.memory_space<vmem>>) offsets(%dma_start3A_666 : memref<80xi32, #tpu.memory_space<vmem>>) semaphore(%arg20 : memref<!tpu.dma_semaphore, #tpu.memory_space<semaphore_mem>>)
      %dma_wait3A_670 = arith.constant 0 : i32
      %dma_wait3A_671 = tpu.memref_slice %arg11[%dma_wait3A_670] : memref<2000xi32, #tpu.memory_space<vmem>> -> memref<80xi32, #tpu.memory_space<vmem>>
      %dma_wait3A_672 = arith.constant 0 : i32
      %dma_wait3A_673 = arith.constant 0 : i32
      %dma_wait3A_674 = tpu.memref_slice %arg2[%dma_wait3A_672, %dma_wait3A_673] : memref<10000x128xf32, #tpu.memory_space<hbm>> -> memref<10000x128xf32, #tpu.memory_space<hbm>>
      tpu.wait_indirect_dma semaphore(%arg19 : memref<!tpu.dma_semaphore, #tpu.memory_space<semaphore_mem>>) src(%dma_wait3A_674 : memref<10000x128xf32, #tpu.memory_space<hbm>>) dst(%arg15 : memref<80x128xf32, #tpu.memory_space<vmem>>)
      %mul3A_675 = arith.constant 80 : i32
      %mul3A_676 = arith.muli %mul3A_661, %mul3A_675 : i32
      "tpu.region"() ({
        %run_scoped3A = tpu.sem_alloc : memref<!tpu.dma_semaphore, #tpu.memory_space<semaphore_mem>>
        %dma_start3A_715 = tpu.memref_slice %arg12[%mul3A_676] : memref<2000xi32, #tpu.memory_space<vmem>> -> memref<80xi32, #tpu.memory_space<vmem>>
        %dma_start3A_716 = arith.constant 0 : i32
        %dma_start3A_717 = arith.constant 0 : i32
        %dma_start3A_718 = tpu.memref_slice %arg9[%dma_start3A_716, %dma_start3A_717] : memref<10240x128xf32, #tpu.memory_space<vmem_shared>> -> memref<10240x128xf32, #tpu.memory_space<vmem_shared>>
        tpu.enqueue_indirect_dma source(%arg15 : memref<80x128xf32, #tpu.memory_space<vmem>>) target(%dma_start3A_718 : memref<10240x128xf32, #tpu.memory_space<vmem_shared>>) offsets(%dma_start3A_715 : memref<80xi32, #tpu.memory_space<vmem>>) semaphore(%run_scoped3A : memref<!tpu.dma_semaphore, #tpu.memory_space<semaphore_mem>>) {add = true}
        %dma_wait3A_719 = tpu.memref_slice %arg12[%mul3A_676] : memref<2000xi32, #tpu.memory_space<vmem>> -> memref<80xi32, #tpu.memory_space<vmem>>
        %dma_wait3A_720 = arith.constant 0 : i32
        %dma_wait3A_721 = arith.constant 0 : i32
        %dma_wait3A_722 = tpu.memref_slice %arg9[%dma_wait3A_720, %dma_wait3A_721] : memref<10240x128xf32, #tpu.memory_space<vmem_shared>> -> memref<10240x128xf32, #tpu.memory_space<vmem_shared>>
        tpu.wait_indirect_dma semaphore(%run_scoped3A : memref<!tpu.dma_semaphore, #tpu.memory_space<semaphore_mem>>) src(%arg15 : memref<80x128xf32, #tpu.memory_space<vmem>>) dst(%dma_wait3A_722 : memref<10240x128xf32, #tpu.memory_space<vmem_shared>>)
        tpu.yield
      }) : () -> ()
      %gt3A = arith.constant 0 : i32
      %gt3A_677 = arith.cmpi sgt, %scan3A_659, %gt3A : i32
      %convert_element_type3A = arith.extui %gt3A_677 : i1 to i32
      %cond3A = arith.constant 0 : i32
      %cond3A_678 = arith.cmpi ne, %convert_element_type3A, %cond3A : i32
      scf.if %cond3A_678 {
        %dma_wait3A_715 = arith.constant 0 : i32
        %dma_wait3A_716 = tpu.memref_slice %arg12[%dma_wait3A_715] : memref<2000xi32, #tpu.memory_space<vmem>> -> memref<80xi32, #tpu.memory_space<vmem>>
        %dma_wait3A_717 = arith.constant 0 : i32
        %dma_wait3A_718 = arith.constant 0 : i32
        %dma_wait3A_719 = tpu.memref_slice %arg10[%dma_wait3A_717, %dma_wait3A_718] : memref<10240x16xf32, #tpu.memory_space<vmem_shared>> -> memref<10240x16xf32, #tpu.memory_space<vmem_shared>>
        tpu.wait_indirect_dma semaphore(%arg23 : memref<!tpu.dma_semaphore, #tpu.memory_space<semaphore_mem>>) src(%arg18 : memref<80x16xf32, #tpu.memory_space<vmem>>) dst(%dma_wait3A_719 : memref<10240x16xf32, #tpu.memory_space<vmem_shared>>)
      } else {
      }
      %mul3A_679 = arith.constant 80 : i32
      %mul3A_680 = arith.muli %mul3A_661, %mul3A_679 : i32
      %dma_start3A_681 = tpu.memref_slice %arg12[%mul3A_680] : memref<2000xi32, #tpu.memory_space<vmem>> -> memref<80xi32, #tpu.memory_space<vmem>>
      %dma_start3A_682 = arith.constant 0 : i32
      %dma_start3A_683 = arith.constant 0 : i32
      %dma_start3A_684 = tpu.memref_slice %arg10[%dma_start3A_682, %dma_start3A_683] : memref<10240x16xf32, #tpu.memory_space<vmem_shared>> -> memref<10240x16xf32, #tpu.memory_space<vmem_shared>>
      tpu.enqueue_indirect_dma source(%arg18 : memref<80x16xf32, #tpu.memory_space<vmem>>) target(%dma_start3A_684 : memref<10240x16xf32, #tpu.memory_space<vmem_shared>>) offsets(%dma_start3A_681 : memref<80xi32, #tpu.memory_space<vmem>>) semaphore(%arg23 : memref<!tpu.dma_semaphore, #tpu.memory_space<semaphore_mem>>) {add = true}
      %add3A_685 = arith.constant 2 : i32
      %add3A_686 = arith.addi %mul3A_661, %add3A_685 : i32
      %mul3A_687 = arith.constant 80 : i32
      %mul3A_688 = arith.muli %add3A_686, %mul3A_687 : i32
      %dma_start3A_689 = tpu.memref_slice %arg11[%mul3A_688] : memref<2000xi32, #tpu.memory_space<vmem>> -> memref<80xi32, #tpu.memory_space<vmem>>
      %dma_start3A_690 = arith.constant 0 : i32
      %dma_start3A_691 = arith.constant 0 : i32
      %dma_start3A_692 = tpu.memref_slice %arg2[%dma_start3A_690, %dma_start3A_691] : memref<10000x128xf32, #tpu.memory_space<hbm>> -> memref<10000x128xf32, #tpu.memory_space<hbm>>
      tpu.enqueue_indirect_dma source(%dma_start3A_692 : memref<10000x128xf32, #tpu.memory_space<hbm>>) target(%arg15 : memref<80x128xf32, #tpu.memory_space<vmem>>) offsets(%dma_start3A_689 : memref<80xi32, #tpu.memory_space<vmem>>) semaphore(%arg19 : memref<!tpu.dma_semaphore, #tpu.memory_space<semaphore_mem>>)
      %dma_wait3A_693 = arith.constant 0 : i32
      %dma_wait3A_694 = tpu.memref_slice %arg11[%dma_wait3A_693] : memref<2000xi32, #tpu.memory_space<vmem>> -> memref<80xi32, #tpu.memory_space<vmem>>
      %dma_wait3A_695 = arith.constant 0 : i32
      %dma_wait3A_696 = arith.constant 0 : i32
      %dma_wait3A_697 = tpu.memref_slice %arg2[%dma_wait3A_695, %dma_wait3A_696] : memref<10000x128xf32, #tpu.memory_space<hbm>> -> memref<10000x128xf32, #tpu.memory_space<hbm>>
      tpu.wait_indirect_dma semaphore(%arg20 : memref<!tpu.dma_semaphore, #tpu.memory_space<semaphore_mem>>) src(%dma_wait3A_697 : memref<10000x128xf32, #tpu.memory_space<hbm>>) dst(%arg16 : memref<80x128xf32, #tpu.memory_space<vmem>>)
      %add3A_698 = arith.constant 1 : i32
      %add3A_699 = arith.addi %mul3A_661, %add3A_698 : i32
      %mul3A_700 = arith.constant 80 : i32
      %mul3A_701 = arith.muli %add3A_699, %mul3A_700 : i32
      "tpu.region"() ({
        %run_scoped3A = tpu.sem_alloc : memref<!tpu.dma_semaphore, #tpu.memory_space<semaphore_mem>>
        %dma_start3A_715 = tpu.memref_slice %arg12[%mul3A_701] : memref<2000xi32, #tpu.memory_space<vmem>> -> memref<80xi32, #tpu.memory_space<vmem>>
        %dma_start3A_716 = arith.constant 0 : i32
        %dma_start3A_717 = arith.constant 0 : i32
        %dma_start3A_718 = tpu.memref_slice %arg9[%dma_start3A_716, %dma_start3A_717] : memref<10240x128xf32, #tpu.memory_space<vmem_shared>> -> memref<10240x128xf32, #tpu.memory_space<vmem_shared>>
        tpu.enqueue_indirect_dma source(%arg16 : memref<80x128xf32, #tpu.memory_space<vmem>>) target(%dma_start3A_718 : memref<10240x128xf32, #tpu.memory_space<vmem_shared>>) offsets(%dma_start3A_715 : memref<80xi32, #tpu.memory_space<vmem>>) semaphore(%run_scoped3A : memref<!tpu.dma_semaphore, #tpu.memory_space<semaphore_mem>>) {add = true}
        %dma_wait3A_719 = tpu.memref_slice %arg12[%mul3A_701] : memref<2000xi32, #tpu.memory_space<vmem>> -> memref<80xi32, #tpu.memory_space<vmem>>
        %dma_wait3A_720 = arith.constant 0 : i32
        %dma_wait3A_721 = arith.constant 0 : i32
        %dma_wait3A_722 = tpu.memref_slice %arg9[%dma_wait3A_720, %dma_wait3A_721] : memref<10240x128xf32, #tpu.memory_space<vmem_shared>> -> memref<10240x128xf32, #tpu.memory_space<vmem_shared>>
        tpu.wait_indirect_dma semaphore(%run_scoped3A : memref<!tpu.dma_semaphore, #tpu.memory_space<semaphore_mem>>) src(%arg16 : memref<80x128xf32, #tpu.memory_space<vmem>>) dst(%dma_wait3A_722 : memref<10240x128xf32, #tpu.memory_space<vmem_shared>>)
        tpu.yield
      }) : () -> ()
      %gt3A_702 = arith.constant 0 : i32
      %gt3A_703 = arith.cmpi sgt, %scan3A_659, %gt3A_702 : i32
      %convert_element_type3A_704 = arith.extui %gt3A_703 : i1 to i32
      %cond3A_705 = arith.constant 0 : i32
      %cond3A_706 = arith.cmpi ne, %convert_element_type3A_704, %cond3A_705 : i32
      scf.if %cond3A_706 {
        %dma_wait3A_715 = arith.constant 0 : i32
        %dma_wait3A_716 = tpu.memref_slice %arg12[%dma_wait3A_715] : memref<2000xi32, #tpu.memory_space<vmem>> -> memref<80xi32, #tpu.memory_space<vmem>>
        %dma_wait3A_717 = arith.constant 0 : i32
        %dma_wait3A_718 = arith.constant 0 : i32
        %dma_wait3A_719 = tpu.memref_slice %arg10[%dma_wait3A_717, %dma_wait3A_718] : memref<10240x16xf32, #tpu.memory_space<vmem_shared>> -> memref<10240x16xf32, #tpu.memory_space<vmem_shared>>
        tpu.wait_indirect_dma semaphore(%arg23 : memref<!tpu.dma_semaphore, #tpu.memory_space<semaphore_mem>>) src(%arg18 : memref<80x16xf32, #tpu.memory_space<vmem>>) dst(%dma_wait3A_719 : memref<10240x16xf32, #tpu.memory_space<vmem_shared>>)
      } else {
      }
      %add3A_707 = arith.constant 1 : i32
      %add3A_708 = arith.addi %mul3A_661, %add3A_707 : i32
      %mul3A_709 = arith.constant 80 : i32
      %mul3A_710 = arith.muli %add3A_708, %mul3A_709 : i32
      %dma_start3A_711 = tpu.memref_slice %arg12[%mul3A_710] : memref<2000xi32, #tpu.memory_space<vmem>> -> memref<80xi32, #tpu.memory_space<vmem>>
      %dma_start3A_712 = arith.constant 0 : i32
      %dma_start3A_713 = arith.constant 0 : i32
      %dma_start3A_714 = tpu.memref_slice %arg10[%dma_start3A_712, %dma_start3A_713] : memref<10240x16xf32, #tpu.memory_space<vmem_shared>> -> memref<10240x16xf32, #tpu.memory_space<vmem_shared>>
      tpu.enqueue_indirect_dma source(%arg18 : memref<80x16xf32, #tpu.memory_space<vmem>>) target(%dma_start3A_714 : memref<10240x16xf32, #tpu.memory_space<vmem_shared>>) offsets(%dma_start3A_711 : memref<80xi32, #tpu.memory_space<vmem>>) semaphore(%arg23 : memref<!tpu.dma_semaphore, #tpu.memory_space<semaphore_mem>>) {add = true}
    }
    %scan3A_320 = arith.constant 12 : i32
    %dma_wait3A_321 = arith.constant 0 : i32
    %dma_wait3A_322 = tpu.memref_slice %arg12[%dma_wait3A_321] : memref<2000xi32, #tpu.memory_space<vmem>> -> memref<80xi32, #tpu.memory_space<vmem>>
    %dma_wait3A_323 = arith.constant 0 : i32
    %dma_wait3A_324 = arith.constant 0 : i32
    %dma_wait3A_325 = tpu.memref_slice %arg10[%dma_wait3A_323, %dma_wait3A_324] : memref<10240x16xf32, #tpu.memory_space<vmem_shared>> -> memref<10240x16xf32, #tpu.memory_space<vmem_shared>>
    tpu.wait_indirect_dma semaphore(%arg23 : memref<!tpu.dma_semaphore, #tpu.memory_space<semaphore_mem>>) src(%arg18 : memref<80x16xf32, #tpu.memory_space<vmem>>) dst(%dma_wait3A_325 : memref<10240x16xf32, #tpu.memory_space<vmem_shared>>)
    %dma_wait3A_326 = arith.constant 0 : i32
    %dma_wait3A_327 = tpu.memref_slice %arg12[%dma_wait3A_326] : memref<2000xi32, #tpu.memory_space<vmem>> -> memref<80xi32, #tpu.memory_space<vmem>>
    %dma_wait3A_328 = arith.constant 0 : i32
    %dma_wait3A_329 = arith.constant 0 : i32
    %dma_wait3A_330 = tpu.memref_slice %arg10[%dma_wait3A_328, %dma_wait3A_329] : memref<10240x16xf32, #tpu.memory_space<vmem_shared>> -> memref<10240x16xf32, #tpu.memory_space<vmem_shared>>
    tpu.wait_indirect_dma semaphore(%arg23 : memref<!tpu.dma_semaphore, #tpu.memory_space<semaphore_mem>>) src(%arg18 : memref<80x16xf32, #tpu.memory_space<vmem>>) dst(%dma_wait3A_330 : memref<10240x16xf32, #tpu.memory_space<vmem_shared>>)
    %dma_wait3A_331 = arith.constant 0 : i32
    %dma_wait3A_332 = tpu.memref_slice %arg3[%dma_wait3A_331, %add3A_304] : memref<2x320000xi32, #tpu.memory_space<hbm>> -> memref<1x2000xi32, #tpu.memory_space<hbm>>
    %dma_wait3A_333 = tpu.memref_squeeze %dma_wait3A_332 : memref<1x2000xi32, #tpu.memory_space<hbm>> -> memref<2000xi32, #tpu.memory_space<hbm>>
    %dma_wait3A_334 = tpu.memref_slice %arg3[%dma_wait3A_331, %add3A_304] : memref<2x320000xi32, #tpu.memory_space<hbm>> -> memref<1x2000xi32, #tpu.memory_space<hbm>>
    %dma_wait3A_335 = tpu.memref_squeeze %dma_wait3A_334 : memref<1x2000xi32, #tpu.memory_space<hbm>> -> memref<2000xi32, #tpu.memory_space<hbm>>
    tpu.wait_dma2 semaphore(%arg21 : memref<!tpu.dma_semaphore, #tpu.memory_space<semaphore_mem>>) src(%dma_wait3A_335 : memref<2000xi32, #tpu.memory_space<hbm>>) dst(%arg13 : memref<2000xi32, #tpu.memory_space<vmem>>)
    %dma_wait3A_336 = arith.constant 1 : i32
    %dma_wait3A_337 = tpu.memref_slice %arg3[%dma_wait3A_336, %add3A_304] : memref<2x320000xi32, #tpu.memory_space<hbm>> -> memref<1x2000xi32, #tpu.memory_space<hbm>>
    %dma_wait3A_338 = tpu.memref_squeeze %dma_wait3A_337 : memref<1x2000xi32, #tpu.memory_space<hbm>> -> memref<2000xi32, #tpu.memory_space<hbm>>
    %dma_wait3A_339 = tpu.memref_slice %arg3[%dma_wait3A_336, %add3A_304] : memref<2x320000xi32, #tpu.memory_space<hbm>> -> memref<1x2000xi32, #tpu.memory_space<hbm>>
    %dma_wait3A_340 = tpu.memref_squeeze %dma_wait3A_339 : memref<1x2000xi32, #tpu.memory_space<hbm>> -> memref<2000xi32, #tpu.memory_space<hbm>>
    tpu.wait_dma2 semaphore(%arg21 : memref<!tpu.dma_semaphore, #tpu.memory_space<semaphore_mem>>) src(%dma_wait3A_340 : memref<2000xi32, #tpu.memory_space<hbm>>) dst(%arg14 : memref<2000xi32, #tpu.memory_space<vmem>>)
    %dma_wait3A_341 = arith.constant 0 : i32
    %dma_wait3A_342 = tpu.memref_slice %arg11[%dma_wait3A_341] : memref<2000xi32, #tpu.memory_space<vmem>> -> memref<80xi32, #tpu.memory_space<vmem>>
    %dma_wait3A_343 = arith.constant 0 : i32
    %dma_wait3A_344 = arith.constant 0 : i32
    %dma_wait3A_345 = tpu.memref_slice %arg2[%dma_wait3A_343, %dma_wait3A_344] : memref<10000x128xf32, #tpu.memory_space<hbm>> -> memref<10000x128xf32, #tpu.memory_space<hbm>>
    tpu.wait_indirect_dma semaphore(%arg19 : memref<!tpu.dma_semaphore, #tpu.memory_space<semaphore_mem>>) src(%dma_wait3A_345 : memref<10000x128xf32, #tpu.memory_space<hbm>>) dst(%arg15 : memref<80x128xf32, #tpu.memory_space<vmem>>)
    %dma_start3A_346 = arith.constant 0 : i32
    %dma_start3A_347 = tpu.memref_slice %arg13[%dma_start3A_346] : memref<2000xi32, #tpu.memory_space<vmem>> -> memref<80xi32, #tpu.memory_space<vmem>>
    %dma_start3A_348 = arith.constant 0 : i32
    %dma_start3A_349 = arith.constant 0 : i32
    %dma_start3A_350 = tpu.memref_slice %arg2[%dma_start3A_348, %dma_start3A_349] : memref<10000x128xf32, #tpu.memory_space<hbm>> -> memref<10000x128xf32, #tpu.memory_space<hbm>>
    tpu.enqueue_indirect_dma source(%dma_start3A_350 : memref<10000x128xf32, #tpu.memory_space<hbm>>) target(%arg16 : memref<80x128xf32, #tpu.memory_space<vmem>>) offsets(%dma_start3A_347 : memref<80xi32, #tpu.memory_space<vmem>>) semaphore(%arg20 : memref<!tpu.dma_semaphore, #tpu.memory_space<semaphore_mem>>)
    "tpu.region"() ({
      %run_scoped3A = tpu.sem_alloc : memref<!tpu.dma_semaphore, #tpu.memory_space<semaphore_mem>>
      %dma_start3A_659 = arith.constant 1920 : i32
      %dma_start3A_660 = tpu.memref_slice %arg12[%dma_start3A_659] : memref<2000xi32, #tpu.memory_space<vmem>> -> memref<80xi32, #tpu.memory_space<vmem>>
      %dma_start3A_661 = arith.constant 0 : i32
      %dma_start3A_662 = arith.constant 0 : i32
      %dma_start3A_663 = tpu.memref_slice %arg9[%dma_start3A_661, %dma_start3A_662] : memref<10240x128xf32, #tpu.memory_space<vmem_shared>> -> memref<10240x128xf32, #tpu.memory_space<vmem_shared>>
      tpu.enqueue_indirect_dma source(%arg15 : memref<80x128xf32, #tpu.memory_space<vmem>>) target(%dma_start3A_663 : memref<10240x128xf32, #tpu.memory_space<vmem_shared>>) offsets(%dma_start3A_660 : memref<80xi32, #tpu.memory_space<vmem>>) semaphore(%run_scoped3A : memref<!tpu.dma_semaphore, #tpu.memory_space<semaphore_mem>>) {add = true}
      %dma_wait3A_664 = arith.constant 1920 : i32
      %dma_wait3A_665 = tpu.memref_slice %arg12[%dma_wait3A_664] : memref<2000xi32, #tpu.memory_space<vmem>> -> memref<80xi32, #tpu.memory_space<vmem>>
      %dma_wait3A_666 = arith.constant 0 : i32
      %dma_wait3A_667 = arith.constant 0 : i32
      %dma_wait3A_668 = tpu.memref_slice %arg9[%dma_wait3A_666, %dma_wait3A_667] : memref<10240x128xf32, #tpu.memory_space<vmem_shared>> -> memref<10240x128xf32, #tpu.memory_space<vmem_shared>>
      tpu.wait_indirect_dma semaphore(%run_scoped3A : memref<!tpu.dma_semaphore, #tpu.memory_space<semaphore_mem>>) src(%arg15 : memref<80x128xf32, #tpu.memory_space<vmem>>) dst(%dma_wait3A_668 : memref<10240x128xf32, #tpu.memory_space<vmem_shared>>)
      tpu.yield
    }) : () -> ()
    %dma_start3A_351 = arith.constant 1920 : i32
    %dma_start3A_352 = tpu.memref_slice %arg12[%dma_start3A_351] : memref<2000xi32, #tpu.memory_space<vmem>> -> memref<80xi32, #tpu.memory_space<vmem>>
    %dma_start3A_353 = arith.constant 0 : i32
    %dma_start3A_354 = arith.constant 0 : i32
    %dma_start3A_355 = tpu.memref_slice %arg10[%dma_start3A_353, %dma_start3A_354] : memref<10240x16xf32, #tpu.memory_space<vmem_shared>> -> memref<10240x16xf32, #tpu.memory_space<vmem_shared>>
    tpu.enqueue_indirect_dma source(%arg18 : memref<80x16xf32, #tpu.memory_space<vmem>>) target(%dma_start3A_355 : memref<10240x16xf32, #tpu.memory_space<vmem_shared>>) offsets(%dma_start3A_352 : memref<80xi32, #tpu.memory_space<vmem>>) semaphore(%arg23 : memref<!tpu.dma_semaphore, #tpu.memory_space<semaphore_mem>>) {add = true}
    %dma_wait3A_356 = arith.constant 0 : i32
    %dma_wait3A_357 = tpu.memref_slice %arg12[%dma_wait3A_356] : memref<2000xi32, #tpu.memory_space<vmem>> -> memref<80xi32, #tpu.memory_space<vmem>>
    %dma_wait3A_358 = arith.constant 0 : i32
    %dma_wait3A_359 = arith.constant 0 : i32
    %dma_wait3A_360 = tpu.memref_slice %arg10[%dma_wait3A_358, %dma_wait3A_359] : memref<10240x16xf32, #tpu.memory_space<vmem_shared>> -> memref<10240x16xf32, #tpu.memory_space<vmem_shared>>
    tpu.wait_indirect_dma semaphore(%arg23 : memref<!tpu.dma_semaphore, #tpu.memory_space<semaphore_mem>>) src(%arg18 : memref<80x16xf32, #tpu.memory_space<vmem>>) dst(%dma_wait3A_360 : memref<10240x16xf32, #tpu.memory_space<vmem_shared>>)
    %add3A_361 = arith.constant 8000 : i32
    %add3A_362 = arith.addi %mul3A_2, %add3A_361 : i32
    %dma_start3A_363 = arith.constant 0 : i32
    %dma_start3A_364 = tpu.memref_slice %arg3[%dma_start3A_363, %add3A_362] : memref<2x320000xi32, #tpu.memory_space<hbm>> -> memref<1x2000xi32, #tpu.memory_space<hbm>>
    %dma_start3A_365 = tpu.memref_squeeze %dma_start3A_364 : memref<1x2000xi32, #tpu.memory_space<hbm>> -> memref<2000xi32, #tpu.memory_space<hbm>>
    %dma_start3A_366 = tpu.memref_slice %arg3[%dma_start3A_363, %add3A_362] : memref<2x320000xi32, #tpu.memory_space<hbm>> -> memref<1x2000xi32, #tpu.memory_space<hbm>>
    %dma_start3A_367 = tpu.memref_squeeze %dma_start3A_366 : memref<1x2000xi32, #tpu.memory_space<hbm>> -> memref<2000xi32, #tpu.memory_space<hbm>>
    tpu.enqueue_dma source(%dma_start3A_367 : memref<2000xi32, #tpu.memory_space<hbm>>) target(%arg11 : memref<2000xi32, #tpu.memory_space<vmem>>) target_semaphore(%arg21 : memref<!tpu.dma_semaphore, #tpu.memory_space<semaphore_mem>>)
    %dma_start3A_368 = arith.constant 1 : i32
    %dma_start3A_369 = tpu.memref_slice %arg3[%dma_start3A_368, %add3A_362] : memref<2x320000xi32, #tpu.memory_space<hbm>> -> memref<1x2000xi32, #tpu.memory_space<hbm>>
    %dma_start3A_370 = tpu.memref_squeeze %dma_start3A_369 : memref<1x2000xi32, #tpu.memory_space<hbm>> -> memref<2000xi32, #tpu.memory_space<hbm>>
    %dma_start3A_371 = tpu.memref_slice %arg3[%dma_start3A_368, %add3A_362] : memref<2x320000xi32, #tpu.memory_space<hbm>> -> memref<1x2000xi32, #tpu.memory_space<hbm>>
    %dma_start3A_372 = tpu.memref_squeeze %dma_start3A_371 : memref<1x2000xi32, #tpu.memory_space<hbm>> -> memref<2000xi32, #tpu.memory_space<hbm>>
    tpu.enqueue_dma source(%dma_start3A_372 : memref<2000xi32, #tpu.memory_space<hbm>>) target(%arg12 : memref<2000xi32, #tpu.memory_space<vmem>>) target_semaphore(%arg21 : memref<!tpu.dma_semaphore, #tpu.memory_space<semaphore_mem>>)
    %scan3A_373 = arith.constant 0 : i32
    %scan3A_374 = arith.constant 0 : i32
    %scan3A_375 = arith.constant 12 : i32
    %scan3A_376 = arith.addi %scan3A_374, %scan3A_375 : i32
    %scan3A_377 = arith.constant 1 : i32
    scf.for %scan3A_659 = %scan3A_374 to %scan3A_376 step %scan3A_377  : i32 {
      %mul3A_660 = arith.constant 2 : i32
      %mul3A_661 = arith.muli %mul3A_660, %scan3A_659 : i32
      %add3A_662 = arith.constant 1 : i32
      %add3A_663 = arith.addi %mul3A_661, %add3A_662 : i32
      %mul3A_664 = arith.constant 80 : i32
      %mul3A_665 = arith.muli %add3A_663, %mul3A_664 : i32
      %dma_start3A_666 = tpu.memref_slice %arg13[%mul3A_665] : memref<2000xi32, #tpu.memory_space<vmem>> -> memref<80xi32, #tpu.memory_space<vmem>>
      %dma_start3A_667 = arith.constant 0 : i32
      %dma_start3A_668 = arith.constant 0 : i32
      %dma_start3A_669 = tpu.memref_slice %arg2[%dma_start3A_667, %dma_start3A_668] : memref<10000x128xf32, #tpu.memory_space<hbm>> -> memref<10000x128xf32, #tpu.memory_space<hbm>>
      tpu.enqueue_indirect_dma source(%dma_start3A_669 : memref<10000x128xf32, #tpu.memory_space<hbm>>) target(%arg15 : memref<80x128xf32, #tpu.memory_space<vmem>>) offsets(%dma_start3A_666 : memref<80xi32, #tpu.memory_space<vmem>>) semaphore(%arg19 : memref<!tpu.dma_semaphore, #tpu.memory_space<semaphore_mem>>)
      %dma_wait3A_670 = arith.constant 0 : i32
      %dma_wait3A_671 = tpu.memref_slice %arg13[%dma_wait3A_670] : memref<2000xi32, #tpu.memory_space<vmem>> -> memref<80xi32, #tpu.memory_space<vmem>>
      %dma_wait3A_672 = arith.constant 0 : i32
      %dma_wait3A_673 = arith.constant 0 : i32
      %dma_wait3A_674 = tpu.memref_slice %arg2[%dma_wait3A_672, %dma_wait3A_673] : memref<10000x128xf32, #tpu.memory_space<hbm>> -> memref<10000x128xf32, #tpu.memory_space<hbm>>
      tpu.wait_indirect_dma semaphore(%arg20 : memref<!tpu.dma_semaphore, #tpu.memory_space<semaphore_mem>>) src(%dma_wait3A_674 : memref<10000x128xf32, #tpu.memory_space<hbm>>) dst(%arg16 : memref<80x128xf32, #tpu.memory_space<vmem>>)
      %mul3A_675 = arith.constant 80 : i32
      %mul3A_676 = arith.muli %mul3A_661, %mul3A_675 : i32
      "tpu.region"() ({
        %run_scoped3A = tpu.sem_alloc : memref<!tpu.dma_semaphore, #tpu.memory_space<semaphore_mem>>
        %dma_start3A_715 = tpu.memref_slice %arg14[%mul3A_676] : memref<2000xi32, #tpu.memory_space<vmem>> -> memref<80xi32, #tpu.memory_space<vmem>>
        %dma_start3A_716 = arith.constant 0 : i32
        %dma_start3A_717 = arith.constant 0 : i32
        %dma_start3A_718 = tpu.memref_slice %arg9[%dma_start3A_716, %dma_start3A_717] : memref<10240x128xf32, #tpu.memory_space<vmem_shared>> -> memref<10240x128xf32, #tpu.memory_space<vmem_shared>>
        tpu.enqueue_indirect_dma source(%arg16 : memref<80x128xf32, #tpu.memory_space<vmem>>) target(%dma_start3A_718 : memref<10240x128xf32, #tpu.memory_space<vmem_shared>>) offsets(%dma_start3A_715 : memref<80xi32, #tpu.memory_space<vmem>>) semaphore(%run_scoped3A : memref<!tpu.dma_semaphore, #tpu.memory_space<semaphore_mem>>) {add = true}
        %dma_wait3A_719 = tpu.memref_slice %arg14[%mul3A_676] : memref<2000xi32, #tpu.memory_space<vmem>> -> memref<80xi32, #tpu.memory_space<vmem>>
        %dma_wait3A_720 = arith.constant 0 : i32
        %dma_wait3A_721 = arith.constant 0 : i32
        %dma_wait3A_722 = tpu.memref_slice %arg9[%dma_wait3A_720, %dma_wait3A_721] : memref<10240x128xf32, #tpu.memory_space<vmem_shared>> -> memref<10240x128xf32, #tpu.memory_space<vmem_shared>>
        tpu.wait_indirect_dma semaphore(%run_scoped3A : memref<!tpu.dma_semaphore, #tpu.memory_space<semaphore_mem>>) src(%arg16 : memref<80x128xf32, #tpu.memory_space<vmem>>) dst(%dma_wait3A_722 : memref<10240x128xf32, #tpu.memory_space<vmem_shared>>)
        tpu.yield
      }) : () -> ()
      %gt3A = arith.constant 0 : i32
      %gt3A_677 = arith.cmpi sgt, %scan3A_659, %gt3A : i32
      %convert_element_type3A = arith.extui %gt3A_677 : i1 to i32
      %cond3A = arith.constant 0 : i32
      %cond3A_678 = arith.cmpi ne, %convert_element_type3A, %cond3A : i32
      scf.if %cond3A_678 {
        %dma_wait3A_715 = arith.constant 0 : i32
        %dma_wait3A_716 = tpu.memref_slice %arg14[%dma_wait3A_715] : memref<2000xi32, #tpu.memory_space<vmem>> -> memref<80xi32, #tpu.memory_space<vmem>>
        %dma_wait3A_717 = arith.constant 0 : i32
        %dma_wait3A_718 = arith.constant 0 : i32
        %dma_wait3A_719 = tpu.memref_slice %arg10[%dma_wait3A_717, %dma_wait3A_718] : memref<10240x16xf32, #tpu.memory_space<vmem_shared>> -> memref<10240x16xf32, #tpu.memory_space<vmem_shared>>
        tpu.wait_indirect_dma semaphore(%arg23 : memref<!tpu.dma_semaphore, #tpu.memory_space<semaphore_mem>>) src(%arg18 : memref<80x16xf32, #tpu.memory_space<vmem>>) dst(%dma_wait3A_719 : memref<10240x16xf32, #tpu.memory_space<vmem_shared>>)
      } else {
      }
      %mul3A_679 = arith.constant 80 : i32
      %mul3A_680 = arith.muli %mul3A_661, %mul3A_679 : i32
      %dma_start3A_681 = tpu.memref_slice %arg14[%mul3A_680] : memref<2000xi32, #tpu.memory_space<vmem>> -> memref<80xi32, #tpu.memory_space<vmem>>
      %dma_start3A_682 = arith.constant 0 : i32
      %dma_start3A_683 = arith.constant 0 : i32
      %dma_start3A_684 = tpu.memref_slice %arg10[%dma_start3A_682, %dma_start3A_683] : memref<10240x16xf32, #tpu.memory_space<vmem_shared>> -> memref<10240x16xf32, #tpu.memory_space<vmem_shared>>
      tpu.enqueue_indirect_dma source(%arg18 : memref<80x16xf32, #tpu.memory_space<vmem>>) target(%dma_start3A_684 : memref<10240x16xf32, #tpu.memory_space<vmem_shared>>) offsets(%dma_start3A_681 : memref<80xi32, #tpu.memory_space<vmem>>) semaphore(%arg23 : memref<!tpu.dma_semaphore, #tpu.memory_space<semaphore_mem>>) {add = true}
      %add3A_685 = arith.constant 2 : i32
      %add3A_686 = arith.addi %mul3A_661, %add3A_685 : i32
      %mul3A_687 = arith.constant 80 : i32
      %mul3A_688 = arith.muli %add3A_686, %mul3A_687 : i32
      %dma_start3A_689 = tpu.memref_slice %arg13[%mul3A_688] : memref<2000xi32, #tpu.memory_space<vmem>> -> memref<80xi32, #tpu.memory_space<vmem>>
      %dma_start3A_690 = arith.constant 0 : i32
      %dma_start3A_691 = arith.constant 0 : i32
      %dma_start3A_692 = tpu.memref_slice %arg2[%dma_start3A_690, %dma_start3A_691] : memref<10000x128xf32, #tpu.memory_space<hbm>> -> memref<10000x128xf32, #tpu.memory_space<hbm>>
      tpu.enqueue_indirect_dma source(%dma_start3A_692 : memref<10000x128xf32, #tpu.memory_space<hbm>>) target(%arg16 : memref<80x128xf32, #tpu.memory_space<vmem>>) offsets(%dma_start3A_689 : memref<80xi32, #tpu.memory_space<vmem>>) semaphore(%arg20 : memref<!tpu.dma_semaphore, #tpu.memory_space<semaphore_mem>>)
      %dma_wait3A_693 = arith.constant 0 : i32
      %dma_wait3A_694 = tpu.memref_slice %arg13[%dma_wait3A_693] : memref<2000xi32, #tpu.memory_space<vmem>> -> memref<80xi32, #tpu.memory_space<vmem>>
      %dma_wait3A_695 = arith.constant 0 : i32
      %dma_wait3A_696 = arith.constant 0 : i32
      %dma_wait3A_697 = tpu.memref_slice %arg2[%dma_wait3A_695, %dma_wait3A_696] : memref<10000x128xf32, #tpu.memory_space<hbm>> -> memref<10000x128xf32, #tpu.memory_space<hbm>>
      tpu.wait_indirect_dma semaphore(%arg19 : memref<!tpu.dma_semaphore, #tpu.memory_space<semaphore_mem>>) src(%dma_wait3A_697 : memref<10000x128xf32, #tpu.memory_space<hbm>>) dst(%arg15 : memref<80x128xf32, #tpu.memory_space<vmem>>)
      %add3A_698 = arith.constant 1 : i32
      %add3A_699 = arith.addi %mul3A_661, %add3A_698 : i32
      %mul3A_700 = arith.constant 80 : i32
      %mul3A_701 = arith.muli %add3A_699, %mul3A_700 : i32
      "tpu.region"() ({
        %run_scoped3A = tpu.sem_alloc : memref<!tpu.dma_semaphore, #tpu.memory_space<semaphore_mem>>
        %dma_start3A_715 = tpu.memref_slice %arg14[%mul3A_701] : memref<2000xi32, #tpu.memory_space<vmem>> -> memref<80xi32, #tpu.memory_space<vmem>>
        %dma_start3A_716 = arith.constant 0 : i32
        %dma_start3A_717 = arith.constant 0 : i32
        %dma_start3A_718 = tpu.memref_slice %arg9[%dma_start3A_716, %dma_start3A_717] : memref<10240x128xf32, #tpu.memory_space<vmem_shared>> -> memref<10240x128xf32, #tpu.memory_space<vmem_shared>>
        tpu.enqueue_indirect_dma source(%arg15 : memref<80x128xf32, #tpu.memory_space<vmem>>) target(%dma_start3A_718 : memref<10240x128xf32, #tpu.memory_space<vmem_shared>>) offsets(%dma_start3A_715 : memref<80xi32, #tpu.memory_space<vmem>>) semaphore(%run_scoped3A : memref<!tpu.dma_semaphore, #tpu.memory_space<semaphore_mem>>) {add = true}
        %dma_wait3A_719 = tpu.memref_slice %arg14[%mul3A_701] : memref<2000xi32, #tpu.memory_space<vmem>> -> memref<80xi32, #tpu.memory_space<vmem>>
        %dma_wait3A_720 = arith.constant 0 : i32
        %dma_wait3A_721 = arith.constant 0 : i32
        %dma_wait3A_722 = tpu.memref_slice %arg9[%dma_wait3A_720, %dma_wait3A_721] : memref<10240x128xf32, #tpu.memory_space<vmem_shared>> -> memref<10240x128xf32, #tpu.memory_space<vmem_shared>>
        tpu.wait_indirect_dma semaphore(%run_scoped3A : memref<!tpu.dma_semaphore, #tpu.memory_space<semaphore_mem>>) src(%arg15 : memref<80x128xf32, #tpu.memory_space<vmem>>) dst(%dma_wait3A_722 : memref<10240x128xf32, #tpu.memory_space<vmem_shared>>)
        tpu.yield
      }) : () -> ()
      %gt3A_702 = arith.constant 0 : i32
      %gt3A_703 = arith.cmpi sgt, %scan3A_659, %gt3A_702 : i32
      %convert_element_type3A_704 = arith.extui %gt3A_703 : i1 to i32
      %cond3A_705 = arith.constant 0 : i32
      %cond3A_706 = arith.cmpi ne, %convert_element_type3A_704, %cond3A_705 : i32
      scf.if %cond3A_706 {
        %dma_wait3A_715 = arith.constant 0 : i32
        %dma_wait3A_716 = tpu.memref_slice %arg14[%dma_wait3A_715] : memref<2000xi32, #tpu.memory_space<vmem>> -> memref<80xi32, #tpu.memory_space<vmem>>
        %dma_wait3A_717 = arith.constant 0 : i32
        %dma_wait3A_718 = arith.constant 0 : i32
        %dma_wait3A_719 = tpu.memref_slice %arg10[%dma_wait3A_717, %dma_wait3A_718] : memref<10240x16xf32, #tpu.memory_space<vmem_shared>> -> memref<10240x16xf32, #tpu.memory_space<vmem_shared>>
        tpu.wait_indirect_dma semaphore(%arg23 : memref<!tpu.dma_semaphore, #tpu.memory_space<semaphore_mem>>) src(%arg18 : memref<80x16xf32, #tpu.memory_space<vmem>>) dst(%dma_wait3A_719 : memref<10240x16xf32, #tpu.memory_space<vmem_shared>>)
      } else {
      }
      %add3A_707 = arith.constant 1 : i32
      %add3A_708 = arith.addi %mul3A_661, %add3A_707 : i32
      %mul3A_709 = arith.constant 80 : i32
      %mul3A_710 = arith.muli %add3A_708, %mul3A_709 : i32
      %dma_start3A_711 = tpu.memref_slice %arg14[%mul3A_710] : memref<2000xi32, #tpu.memory_space<vmem>> -> memref<80xi32, #tpu.memory_space<vmem>>
      %dma_start3A_712 = arith.constant 0 : i32
      %dma_start3A_713 = arith.constant 0 : i32
      %dma_start3A_714 = tpu.memref_slice %arg10[%dma_start3A_712, %dma_start3A_713] : memref<10240x16xf32, #tpu.memory_space<vmem_shared>> -> memref<10240x16xf32, #tpu.memory_space<vmem_shared>>
      tpu.enqueue_indirect_dma source(%arg18 : memref<80x16xf32, #tpu.memory_space<vmem>>) target(%dma_start3A_714 : memref<10240x16xf32, #tpu.memory_space<vmem_shared>>) offsets(%dma_start3A_711 : memref<80xi32, #tpu.memory_space<vmem>>) semaphore(%arg23 : memref<!tpu.dma_semaphore, #tpu.memory_space<semaphore_mem>>) {add = true}
    }
    %scan3A_378 = arith.constant 12 : i32
    %dma_wait3A_379 = arith.constant 0 : i32
    %dma_wait3A_380 = tpu.memref_slice %arg14[%dma_wait3A_379] : memref<2000xi32, #tpu.memory_space<vmem>> -> memref<80xi32, #tpu.memory_space<vmem>>
    %dma_wait3A_381 = arith.constant 0 : i32
    %dma_wait3A_382 = arith.constant 0 : i32
    %dma_wait3A_383 = tpu.memref_slice %arg10[%dma_wait3A_381, %dma_wait3A_382] : memref<10240x16xf32, #tpu.memory_space<vmem_shared>> -> memref<10240x16xf32, #tpu.memory_space<vmem_shared>>
    tpu.wait_indirect_dma semaphore(%arg23 : memref<!tpu.dma_semaphore, #tpu.memory_space<semaphore_mem>>) src(%arg18 : memref<80x16xf32, #tpu.memory_space<vmem>>) dst(%dma_wait3A_383 : memref<10240x16xf32, #tpu.memory_space<vmem_shared>>)
    %dma_wait3A_384 = arith.constant 0 : i32
    %dma_wait3A_385 = tpu.memref_slice %arg14[%dma_wait3A_384] : memref<2000xi32, #tpu.memory_space<vmem>> -> memref<80xi32, #tpu.memory_space<vmem>>
    %dma_wait3A_386 = arith.constant 0 : i32
    %dma_wait3A_387 = arith.constant 0 : i32
    %dma_wait3A_388 = tpu.memref_slice %arg10[%dma_wait3A_386, %dma_wait3A_387] : memref<10240x16xf32, #tpu.memory_space<vmem_shared>> -> memref<10240x16xf32, #tpu.memory_space<vmem_shared>>
    tpu.wait_indirect_dma semaphore(%arg23 : memref<!tpu.dma_semaphore, #tpu.memory_space<semaphore_mem>>) src(%arg18 : memref<80x16xf32, #tpu.memory_space<vmem>>) dst(%dma_wait3A_388 : memref<10240x16xf32, #tpu.memory_space<vmem_shared>>)
    %dma_wait3A_389 = arith.constant 0 : i32
    %dma_wait3A_390 = tpu.memref_slice %arg3[%dma_wait3A_389, %add3A_362] : memref<2x320000xi32, #tpu.memory_space<hbm>> -> memref<1x2000xi32, #tpu.memory_space<hbm>>
    %dma_wait3A_391 = tpu.memref_squeeze %dma_wait3A_390 : memref<1x2000xi32, #tpu.memory_space<hbm>> -> memref<2000xi32, #tpu.memory_space<hbm>>
    %dma_wait3A_392 = tpu.memref_slice %arg3[%dma_wait3A_389, %add3A_362] : memref<2x320000xi32, #tpu.memory_space<hbm>> -> memref<1x2000xi32, #tpu.memory_space<hbm>>
    %dma_wait3A_393 = tpu.memref_squeeze %dma_wait3A_392 : memref<1x2000xi32, #tpu.memory_space<hbm>> -> memref<2000xi32, #tpu.memory_space<hbm>>
    tpu.wait_dma2 semaphore(%arg21 : memref<!tpu.dma_semaphore, #tpu.memory_space<semaphore_mem>>) src(%dma_wait3A_393 : memref<2000xi32, #tpu.memory_space<hbm>>) dst(%arg11 : memref<2000xi32, #tpu.memory_space<vmem>>)
    %dma_wait3A_394 = arith.constant 1 : i32
    %dma_wait3A_395 = tpu.memref_slice %arg3[%dma_wait3A_394, %add3A_362] : memref<2x320000xi32, #tpu.memory_space<hbm>> -> memref<1x2000xi32, #tpu.memory_space<hbm>>
    %dma_wait3A_396 = tpu.memref_squeeze %dma_wait3A_395 : memref<1x2000xi32, #tpu.memory_space<hbm>> -> memref<2000xi32, #tpu.memory_space<hbm>>
    %dma_wait3A_397 = tpu.memref_slice %arg3[%dma_wait3A_394, %add3A_362] : memref<2x320000xi32, #tpu.memory_space<hbm>> -> memref<1x2000xi32, #tpu.memory_space<hbm>>
    %dma_wait3A_398 = tpu.memref_squeeze %dma_wait3A_397 : memref<1x2000xi32, #tpu.memory_space<hbm>> -> memref<2000xi32, #tpu.memory_space<hbm>>
    tpu.wait_dma2 semaphore(%arg21 : memref<!tpu.dma_semaphore, #tpu.memory_space<semaphore_mem>>) src(%dma_wait3A_398 : memref<2000xi32, #tpu.memory_space<hbm>>) dst(%arg12 : memref<2000xi32, #tpu.memory_space<vmem>>)
    %dma_wait3A_399 = arith.constant 0 : i32
    %dma_wait3A_400 = tpu.memref_slice %arg13[%dma_wait3A_399] : memref<2000xi32, #tpu.memory_space<vmem>> -> memref<80xi32, #tpu.memory_space<vmem>>
    %dma_wait3A_401 = arith.constant 0 : i32
    %dma_wait3A_402 = arith.constant 0 : i32
    %dma_wait3A_403 = tpu.memref_slice %arg2[%dma_wait3A_401, %dma_wait3A_402] : memref<10000x128xf32, #tpu.memory_space<hbm>> -> memref<10000x128xf32, #tpu.memory_space<hbm>>
    tpu.wait_indirect_dma semaphore(%arg20 : memref<!tpu.dma_semaphore, #tpu.memory_space<semaphore_mem>>) src(%dma_wait3A_403 : memref<10000x128xf32, #tpu.memory_space<hbm>>) dst(%arg16 : memref<80x128xf32, #tpu.memory_space<vmem>>)
    %dma_start3A_404 = arith.constant 0 : i32
    %dma_start3A_405 = tpu.memref_slice %arg11[%dma_start3A_404] : memref<2000xi32, #tpu.memory_space<vmem>> -> memref<80xi32, #tpu.memory_space<vmem>>
    %dma_start3A_406 = arith.constant 0 : i32
    %dma_start3A_407 = arith.constant 0 : i32
    %dma_start3A_408 = tpu.memref_slice %arg2[%dma_start3A_406, %dma_start3A_407] : memref<10000x128xf32, #tpu.memory_space<hbm>> -> memref<10000x128xf32, #tpu.memory_space<hbm>>
    tpu.enqueue_indirect_dma source(%dma_start3A_408 : memref<10000x128xf32, #tpu.memory_space<hbm>>) target(%arg15 : memref<80x128xf32, #tpu.memory_space<vmem>>) offsets(%dma_start3A_405 : memref<80xi32, #tpu.memory_space<vmem>>) semaphore(%arg19 : memref<!tpu.dma_semaphore, #tpu.memory_space<semaphore_mem>>)
    "tpu.region"() ({
      %run_scoped3A = tpu.sem_alloc : memref<!tpu.dma_semaphore, #tpu.memory_space<semaphore_mem>>
      %dma_start3A_659 = arith.constant 1920 : i32
      %dma_start3A_660 = tpu.memref_slice %arg14[%dma_start3A_659] : memref<2000xi32, #tpu.memory_space<vmem>> -> memref<80xi32, #tpu.memory_space<vmem>>
      %dma_start3A_661 = arith.constant 0 : i32
      %dma_start3A_662 = arith.constant 0 : i32
      %dma_start3A_663 = tpu.memref_slice %arg9[%dma_start3A_661, %dma_start3A_662] : memref<10240x128xf32, #tpu.memory_space<vmem_shared>> -> memref<10240x128xf32, #tpu.memory_space<vmem_shared>>
      tpu.enqueue_indirect_dma source(%arg16 : memref<80x128xf32, #tpu.memory_space<vmem>>) target(%dma_start3A_663 : memref<10240x128xf32, #tpu.memory_space<vmem_shared>>) offsets(%dma_start3A_660 : memref<80xi32, #tpu.memory_space<vmem>>) semaphore(%run_scoped3A : memref<!tpu.dma_semaphore, #tpu.memory_space<semaphore_mem>>) {add = true}
      %dma_wait3A_664 = arith.constant 1920 : i32
      %dma_wait3A_665 = tpu.memref_slice %arg14[%dma_wait3A_664] : memref<2000xi32, #tpu.memory_space<vmem>> -> memref<80xi32, #tpu.memory_space<vmem>>
      %dma_wait3A_666 = arith.constant 0 : i32
      %dma_wait3A_667 = arith.constant 0 : i32
      %dma_wait3A_668 = tpu.memref_slice %arg9[%dma_wait3A_666, %dma_wait3A_667] : memref<10240x128xf32, #tpu.memory_space<vmem_shared>> -> memref<10240x128xf32, #tpu.memory_space<vmem_shared>>
      tpu.wait_indirect_dma semaphore(%run_scoped3A : memref<!tpu.dma_semaphore, #tpu.memory_space<semaphore_mem>>) src(%arg16 : memref<80x128xf32, #tpu.memory_space<vmem>>) dst(%dma_wait3A_668 : memref<10240x128xf32, #tpu.memory_space<vmem_shared>>)
      tpu.yield
    }) : () -> ()
    %dma_start3A_409 = arith.constant 1920 : i32
    %dma_start3A_410 = tpu.memref_slice %arg14[%dma_start3A_409] : memref<2000xi32, #tpu.memory_space<vmem>> -> memref<80xi32, #tpu.memory_space<vmem>>
    %dma_start3A_411 = arith.constant 0 : i32
    %dma_start3A_412 = arith.constant 0 : i32
    %dma_start3A_413 = tpu.memref_slice %arg10[%dma_start3A_411, %dma_start3A_412] : memref<10240x16xf32, #tpu.memory_space<vmem_shared>> -> memref<10240x16xf32, #tpu.memory_space<vmem_shared>>
    tpu.enqueue_indirect_dma source(%arg18 : memref<80x16xf32, #tpu.memory_space<vmem>>) target(%dma_start3A_413 : memref<10240x16xf32, #tpu.memory_space<vmem_shared>>) offsets(%dma_start3A_410 : memref<80xi32, #tpu.memory_space<vmem>>) semaphore(%arg23 : memref<!tpu.dma_semaphore, #tpu.memory_space<semaphore_mem>>) {add = true}
    %dma_wait3A_414 = arith.constant 0 : i32
    %dma_wait3A_415 = tpu.memref_slice %arg14[%dma_wait3A_414] : memref<2000xi32, #tpu.memory_space<vmem>> -> memref<80xi32, #tpu.memory_space<vmem>>
    %dma_wait3A_416 = arith.constant 0 : i32
    %dma_wait3A_417 = arith.constant 0 : i32
    %dma_wait3A_418 = tpu.memref_slice %arg10[%dma_wait3A_416, %dma_wait3A_417] : memref<10240x16xf32, #tpu.memory_space<vmem_shared>> -> memref<10240x16xf32, #tpu.memory_space<vmem_shared>>
    tpu.wait_indirect_dma semaphore(%arg23 : memref<!tpu.dma_semaphore, #tpu.memory_space<semaphore_mem>>) src(%arg18 : memref<80x16xf32, #tpu.memory_space<vmem>>) dst(%dma_wait3A_418 : memref<10240x16xf32, #tpu.memory_space<vmem_shared>>)
    %scan3A_419 = arith.constant 0 : i32
    %scan3A_420 = arith.constant 0 : i32
    %scan3A_421 = arith.constant 12 : i32
    %scan3A_422 = arith.addi %scan3A_420, %scan3A_421 : i32
    %scan3A_423 = arith.constant 1 : i32
    scf.for %scan3A_659 = %scan3A_420 to %scan3A_422 step %scan3A_423  : i32 {
      %mul3A_660 = arith.constant 2 : i32
      %mul3A_661 = arith.muli %mul3A_660, %scan3A_659 : i32
      %add3A_662 = arith.constant 1 : i32
      %add3A_663 = arith.addi %mul3A_661, %add3A_662 : i32
      %mul3A_664 = arith.constant 80 : i32
      %mul3A_665 = arith.muli %add3A_663, %mul3A_664 : i32
      %dma_start3A_666 = tpu.memref_slice %arg11[%mul3A_665] : memref<2000xi32, #tpu.memory_space<vmem>> -> memref<80xi32, #tpu.memory_space<vmem>>
      %dma_start3A_667 = arith.constant 0 : i32
      %dma_start3A_668 = arith.constant 0 : i32
      %dma_start3A_669 = tpu.memref_slice %arg2[%dma_start3A_667, %dma_start3A_668] : memref<10000x128xf32, #tpu.memory_space<hbm>> -> memref<10000x128xf32, #tpu.memory_space<hbm>>
      tpu.enqueue_indirect_dma source(%dma_start3A_669 : memref<10000x128xf32, #tpu.memory_space<hbm>>) target(%arg16 : memref<80x128xf32, #tpu.memory_space<vmem>>) offsets(%dma_start3A_666 : memref<80xi32, #tpu.memory_space<vmem>>) semaphore(%arg20 : memref<!tpu.dma_semaphore, #tpu.memory_space<semaphore_mem>>)
      %dma_wait3A_670 = arith.constant 0 : i32
      %dma_wait3A_671 = tpu.memref_slice %arg11[%dma_wait3A_670] : memref<2000xi32, #tpu.memory_space<vmem>> -> memref<80xi32, #tpu.memory_space<vmem>>
      %dma_wait3A_672 = arith.constant 0 : i32
      %dma_wait3A_673 = arith.constant 0 : i32
      %dma_wait3A_674 = tpu.memref_slice %arg2[%dma_wait3A_672, %dma_wait3A_673] : memref<10000x128xf32, #tpu.memory_space<hbm>> -> memref<10000x128xf32, #tpu.memory_space<hbm>>
      tpu.wait_indirect_dma semaphore(%arg19 : memref<!tpu.dma_semaphore, #tpu.memory_space<semaphore_mem>>) src(%dma_wait3A_674 : memref<10000x128xf32, #tpu.memory_space<hbm>>) dst(%arg15 : memref<80x128xf32, #tpu.memory_space<vmem>>)
      %mul3A_675 = arith.constant 80 : i32
      %mul3A_676 = arith.muli %mul3A_661, %mul3A_675 : i32
      "tpu.region"() ({
        %run_scoped3A = tpu.sem_alloc : memref<!tpu.dma_semaphore, #tpu.memory_space<semaphore_mem>>
        %dma_start3A_715 = tpu.memref_slice %arg12[%mul3A_676] : memref<2000xi32, #tpu.memory_space<vmem>> -> memref<80xi32, #tpu.memory_space<vmem>>
        %dma_start3A_716 = arith.constant 0 : i32
        %dma_start3A_717 = arith.constant 0 : i32
        %dma_start3A_718 = tpu.memref_slice %arg9[%dma_start3A_716, %dma_start3A_717] : memref<10240x128xf32, #tpu.memory_space<vmem_shared>> -> memref<10240x128xf32, #tpu.memory_space<vmem_shared>>
        tpu.enqueue_indirect_dma source(%arg15 : memref<80x128xf32, #tpu.memory_space<vmem>>) target(%dma_start3A_718 : memref<10240x128xf32, #tpu.memory_space<vmem_shared>>) offsets(%dma_start3A_715 : memref<80xi32, #tpu.memory_space<vmem>>) semaphore(%run_scoped3A : memref<!tpu.dma_semaphore, #tpu.memory_space<semaphore_mem>>) {add = true}
        %dma_wait3A_719 = tpu.memref_slice %arg12[%mul3A_676] : memref<2000xi32, #tpu.memory_space<vmem>> -> memref<80xi32, #tpu.memory_space<vmem>>
        %dma_wait3A_720 = arith.constant 0 : i32
        %dma_wait3A_721 = arith.constant 0 : i32
        %dma_wait3A_722 = tpu.memref_slice %arg9[%dma_wait3A_720, %dma_wait3A_721] : memref<10240x128xf32, #tpu.memory_space<vmem_shared>> -> memref<10240x128xf32, #tpu.memory_space<vmem_shared>>
        tpu.wait_indirect_dma semaphore(%run_scoped3A : memref<!tpu.dma_semaphore, #tpu.memory_space<semaphore_mem>>) src(%arg15 : memref<80x128xf32, #tpu.memory_space<vmem>>) dst(%dma_wait3A_722 : memref<10240x128xf32, #tpu.memory_space<vmem_shared>>)
        tpu.yield
      }) : () -> ()
      %gt3A = arith.constant 0 : i32
      %gt3A_677 = arith.cmpi sgt, %scan3A_659, %gt3A : i32
      %convert_element_type3A = arith.extui %gt3A_677 : i1 to i32
      %cond3A = arith.constant 0 : i32
      %cond3A_678 = arith.cmpi ne, %convert_element_type3A, %cond3A : i32
      scf.if %cond3A_678 {
        %dma_wait3A_715 = arith.constant 0 : i32
        %dma_wait3A_716 = tpu.memref_slice %arg12[%dma_wait3A_715] : memref<2000xi32, #tpu.memory_space<vmem>> -> memref<80xi32, #tpu.memory_space<vmem>>
        %dma_wait3A_717 = arith.constant 0 : i32
        %dma_wait3A_718 = arith.constant 0 : i32
        %dma_wait3A_719 = tpu.memref_slice %arg10[%dma_wait3A_717, %dma_wait3A_718] : memref<10240x16xf32, #tpu.memory_space<vmem_shared>> -> memref<10240x16xf32, #tpu.memory_space<vmem_shared>>
        tpu.wait_indirect_dma semaphore(%arg23 : memref<!tpu.dma_semaphore, #tpu.memory_space<semaphore_mem>>) src(%arg18 : memref<80x16xf32, #tpu.memory_space<vmem>>) dst(%dma_wait3A_719 : memref<10240x16xf32, #tpu.memory_space<vmem_shared>>)
      } else {
      }
      %mul3A_679 = arith.constant 80 : i32
      %mul3A_680 = arith.muli %mul3A_661, %mul3A_679 : i32
      %dma_start3A_681 = tpu.memref_slice %arg12[%mul3A_680] : memref<2000xi32, #tpu.memory_space<vmem>> -> memref<80xi32, #tpu.memory_space<vmem>>
      %dma_start3A_682 = arith.constant 0 : i32
      %dma_start3A_683 = arith.constant 0 : i32
      %dma_start3A_684 = tpu.memref_slice %arg10[%dma_start3A_682, %dma_start3A_683] : memref<10240x16xf32, #tpu.memory_space<vmem_shared>> -> memref<10240x16xf32, #tpu.memory_space<vmem_shared>>
      tpu.enqueue_indirect_dma source(%arg18 : memref<80x16xf32, #tpu.memory_space<vmem>>) target(%dma_start3A_684 : memref<10240x16xf32, #tpu.memory_space<vmem_shared>>) offsets(%dma_start3A_681 : memref<80xi32, #tpu.memory_space<vmem>>) semaphore(%arg23 : memref<!tpu.dma_semaphore, #tpu.memory_space<semaphore_mem>>) {add = true}
      %add3A_685 = arith.constant 2 : i32
      %add3A_686 = arith.addi %mul3A_661, %add3A_685 : i32
      %mul3A_687 = arith.constant 80 : i32
      %mul3A_688 = arith.muli %add3A_686, %mul3A_687 : i32
      %dma_start3A_689 = tpu.memref_slice %arg11[%mul3A_688] : memref<2000xi32, #tpu.memory_space<vmem>> -> memref<80xi32, #tpu.memory_space<vmem>>
      %dma_start3A_690 = arith.constant 0 : i32
      %dma_start3A_691 = arith.constant 0 : i32
      %dma_start3A_692 = tpu.memref_slice %arg2[%dma_start3A_690, %dma_start3A_691] : memref<10000x128xf32, #tpu.memory_space<hbm>> -> memref<10000x128xf32, #tpu.memory_space<hbm>>
      tpu.enqueue_indirect_dma source(%dma_start3A_692 : memref<10000x128xf32, #tpu.memory_space<hbm>>) target(%arg15 : memref<80x128xf32, #tpu.memory_space<vmem>>) offsets(%dma_start3A_689 : memref<80xi32, #tpu.memory_space<vmem>>) semaphore(%arg19 : memref<!tpu.dma_semaphore, #tpu.memory_space<semaphore_mem>>)
      %dma_wait3A_693 = arith.constant 0 : i32
      %dma_wait3A_694 = tpu.memref_slice %arg11[%dma_wait3A_693] : memref<2000xi32, #tpu.memory_space<vmem>> -> memref<80xi32, #tpu.memory_space<vmem>>
      %dma_wait3A_695 = arith.constant 0 : i32
      %dma_wait3A_696 = arith.constant 0 : i32
      %dma_wait3A_697 = tpu.memref_slice %arg2[%dma_wait3A_695, %dma_wait3A_696] : memref<10000x128xf32, #tpu.memory_space<hbm>> -> memref<10000x128xf32, #tpu.memory_space<hbm>>
      tpu.wait_indirect_dma semaphore(%arg20 : memref<!tpu.dma_semaphore, #tpu.memory_space<semaphore_mem>>) src(%dma_wait3A_697 : memref<10000x128xf32, #tpu.memory_space<hbm>>) dst(%arg16 : memref<80x128xf32, #tpu.memory_space<vmem>>)
      %add3A_698 = arith.constant 1 : i32
      %add3A_699 = arith.addi %mul3A_661, %add3A_698 : i32
      %mul3A_700 = arith.constant 80 : i32
      %mul3A_701 = arith.muli %add3A_699, %mul3A_700 : i32
      "tpu.region"() ({
        %run_scoped3A = tpu.sem_alloc : memref<!tpu.dma_semaphore, #tpu.memory_space<semaphore_mem>>
        %dma_start3A_715 = tpu.memref_slice %arg12[%mul3A_701] : memref<2000xi32, #tpu.memory_space<vmem>> -> memref<80xi32, #tpu.memory_space<vmem>>
        %dma_start3A_716 = arith.constant 0 : i32
        %dma_start3A_717 = arith.constant 0 : i32
        %dma_start3A_718 = tpu.memref_slice %arg9[%dma_start3A_716, %dma_start3A_717] : memref<10240x128xf32, #tpu.memory_space<vmem_shared>> -> memref<10240x128xf32, #tpu.memory_space<vmem_shared>>
        tpu.enqueue_indirect_dma source(%arg16 : memref<80x128xf32, #tpu.memory_space<vmem>>) target(%dma_start3A_718 : memref<10240x128xf32, #tpu.memory_space<vmem_shared>>) offsets(%dma_start3A_715 : memref<80xi32, #tpu.memory_space<vmem>>) semaphore(%run_scoped3A : memref<!tpu.dma_semaphore, #tpu.memory_space<semaphore_mem>>) {add = true}
        %dma_wait3A_719 = tpu.memref_slice %arg12[%mul3A_701] : memref<2000xi32, #tpu.memory_space<vmem>> -> memref<80xi32, #tpu.memory_space<vmem>>
        %dma_wait3A_720 = arith.constant 0 : i32
        %dma_wait3A_721 = arith.constant 0 : i32
        %dma_wait3A_722 = tpu.memref_slice %arg9[%dma_wait3A_720, %dma_wait3A_721] : memref<10240x128xf32, #tpu.memory_space<vmem_shared>> -> memref<10240x128xf32, #tpu.memory_space<vmem_shared>>
        tpu.wait_indirect_dma semaphore(%run_scoped3A : memref<!tpu.dma_semaphore, #tpu.memory_space<semaphore_mem>>) src(%arg16 : memref<80x128xf32, #tpu.memory_space<vmem>>) dst(%dma_wait3A_722 : memref<10240x128xf32, #tpu.memory_space<vmem_shared>>)
        tpu.yield
      }) : () -> ()
      %gt3A_702 = arith.constant 0 : i32
      %gt3A_703 = arith.cmpi sgt, %scan3A_659, %gt3A_702 : i32
      %convert_element_type3A_704 = arith.extui %gt3A_703 : i1 to i32
      %cond3A_705 = arith.constant 0 : i32
      %cond3A_706 = arith.cmpi ne, %convert_element_type3A_704, %cond3A_705 : i32
      scf.if %cond3A_706 {
        %dma_wait3A_715 = arith.constant 0 : i32
        %dma_wait3A_716 = tpu.memref_slice %arg12[%dma_wait3A_715] : memref<2000xi32, #tpu.memory_space<vmem>> -> memref<80xi32, #tpu.memory_space<vmem>>
        %dma_wait3A_717 = arith.constant 0 : i32
        %dma_wait3A_718 = arith.constant 0 : i32
        %dma_wait3A_719 = tpu.memref_slice %arg10[%dma_wait3A_717, %dma_wait3A_718] : memref<10240x16xf32, #tpu.memory_space<vmem_shared>> -> memref<10240x16xf32, #tpu.memory_space<vmem_shared>>
        tpu.wait_indirect_dma semaphore(%arg23 : memref<!tpu.dma_semaphore, #tpu.memory_space<semaphore_mem>>) src(%arg18 : memref<80x16xf32, #tpu.memory_space<vmem>>) dst(%dma_wait3A_719 : memref<10240x16xf32, #tpu.memory_space<vmem_shared>>)
      } else {
      }
      %add3A_707 = arith.constant 1 : i32
      %add3A_708 = arith.addi %mul3A_661, %add3A_707 : i32
      %mul3A_709 = arith.constant 80 : i32
      %mul3A_710 = arith.muli %add3A_708, %mul3A_709 : i32
      %dma_start3A_711 = tpu.memref_slice %arg12[%mul3A_710] : memref<2000xi32, #tpu.memory_space<vmem>> -> memref<80xi32, #tpu.memory_space<vmem>>
      %dma_start3A_712 = arith.constant 0 : i32
      %dma_start3A_713 = arith.constant 0 : i32
      %dma_start3A_714 = tpu.memref_slice %arg10[%dma_start3A_712, %dma_start3A_713] : memref<10240x16xf32, #tpu.memory_space<vmem_shared>> -> memref<10240x16xf32, #tpu.memory_space<vmem_shared>>
      tpu.enqueue_indirect_dma source(%arg18 : memref<80x16xf32, #tpu.memory_space<vmem>>) target(%dma_start3A_714 : memref<10240x16xf32, #tpu.memory_space<vmem_shared>>) offsets(%dma_start3A_711 : memref<80xi32, #tpu.memory_space<vmem>>) semaphore(%arg23 : memref<!tpu.dma_semaphore, #tpu.memory_space<semaphore_mem>>) {add = true}
    }
    %scan3A_424 = arith.constant 12 : i32
    %dma_wait3A_425 = arith.constant 0 : i32
    %dma_wait3A_426 = tpu.memref_slice %arg12[%dma_wait3A_425] : memref<2000xi32, #tpu.memory_space<vmem>> -> memref<80xi32, #tpu.memory_space<vmem>>
    %dma_wait3A_427 = arith.constant 0 : i32
    %dma_wait3A_428 = arith.constant 0 : i32
    %dma_wait3A_429 = tpu.memref_slice %arg10[%dma_wait3A_427, %dma_wait3A_428] : memref<10240x16xf32, #tpu.memory_space<vmem_shared>> -> memref<10240x16xf32, #tpu.memory_space<vmem_shared>>
    tpu.wait_indirect_dma semaphore(%arg23 : memref<!tpu.dma_semaphore, #tpu.memory_space<semaphore_mem>>) src(%arg18 : memref<80x16xf32, #tpu.memory_space<vmem>>) dst(%dma_wait3A_429 : memref<10240x16xf32, #tpu.memory_space<vmem_shared>>)
    %dma_wait3A_430 = arith.constant 0 : i32
    %dma_wait3A_431 = tpu.memref_slice %arg12[%dma_wait3A_430] : memref<2000xi32, #tpu.memory_space<vmem>> -> memref<80xi32, #tpu.memory_space<vmem>>
    %dma_wait3A_432 = arith.constant 0 : i32
    %dma_wait3A_433 = arith.constant 0 : i32
    %dma_wait3A_434 = tpu.memref_slice %arg10[%dma_wait3A_432, %dma_wait3A_433] : memref<10240x16xf32, #tpu.memory_space<vmem_shared>> -> memref<10240x16xf32, #tpu.memory_space<vmem_shared>>
    tpu.wait_indirect_dma semaphore(%arg23 : memref<!tpu.dma_semaphore, #tpu.memory_space<semaphore_mem>>) src(%arg18 : memref<80x16xf32, #tpu.memory_space<vmem>>) dst(%dma_wait3A_434 : memref<10240x16xf32, #tpu.memory_space<vmem_shared>>)
    %dma_wait3A_435 = arith.constant 0 : i32
    %dma_wait3A_436 = tpu.memref_slice %arg11[%dma_wait3A_435] : memref<2000xi32, #tpu.memory_space<vmem>> -> memref<80xi32, #tpu.memory_space<vmem>>
    %dma_wait3A_437 = arith.constant 0 : i32
    %dma_wait3A_438 = arith.constant 0 : i32
    %dma_wait3A_439 = tpu.memref_slice %arg2[%dma_wait3A_437, %dma_wait3A_438] : memref<10000x128xf32, #tpu.memory_space<hbm>> -> memref<10000x128xf32, #tpu.memory_space<hbm>>
    tpu.wait_indirect_dma semaphore(%arg19 : memref<!tpu.dma_semaphore, #tpu.memory_space<semaphore_mem>>) src(%dma_wait3A_439 : memref<10000x128xf32, #tpu.memory_space<hbm>>) dst(%arg15 : memref<80x128xf32, #tpu.memory_space<vmem>>)
    "tpu.region"() ({
      %run_scoped3A = tpu.sem_alloc : memref<!tpu.dma_semaphore, #tpu.memory_space<semaphore_mem>>
      %dma_start3A_659 = arith.constant 1920 : i32
      %dma_start3A_660 = tpu.memref_slice %arg12[%dma_start3A_659] : memref<2000xi32, #tpu.memory_space<vmem>> -> memref<80xi32, #tpu.memory_space<vmem>>
      %dma_start3A_661 = arith.constant 0 : i32
      %dma_start3A_662 = arith.constant 0 : i32
      %dma_start3A_663 = tpu.memref_slice %arg9[%dma_start3A_661, %dma_start3A_662] : memref<10240x128xf32, #tpu.memory_space<vmem_shared>> -> memref<10240x128xf32, #tpu.memory_space<vmem_shared>>
      tpu.enqueue_indirect_dma source(%arg15 : memref<80x128xf32, #tpu.memory_space<vmem>>) target(%dma_start3A_663 : memref<10240x128xf32, #tpu.memory_space<vmem_shared>>) offsets(%dma_start3A_660 : memref<80xi32, #tpu.memory_space<vmem>>) semaphore(%run_scoped3A : memref<!tpu.dma_semaphore, #tpu.memory_space<semaphore_mem>>) {add = true}
      %dma_wait3A_664 = arith.constant 1920 : i32
      %dma_wait3A_665 = tpu.memref_slice %arg12[%dma_wait3A_664] : memref<2000xi32, #tpu.memory_space<vmem>> -> memref<80xi32, #tpu.memory_space<vmem>>
      %dma_wait3A_666 = arith.constant 0 : i32
      %dma_wait3A_667 = arith.constant 0 : i32
      %dma_wait3A_668 = tpu.memref_slice %arg9[%dma_wait3A_666, %dma_wait3A_667] : memref<10240x128xf32, #tpu.memory_space<vmem_shared>> -> memref<10240x128xf32, #tpu.memory_space<vmem_shared>>
      tpu.wait_indirect_dma semaphore(%run_scoped3A : memref<!tpu.dma_semaphore, #tpu.memory_space<semaphore_mem>>) src(%arg15 : memref<80x128xf32, #tpu.memory_space<vmem>>) dst(%dma_wait3A_668 : memref<10240x128xf32, #tpu.memory_space<vmem_shared>>)
      tpu.yield
    }) : () -> ()
    %dma_start3A_440 = arith.constant 1920 : i32
    %dma_start3A_441 = tpu.memref_slice %arg12[%dma_start3A_440] : memref<2000xi32, #tpu.memory_space<vmem>> -> memref<80xi32, #tpu.memory_space<vmem>>
    %dma_start3A_442 = arith.constant 0 : i32
    %dma_start3A_443 = arith.constant 0 : i32
    %dma_start3A_444 = tpu.memref_slice %arg10[%dma_start3A_442, %dma_start3A_443] : memref<10240x16xf32, #tpu.memory_space<vmem_shared>> -> memref<10240x16xf32, #tpu.memory_space<vmem_shared>>
    tpu.enqueue_indirect_dma source(%arg18 : memref<80x16xf32, #tpu.memory_space<vmem>>) target(%dma_start3A_444 : memref<10240x16xf32, #tpu.memory_space<vmem_shared>>) offsets(%dma_start3A_441 : memref<80xi32, #tpu.memory_space<vmem>>) semaphore(%arg23 : memref<!tpu.dma_semaphore, #tpu.memory_space<semaphore_mem>>) {add = true}
    %dma_wait3A_445 = arith.constant 0 : i32
    %dma_wait3A_446 = tpu.memref_slice %arg12[%dma_wait3A_445] : memref<2000xi32, #tpu.memory_space<vmem>> -> memref<80xi32, #tpu.memory_space<vmem>>
    %dma_wait3A_447 = arith.constant 0 : i32
    %dma_wait3A_448 = arith.constant 0 : i32
    %dma_wait3A_449 = tpu.memref_slice %arg10[%dma_wait3A_447, %dma_wait3A_448] : memref<10240x16xf32, #tpu.memory_space<vmem_shared>> -> memref<10240x16xf32, #tpu.memory_space<vmem_shared>>
    tpu.wait_indirect_dma semaphore(%arg23 : memref<!tpu.dma_semaphore, #tpu.memory_space<semaphore_mem>>) src(%arg18 : memref<80x16xf32, #tpu.memory_space<vmem>>) dst(%dma_wait3A_449 : memref<10240x16xf32, #tpu.memory_space<vmem_shared>>)
    %barrier3A_450 = arith.constant 0 : index
    tpu.barrier barrier_id(%barrier3A_450)
    %add3A_451 = arith.constant 0 : i32
    %add3A_452 = arith.addi %mul3A_4, %add3A_451 : i32
    "tpu.region"() ({
      %run_scoped3A = tpu.sem_alloc : memref<!tpu.dma_semaphore, #tpu.memory_space<semaphore_mem>>
      %dma_start3A_659 = arith.constant 0 : i32
      %dma_start3A_660 = tpu.memref_slice %arg9[%add3A_452, %dma_start3A_659] : memref<10240x128xf32, #tpu.memory_space<vmem_shared>> -> memref<80x128xf32, #tpu.memory_space<vmem_shared>>
      %dma_start3A_661 = arith.constant 0 : i32
      %dma_start3A_662 = tpu.memref_slice %arg9[%add3A_452, %dma_start3A_661] : memref<10240x128xf32, #tpu.memory_space<vmem_shared>> -> memref<80x128xf32, #tpu.memory_space<vmem_shared>>
      tpu.enqueue_dma source(%dma_start3A_662 : memref<80x128xf32, #tpu.memory_space<vmem_shared>>) target(%arg15 : memref<80x128xf32, #tpu.memory_space<vmem>>) target_semaphore(%run_scoped3A : memref<!tpu.dma_semaphore, #tpu.memory_space<semaphore_mem>>)
      %dma_wait3A_663 = arith.constant 0 : i32
      %dma_wait3A_664 = tpu.memref_slice %arg9[%add3A_452, %dma_wait3A_663] : memref<10240x128xf32, #tpu.memory_space<vmem_shared>> -> memref<80x128xf32, #tpu.memory_space<vmem_shared>>
      %dma_wait3A_665 = arith.constant 0 : i32
      %dma_wait3A_666 = tpu.memref_slice %arg9[%add3A_452, %dma_wait3A_665] : memref<10240x128xf32, #tpu.memory_space<vmem_shared>> -> memref<80x128xf32, #tpu.memory_space<vmem_shared>>
      tpu.wait_dma2 semaphore(%run_scoped3A : memref<!tpu.dma_semaphore, #tpu.memory_space<semaphore_mem>>) src(%dma_wait3A_666 : memref<80x128xf32, #tpu.memory_space<vmem_shared>>) dst(%arg15 : memref<80x128xf32, #tpu.memory_space<vmem>>)
      tpu.yield
    }) : () -> ()
    %dma_start3A_453 = arith.constant 0 : i32
    %dma_start3A_454 = tpu.memref_slice %arg7[%arg0, %add3A_452, %dma_start3A_453] : memref<2x10240x128xf32, #tpu.memory_space<hbm>> -> memref<1x80x128xf32, #tpu.memory_space<hbm>>
    %dma_start3A_455 = tpu.memref_squeeze %dma_start3A_454 : memref<1x80x128xf32, #tpu.memory_space<hbm>> -> memref<80x128xf32, #tpu.memory_space<hbm>>
    %dma_start3A_456 = arith.constant 0 : i32
    %dma_start3A_457 = tpu.memref_slice %arg7[%arg0, %add3A_452, %dma_start3A_456] : memref<2x10240x128xf32, #tpu.memory_space<hbm>> -> memref<1x80x128xf32, #tpu.memory_space<hbm>>
    %dma_start3A_458 = tpu.memref_squeeze %dma_start3A_457 : memref<1x80x128xf32, #tpu.memory_space<hbm>> -> memref<80x128xf32, #tpu.memory_space<hbm>>
    tpu.enqueue_dma source(%arg15 : memref<80x128xf32, #tpu.memory_space<vmem>>) target(%dma_start3A_458 : memref<80x128xf32, #tpu.memory_space<hbm>>) target_semaphore(%arg22 : memref<!tpu.dma_semaphore, #tpu.memory_space<semaphore_mem>>)
    "tpu.region"() ({
      %run_scoped3A = tpu.sem_alloc : memref<!tpu.dma_semaphore, #tpu.memory_space<semaphore_mem>>
      %dma_start3A_659 = arith.constant 0 : i32
      %dma_start3A_660 = tpu.memref_slice %arg10[%add3A_452, %dma_start3A_659] : memref<10240x16xf32, #tpu.memory_space<vmem_shared>> -> memref<80x16xf32, #tpu.memory_space<vmem_shared>>
      %dma_start3A_661 = arith.constant 0 : i32
      %dma_start3A_662 = tpu.memref_slice %arg10[%add3A_452, %dma_start3A_661] : memref<10240x16xf32, #tpu.memory_space<vmem_shared>> -> memref<80x16xf32, #tpu.memory_space<vmem_shared>>
      tpu.enqueue_dma source(%dma_start3A_662 : memref<80x16xf32, #tpu.memory_space<vmem_shared>>) target(%arg17 : memref<80x16xf32, #tpu.memory_space<vmem>>) target_semaphore(%run_scoped3A : memref<!tpu.dma_semaphore, #tpu.memory_space<semaphore_mem>>)
      %dma_wait3A_663 = arith.constant 0 : i32
      %dma_wait3A_664 = tpu.memref_slice %arg10[%add3A_452, %dma_wait3A_663] : memref<10240x16xf32, #tpu.memory_space<vmem_shared>> -> memref<80x16xf32, #tpu.memory_space<vmem_shared>>
      %dma_wait3A_665 = arith.constant 0 : i32
      %dma_wait3A_666 = tpu.memref_slice %arg10[%add3A_452, %dma_wait3A_665] : memref<10240x16xf32, #tpu.memory_space<vmem_shared>> -> memref<80x16xf32, #tpu.memory_space<vmem_shared>>
      tpu.wait_dma2 semaphore(%run_scoped3A : memref<!tpu.dma_semaphore, #tpu.memory_space<semaphore_mem>>) src(%dma_wait3A_666 : memref<80x16xf32, #tpu.memory_space<vmem_shared>>) dst(%arg17 : memref<80x16xf32, #tpu.memory_space<vmem>>)
      tpu.yield
    }) : () -> ()
    %dma_start3A_459 = arith.constant 0 : i32
    %dma_start3A_460 = tpu.memref_slice %arg8[%arg0, %add3A_452, %dma_start3A_459] : memref<2x10240x16xf32, #tpu.memory_space<hbm>> -> memref<1x80x16xf32, #tpu.memory_space<hbm>>
    %dma_start3A_461 = tpu.memref_squeeze %dma_start3A_460 : memref<1x80x16xf32, #tpu.memory_space<hbm>> -> memref<80x16xf32, #tpu.memory_space<hbm>>
    %dma_start3A_462 = arith.constant 0 : i32
    %dma_start3A_463 = tpu.memref_slice %arg8[%arg0, %add3A_452, %dma_start3A_462] : memref<2x10240x16xf32, #tpu.memory_space<hbm>> -> memref<1x80x16xf32, #tpu.memory_space<hbm>>
    %dma_start3A_464 = tpu.memref_squeeze %dma_start3A_463 : memref<1x80x16xf32, #tpu.memory_space<hbm>> -> memref<80x16xf32, #tpu.memory_space<hbm>>
    tpu.enqueue_dma source(%arg17 : memref<80x16xf32, #tpu.memory_space<vmem>>) target(%dma_start3A_464 : memref<80x16xf32, #tpu.memory_space<hbm>>) target_semaphore(%arg22 : memref<!tpu.dma_semaphore, #tpu.memory_space<semaphore_mem>>)
    %add3A_465 = arith.constant 80 : i32
    %add3A_466 = arith.addi %mul3A_4, %add3A_465 : i32
    "tpu.region"() ({
      %run_scoped3A = tpu.sem_alloc : memref<!tpu.dma_semaphore, #tpu.memory_space<semaphore_mem>>
      %dma_start3A_659 = arith.constant 0 : i32
      %dma_start3A_660 = tpu.memref_slice %arg9[%add3A_466, %dma_start3A_659] : memref<10240x128xf32, #tpu.memory_space<vmem_shared>> -> memref<80x128xf32, #tpu.memory_space<vmem_shared>>
      %dma_start3A_661 = arith.constant 0 : i32
      %dma_start3A_662 = tpu.memref_slice %arg9[%add3A_466, %dma_start3A_661] : memref<10240x128xf32, #tpu.memory_space<vmem_shared>> -> memref<80x128xf32, #tpu.memory_space<vmem_shared>>
      tpu.enqueue_dma source(%dma_start3A_662 : memref<80x128xf32, #tpu.memory_space<vmem_shared>>) target(%arg16 : memref<80x128xf32, #tpu.memory_space<vmem>>) target_semaphore(%run_scoped3A : memref<!tpu.dma_semaphore, #tpu.memory_space<semaphore_mem>>)
      %dma_wait3A_663 = arith.constant 0 : i32
      %dma_wait3A_664 = tpu.memref_slice %arg9[%add3A_466, %dma_wait3A_663] : memref<10240x128xf32, #tpu.memory_space<vmem_shared>> -> memref<80x128xf32, #tpu.memory_space<vmem_shared>>
      %dma_wait3A_665 = arith.constant 0 : i32
      %dma_wait3A_666 = tpu.memref_slice %arg9[%add3A_466, %dma_wait3A_665] : memref<10240x128xf32, #tpu.memory_space<vmem_shared>> -> memref<80x128xf32, #tpu.memory_space<vmem_shared>>
      tpu.wait_dma2 semaphore(%run_scoped3A : memref<!tpu.dma_semaphore, #tpu.memory_space<semaphore_mem>>) src(%dma_wait3A_666 : memref<80x128xf32, #tpu.memory_space<vmem_shared>>) dst(%arg16 : memref<80x128xf32, #tpu.memory_space<vmem>>)
      tpu.yield
    }) : () -> ()
    %dma_start3A_467 = arith.constant 0 : i32
    %dma_start3A_468 = tpu.memref_slice %arg7[%arg0, %add3A_466, %dma_start3A_467] : memref<2x10240x128xf32, #tpu.memory_space<hbm>> -> memref<1x80x128xf32, #tpu.memory_space<hbm>>
    %dma_start3A_469 = tpu.memref_squeeze %dma_start3A_468 : memref<1x80x128xf32, #tpu.memory_space<hbm>> -> memref<80x128xf32, #tpu.memory_space<hbm>>
    %dma_start3A_470 = arith.constant 0 : i32
    %dma_start3A_471 = tpu.memref_slice %arg7[%arg0, %add3A_466, %dma_start3A_470] : memref<2x10240x128xf32, #tpu.memory_space<hbm>> -> memref<1x80x128xf32, #tpu.memory_space<hbm>>
    %dma_start3A_472 = tpu.memref_squeeze %dma_start3A_471 : memref<1x80x128xf32, #tpu.memory_space<hbm>> -> memref<80x128xf32, #tpu.memory_space<hbm>>
    tpu.enqueue_dma source(%arg16 : memref<80x128xf32, #tpu.memory_space<vmem>>) target(%dma_start3A_472 : memref<80x128xf32, #tpu.memory_space<hbm>>) target_semaphore(%arg22 : memref<!tpu.dma_semaphore, #tpu.memory_space<semaphore_mem>>)
    "tpu.region"() ({
      %run_scoped3A = tpu.sem_alloc : memref<!tpu.dma_semaphore, #tpu.memory_space<semaphore_mem>>
      %dma_start3A_659 = arith.constant 0 : i32
      %dma_start3A_660 = tpu.memref_slice %arg10[%add3A_466, %dma_start3A_659] : memref<10240x16xf32, #tpu.memory_space<vmem_shared>> -> memref<80x16xf32, #tpu.memory_space<vmem_shared>>
      %dma_start3A_661 = arith.constant 0 : i32
      %dma_start3A_662 = tpu.memref_slice %arg10[%add3A_466, %dma_start3A_661] : memref<10240x16xf32, #tpu.memory_space<vmem_shared>> -> memref<80x16xf32, #tpu.memory_space<vmem_shared>>
      tpu.enqueue_dma source(%dma_start3A_662 : memref<80x16xf32, #tpu.memory_space<vmem_shared>>) target(%arg18 : memref<80x16xf32, #tpu.memory_space<vmem>>) target_semaphore(%run_scoped3A : memref<!tpu.dma_semaphore, #tpu.memory_space<semaphore_mem>>)
      %dma_wait3A_663 = arith.constant 0 : i32
      %dma_wait3A_664 = tpu.memref_slice %arg10[%add3A_466, %dma_wait3A_663] : memref<10240x16xf32, #tpu.memory_space<vmem_shared>> -> memref<80x16xf32, #tpu.memory_space<vmem_shared>>
      %dma_wait3A_665 = arith.constant 0 : i32
      %dma_wait3A_666 = tpu.memref_slice %arg10[%add3A_466, %dma_wait3A_665] : memref<10240x16xf32, #tpu.memory_space<vmem_shared>> -> memref<80x16xf32, #tpu.memory_space<vmem_shared>>
      tpu.wait_dma2 semaphore(%run_scoped3A : memref<!tpu.dma_semaphore, #tpu.memory_space<semaphore_mem>>) src(%dma_wait3A_666 : memref<80x16xf32, #tpu.memory_space<vmem_shared>>) dst(%arg18 : memref<80x16xf32, #tpu.memory_space<vmem>>)
      tpu.yield
    }) : () -> ()
    %dma_start3A_473 = arith.constant 0 : i32
    %dma_start3A_474 = tpu.memref_slice %arg8[%arg0, %add3A_466, %dma_start3A_473] : memref<2x10240x16xf32, #tpu.memory_space<hbm>> -> memref<1x80x16xf32, #tpu.memory_space<hbm>>
    %dma_start3A_475 = tpu.memref_squeeze %dma_start3A_474 : memref<1x80x16xf32, #tpu.memory_space<hbm>> -> memref<80x16xf32, #tpu.memory_space<hbm>>
    %dma_start3A_476 = arith.constant 0 : i32
    %dma_start3A_477 = tpu.memref_slice %arg8[%arg0, %add3A_466, %dma_start3A_476] : memref<2x10240x16xf32, #tpu.memory_space<hbm>> -> memref<1x80x16xf32, #tpu.memory_space<hbm>>
    %dma_start3A_478 = tpu.memref_squeeze %dma_start3A_477 : memref<1x80x16xf32, #tpu.memory_space<hbm>> -> memref<80x16xf32, #tpu.memory_space<hbm>>
    tpu.enqueue_dma source(%arg18 : memref<80x16xf32, #tpu.memory_space<vmem>>) target(%dma_start3A_478 : memref<80x16xf32, #tpu.memory_space<hbm>>) target_semaphore(%arg22 : memref<!tpu.dma_semaphore, #tpu.memory_space<semaphore_mem>>)
    %add3A_479 = arith.constant 160 : i32
    %add3A_480 = arith.addi %mul3A_4, %add3A_479 : i32
    %dma_wait3A_481 = arith.constant 0 : i32
    %dma_wait3A_482 = tpu.memref_slice %arg7[%arg0, %add3A_452, %dma_wait3A_481] : memref<2x10240x128xf32, #tpu.memory_space<hbm>> -> memref<1x80x128xf32, #tpu.memory_space<hbm>>
    %dma_wait3A_483 = tpu.memref_squeeze %dma_wait3A_482 : memref<1x80x128xf32, #tpu.memory_space<hbm>> -> memref<80x128xf32, #tpu.memory_space<hbm>>
    %dma_wait3A_484 = arith.constant 0 : i32
    %dma_wait3A_485 = tpu.memref_slice %arg7[%arg0, %add3A_452, %dma_wait3A_484] : memref<2x10240x128xf32, #tpu.memory_space<hbm>> -> memref<1x80x128xf32, #tpu.memory_space<hbm>>
    %dma_wait3A_486 = tpu.memref_squeeze %dma_wait3A_485 : memref<1x80x128xf32, #tpu.memory_space<hbm>> -> memref<80x128xf32, #tpu.memory_space<hbm>>
    tpu.wait_dma2 semaphore(%arg22 : memref<!tpu.dma_semaphore, #tpu.memory_space<semaphore_mem>>) src(%arg15 : memref<80x128xf32, #tpu.memory_space<vmem>>) dst(%dma_wait3A_486 : memref<80x128xf32, #tpu.memory_space<hbm>>)
    "tpu.region"() ({
      %run_scoped3A = tpu.sem_alloc : memref<!tpu.dma_semaphore, #tpu.memory_space<semaphore_mem>>
      %dma_start3A_659 = arith.constant 0 : i32
      %dma_start3A_660 = tpu.memref_slice %arg9[%add3A_480, %dma_start3A_659] : memref<10240x128xf32, #tpu.memory_space<vmem_shared>> -> memref<80x128xf32, #tpu.memory_space<vmem_shared>>
      %dma_start3A_661 = arith.constant 0 : i32
      %dma_start3A_662 = tpu.memref_slice %arg9[%add3A_480, %dma_start3A_661] : memref<10240x128xf32, #tpu.memory_space<vmem_shared>> -> memref<80x128xf32, #tpu.memory_space<vmem_shared>>
      tpu.enqueue_dma source(%dma_start3A_662 : memref<80x128xf32, #tpu.memory_space<vmem_shared>>) target(%arg15 : memref<80x128xf32, #tpu.memory_space<vmem>>) target_semaphore(%run_scoped3A : memref<!tpu.dma_semaphore, #tpu.memory_space<semaphore_mem>>)
      %dma_wait3A_663 = arith.constant 0 : i32
      %dma_wait3A_664 = tpu.memref_slice %arg9[%add3A_480, %dma_wait3A_663] : memref<10240x128xf32, #tpu.memory_space<vmem_shared>> -> memref<80x128xf32, #tpu.memory_space<vmem_shared>>
      %dma_wait3A_665 = arith.constant 0 : i32
      %dma_wait3A_666 = tpu.memref_slice %arg9[%add3A_480, %dma_wait3A_665] : memref<10240x128xf32, #tpu.memory_space<vmem_shared>> -> memref<80x128xf32, #tpu.memory_space<vmem_shared>>
      tpu.wait_dma2 semaphore(%run_scoped3A : memref<!tpu.dma_semaphore, #tpu.memory_space<semaphore_mem>>) src(%dma_wait3A_666 : memref<80x128xf32, #tpu.memory_space<vmem_shared>>) dst(%arg15 : memref<80x128xf32, #tpu.memory_space<vmem>>)
      tpu.yield
    }) : () -> ()
    %dma_start3A_487 = arith.constant 0 : i32
    %dma_start3A_488 = tpu.memref_slice %arg7[%arg0, %add3A_480, %dma_start3A_487] : memref<2x10240x128xf32, #tpu.memory_space<hbm>> -> memref<1x80x128xf32, #tpu.memory_space<hbm>>
    %dma_start3A_489 = tpu.memref_squeeze %dma_start3A_488 : memref<1x80x128xf32, #tpu.memory_space<hbm>> -> memref<80x128xf32, #tpu.memory_space<hbm>>
    %dma_start3A_490 = arith.constant 0 : i32
    %dma_start3A_491 = tpu.memref_slice %arg7[%arg0, %add3A_480, %dma_start3A_490] : memref<2x10240x128xf32, #tpu.memory_space<hbm>> -> memref<1x80x128xf32, #tpu.memory_space<hbm>>
    %dma_start3A_492 = tpu.memref_squeeze %dma_start3A_491 : memref<1x80x128xf32, #tpu.memory_space<hbm>> -> memref<80x128xf32, #tpu.memory_space<hbm>>
    tpu.enqueue_dma source(%arg15 : memref<80x128xf32, #tpu.memory_space<vmem>>) target(%dma_start3A_492 : memref<80x128xf32, #tpu.memory_space<hbm>>) target_semaphore(%arg22 : memref<!tpu.dma_semaphore, #tpu.memory_space<semaphore_mem>>)
    %dma_wait3A_493 = arith.constant 0 : i32
    %dma_wait3A_494 = tpu.memref_slice %arg8[%arg0, %add3A_452, %dma_wait3A_493] : memref<2x10240x16xf32, #tpu.memory_space<hbm>> -> memref<1x80x16xf32, #tpu.memory_space<hbm>>
    %dma_wait3A_495 = tpu.memref_squeeze %dma_wait3A_494 : memref<1x80x16xf32, #tpu.memory_space<hbm>> -> memref<80x16xf32, #tpu.memory_space<hbm>>
    %dma_wait3A_496 = arith.constant 0 : i32
    %dma_wait3A_497 = tpu.memref_slice %arg8[%arg0, %add3A_452, %dma_wait3A_496] : memref<2x10240x16xf32, #tpu.memory_space<hbm>> -> memref<1x80x16xf32, #tpu.memory_space<hbm>>
    %dma_wait3A_498 = tpu.memref_squeeze %dma_wait3A_497 : memref<1x80x16xf32, #tpu.memory_space<hbm>> -> memref<80x16xf32, #tpu.memory_space<hbm>>
    tpu.wait_dma2 semaphore(%arg22 : memref<!tpu.dma_semaphore, #tpu.memory_space<semaphore_mem>>) src(%arg17 : memref<80x16xf32, #tpu.memory_space<vmem>>) dst(%dma_wait3A_498 : memref<80x16xf32, #tpu.memory_space<hbm>>)
    "tpu.region"() ({
      %run_scoped3A = tpu.sem_alloc : memref<!tpu.dma_semaphore, #tpu.memory_space<semaphore_mem>>
      %dma_start3A_659 = arith.constant 0 : i32
      %dma_start3A_660 = tpu.memref_slice %arg10[%add3A_480, %dma_start3A_659] : memref<10240x16xf32, #tpu.memory_space<vmem_shared>> -> memref<80x16xf32, #tpu.memory_space<vmem_shared>>
      %dma_start3A_661 = arith.constant 0 : i32
      %dma_start3A_662 = tpu.memref_slice %arg10[%add3A_480, %dma_start3A_661] : memref<10240x16xf32, #tpu.memory_space<vmem_shared>> -> memref<80x16xf32, #tpu.memory_space<vmem_shared>>
      tpu.enqueue_dma source(%dma_start3A_662 : memref<80x16xf32, #tpu.memory_space<vmem_shared>>) target(%arg17 : memref<80x16xf32, #tpu.memory_space<vmem>>) target_semaphore(%run_scoped3A : memref<!tpu.dma_semaphore, #tpu.memory_space<semaphore_mem>>)
      %dma_wait3A_663 = arith.constant 0 : i32
      %dma_wait3A_664 = tpu.memref_slice %arg10[%add3A_480, %dma_wait3A_663] : memref<10240x16xf32, #tpu.memory_space<vmem_shared>> -> memref<80x16xf32, #tpu.memory_space<vmem_shared>>
      %dma_wait3A_665 = arith.constant 0 : i32
      %dma_wait3A_666 = tpu.memref_slice %arg10[%add3A_480, %dma_wait3A_665] : memref<10240x16xf32, #tpu.memory_space<vmem_shared>> -> memref<80x16xf32, #tpu.memory_space<vmem_shared>>
      tpu.wait_dma2 semaphore(%run_scoped3A : memref<!tpu.dma_semaphore, #tpu.memory_space<semaphore_mem>>) src(%dma_wait3A_666 : memref<80x16xf32, #tpu.memory_space<vmem_shared>>) dst(%arg17 : memref<80x16xf32, #tpu.memory_space<vmem>>)
      tpu.yield
    }) : () -> ()
    %dma_start3A_499 = arith.constant 0 : i32
    %dma_start3A_500 = tpu.memref_slice %arg8[%arg0, %add3A_480, %dma_start3A_499] : memref<2x10240x16xf32, #tpu.memory_space<hbm>> -> memref<1x80x16xf32, #tpu.memory_space<hbm>>
    %dma_start3A_501 = tpu.memref_squeeze %dma_start3A_500 : memref<1x80x16xf32, #tpu.memory_space<hbm>> -> memref<80x16xf32, #tpu.memory_space<hbm>>
    %dma_start3A_502 = arith.constant 0 : i32
    %dma_start3A_503 = tpu.memref_slice %arg8[%arg0, %add3A_480, %dma_start3A_502] : memref<2x10240x16xf32, #tpu.memory_space<hbm>> -> memref<1x80x16xf32, #tpu.memory_space<hbm>>
    %dma_start3A_504 = tpu.memref_squeeze %dma_start3A_503 : memref<1x80x16xf32, #tpu.memory_space<hbm>> -> memref<80x16xf32, #tpu.memory_space<hbm>>
    tpu.enqueue_dma source(%arg17 : memref<80x16xf32, #tpu.memory_space<vmem>>) target(%dma_start3A_504 : memref<80x16xf32, #tpu.memory_space<hbm>>) target_semaphore(%arg22 : memref<!tpu.dma_semaphore, #tpu.memory_space<semaphore_mem>>)
    %add3A_505 = arith.constant 240 : i32
    %add3A_506 = arith.addi %mul3A_4, %add3A_505 : i32
    %dma_wait3A_507 = arith.constant 0 : i32
    %dma_wait3A_508 = tpu.memref_slice %arg7[%arg0, %add3A_466, %dma_wait3A_507] : memref<2x10240x128xf32, #tpu.memory_space<hbm>> -> memref<1x80x128xf32, #tpu.memory_space<hbm>>
    %dma_wait3A_509 = tpu.memref_squeeze %dma_wait3A_508 : memref<1x80x128xf32, #tpu.memory_space<hbm>> -> memref<80x128xf32, #tpu.memory_space<hbm>>
    %dma_wait3A_510 = arith.constant 0 : i32
    %dma_wait3A_511 = tpu.memref_slice %arg7[%arg0, %add3A_466, %dma_wait3A_510] : memref<2x10240x128xf32, #tpu.memory_space<hbm>> -> memref<1x80x128xf32, #tpu.memory_space<hbm>>
    %dma_wait3A_512 = tpu.memref_squeeze %dma_wait3A_511 : memref<1x80x128xf32, #tpu.memory_space<hbm>> -> memref<80x128xf32, #tpu.memory_space<hbm>>
    tpu.wait_dma2 semaphore(%arg22 : memref<!tpu.dma_semaphore, #tpu.memory_space<semaphore_mem>>) src(%arg16 : memref<80x128xf32, #tpu.memory_space<vmem>>) dst(%dma_wait3A_512 : memref<80x128xf32, #tpu.memory_space<hbm>>)
    "tpu.region"() ({
      %run_scoped3A = tpu.sem_alloc : memref<!tpu.dma_semaphore, #tpu.memory_space<semaphore_mem>>
      %dma_start3A_659 = arith.constant 0 : i32
      %dma_start3A_660 = tpu.memref_slice %arg9[%add3A_506, %dma_start3A_659] : memref<10240x128xf32, #tpu.memory_space<vmem_shared>> -> memref<80x128xf32, #tpu.memory_space<vmem_shared>>
      %dma_start3A_661 = arith.constant 0 : i32
      %dma_start3A_662 = tpu.memref_slice %arg9[%add3A_506, %dma_start3A_661] : memref<10240x128xf32, #tpu.memory_space<vmem_shared>> -> memref<80x128xf32, #tpu.memory_space<vmem_shared>>
      tpu.enqueue_dma source(%dma_start3A_662 : memref<80x128xf32, #tpu.memory_space<vmem_shared>>) target(%arg16 : memref<80x128xf32, #tpu.memory_space<vmem>>) target_semaphore(%run_scoped3A : memref<!tpu.dma_semaphore, #tpu.memory_space<semaphore_mem>>)
      %dma_wait3A_663 = arith.constant 0 : i32
      %dma_wait3A_664 = tpu.memref_slice %arg9[%add3A_506, %dma_wait3A_663] : memref<10240x128xf32, #tpu.memory_space<vmem_shared>> -> memref<80x128xf32, #tpu.memory_space<vmem_shared>>
      %dma_wait3A_665 = arith.constant 0 : i32
      %dma_wait3A_666 = tpu.memref_slice %arg9[%add3A_506, %dma_wait3A_665] : memref<10240x128xf32, #tpu.memory_space<vmem_shared>> -> memref<80x128xf32, #tpu.memory_space<vmem_shared>>
      tpu.wait_dma2 semaphore(%run_scoped3A : memref<!tpu.dma_semaphore, #tpu.memory_space<semaphore_mem>>) src(%dma_wait3A_666 : memref<80x128xf32, #tpu.memory_space<vmem_shared>>) dst(%arg16 : memref<80x128xf32, #tpu.memory_space<vmem>>)
      tpu.yield
    }) : () -> ()
    %dma_start3A_513 = arith.constant 0 : i32
    %dma_start3A_514 = tpu.memref_slice %arg7[%arg0, %add3A_506, %dma_start3A_513] : memref<2x10240x128xf32, #tpu.memory_space<hbm>> -> memref<1x80x128xf32, #tpu.memory_space<hbm>>
    %dma_start3A_515 = tpu.memref_squeeze %dma_start3A_514 : memref<1x80x128xf32, #tpu.memory_space<hbm>> -> memref<80x128xf32, #tpu.memory_space<hbm>>
    %dma_start3A_516 = arith.constant 0 : i32
    %dma_start3A_517 = tpu.memref_slice %arg7[%arg0, %add3A_506, %dma_start3A_516] : memref<2x10240x128xf32, #tpu.memory_space<hbm>> -> memref<1x80x128xf32, #tpu.memory_space<hbm>>
    %dma_start3A_518 = tpu.memref_squeeze %dma_start3A_517 : memref<1x80x128xf32, #tpu.memory_space<hbm>> -> memref<80x128xf32, #tpu.memory_space<hbm>>
    tpu.enqueue_dma source(%arg16 : memref<80x128xf32, #tpu.memory_space<vmem>>) target(%dma_start3A_518 : memref<80x128xf32, #tpu.memory_space<hbm>>) target_semaphore(%arg22 : memref<!tpu.dma_semaphore, #tpu.memory_space<semaphore_mem>>)
    %dma_wait3A_519 = arith.constant 0 : i32
    %dma_wait3A_520 = tpu.memref_slice %arg8[%arg0, %add3A_466, %dma_wait3A_519] : memref<2x10240x16xf32, #tpu.memory_space<hbm>> -> memref<1x80x16xf32, #tpu.memory_space<hbm>>
    %dma_wait3A_521 = tpu.memref_squeeze %dma_wait3A_520 : memref<1x80x16xf32, #tpu.memory_space<hbm>> -> memref<80x16xf32, #tpu.memory_space<hbm>>
    %dma_wait3A_522 = arith.constant 0 : i32
    %dma_wait3A_523 = tpu.memref_slice %arg8[%arg0, %add3A_466, %dma_wait3A_522] : memref<2x10240x16xf32, #tpu.memory_space<hbm>> -> memref<1x80x16xf32, #tpu.memory_space<hbm>>
    %dma_wait3A_524 = tpu.memref_squeeze %dma_wait3A_523 : memref<1x80x16xf32, #tpu.memory_space<hbm>> -> memref<80x16xf32, #tpu.memory_space<hbm>>
    tpu.wait_dma2 semaphore(%arg22 : memref<!tpu.dma_semaphore, #tpu.memory_space<semaphore_mem>>) src(%arg18 : memref<80x16xf32, #tpu.memory_space<vmem>>) dst(%dma_wait3A_524 : memref<80x16xf32, #tpu.memory_space<hbm>>)
    "tpu.region"() ({
      %run_scoped3A = tpu.sem_alloc : memref<!tpu.dma_semaphore, #tpu.memory_space<semaphore_mem>>
      %dma_start3A_659 = arith.constant 0 : i32
      %dma_start3A_660 = tpu.memref_slice %arg10[%add3A_506, %dma_start3A_659] : memref<10240x16xf32, #tpu.memory_space<vmem_shared>> -> memref<80x16xf32, #tpu.memory_space<vmem_shared>>
      %dma_start3A_661 = arith.constant 0 : i32
      %dma_start3A_662 = tpu.memref_slice %arg10[%add3A_506, %dma_start3A_661] : memref<10240x16xf32, #tpu.memory_space<vmem_shared>> -> memref<80x16xf32, #tpu.memory_space<vmem_shared>>
      tpu.enqueue_dma source(%dma_start3A_662 : memref<80x16xf32, #tpu.memory_space<vmem_shared>>) target(%arg18 : memref<80x16xf32, #tpu.memory_space<vmem>>) target_semaphore(%run_scoped3A : memref<!tpu.dma_semaphore, #tpu.memory_space<semaphore_mem>>)
      %dma_wait3A_663 = arith.constant 0 : i32
      %dma_wait3A_664 = tpu.memref_slice %arg10[%add3A_506, %dma_wait3A_663] : memref<10240x16xf32, #tpu.memory_space<vmem_shared>> -> memref<80x16xf32, #tpu.memory_space<vmem_shared>>
      %dma_wait3A_665 = arith.constant 0 : i32
      %dma_wait3A_666 = tpu.memref_slice %arg10[%add3A_506, %dma_wait3A_665] : memref<10240x16xf32, #tpu.memory_space<vmem_shared>> -> memref<80x16xf32, #tpu.memory_space<vmem_shared>>
      tpu.wait_dma2 semaphore(%run_scoped3A : memref<!tpu.dma_semaphore, #tpu.memory_space<semaphore_mem>>) src(%dma_wait3A_666 : memref<80x16xf32, #tpu.memory_space<vmem_shared>>) dst(%arg18 : memref<80x16xf32, #tpu.memory_space<vmem>>)
      tpu.yield
    }) : () -> ()
    %dma_start3A_525 = arith.constant 0 : i32
    %dma_start3A_526 = tpu.memref_slice %arg8[%arg0, %add3A_506, %dma_start3A_525] : memref<2x10240x16xf32, #tpu.memory_space<hbm>> -> memref<1x80x16xf32, #tpu.memory_space<hbm>>
    %dma_start3A_527 = tpu.memref_squeeze %dma_start3A_526 : memref<1x80x16xf32, #tpu.memory_space<hbm>> -> memref<80x16xf32, #tpu.memory_space<hbm>>
    %dma_start3A_528 = arith.constant 0 : i32
    %dma_start3A_529 = tpu.memref_slice %arg8[%arg0, %add3A_506, %dma_start3A_528] : memref<2x10240x16xf32, #tpu.memory_space<hbm>> -> memref<1x80x16xf32, #tpu.memory_space<hbm>>
    %dma_start3A_530 = tpu.memref_squeeze %dma_start3A_529 : memref<1x80x16xf32, #tpu.memory_space<hbm>> -> memref<80x16xf32, #tpu.memory_space<hbm>>
    tpu.enqueue_dma source(%arg18 : memref<80x16xf32, #tpu.memory_space<vmem>>) target(%dma_start3A_530 : memref<80x16xf32, #tpu.memory_space<hbm>>) target_semaphore(%arg22 : memref<!tpu.dma_semaphore, #tpu.memory_space<semaphore_mem>>)
    %add3A_531 = arith.constant 320 : i32
    %add3A_532 = arith.addi %mul3A_4, %add3A_531 : i32
    %dma_wait3A_533 = arith.constant 0 : i32
    %dma_wait3A_534 = tpu.memref_slice %arg7[%arg0, %add3A_480, %dma_wait3A_533] : memref<2x10240x128xf32, #tpu.memory_space<hbm>> -> memref<1x80x128xf32, #tpu.memory_space<hbm>>
    %dma_wait3A_535 = tpu.memref_squeeze %dma_wait3A_534 : memref<1x80x128xf32, #tpu.memory_space<hbm>> -> memref<80x128xf32, #tpu.memory_space<hbm>>
    %dma_wait3A_536 = arith.constant 0 : i32
    %dma_wait3A_537 = tpu.memref_slice %arg7[%arg0, %add3A_480, %dma_wait3A_536] : memref<2x10240x128xf32, #tpu.memory_space<hbm>> -> memref<1x80x128xf32, #tpu.memory_space<hbm>>
    %dma_wait3A_538 = tpu.memref_squeeze %dma_wait3A_537 : memref<1x80x128xf32, #tpu.memory_space<hbm>> -> memref<80x128xf32, #tpu.memory_space<hbm>>
    tpu.wait_dma2 semaphore(%arg22 : memref<!tpu.dma_semaphore, #tpu.memory_space<semaphore_mem>>) src(%arg15 : memref<80x128xf32, #tpu.memory_space<vmem>>) dst(%dma_wait3A_538 : memref<80x128xf32, #tpu.memory_space<hbm>>)
    "tpu.region"() ({
      %run_scoped3A = tpu.sem_alloc : memref<!tpu.dma_semaphore, #tpu.memory_space<semaphore_mem>>
      %dma_start3A_659 = arith.constant 0 : i32
      %dma_start3A_660 = tpu.memref_slice %arg9[%add3A_532, %dma_start3A_659] : memref<10240x128xf32, #tpu.memory_space<vmem_shared>> -> memref<80x128xf32, #tpu.memory_space<vmem_shared>>
      %dma_start3A_661 = arith.constant 0 : i32
      %dma_start3A_662 = tpu.memref_slice %arg9[%add3A_532, %dma_start3A_661] : memref<10240x128xf32, #tpu.memory_space<vmem_shared>> -> memref<80x128xf32, #tpu.memory_space<vmem_shared>>
      tpu.enqueue_dma source(%dma_start3A_662 : memref<80x128xf32, #tpu.memory_space<vmem_shared>>) target(%arg15 : memref<80x128xf32, #tpu.memory_space<vmem>>) target_semaphore(%run_scoped3A : memref<!tpu.dma_semaphore, #tpu.memory_space<semaphore_mem>>)
      %dma_wait3A_663 = arith.constant 0 : i32
      %dma_wait3A_664 = tpu.memref_slice %arg9[%add3A_532, %dma_wait3A_663] : memref<10240x128xf32, #tpu.memory_space<vmem_shared>> -> memref<80x128xf32, #tpu.memory_space<vmem_shared>>
      %dma_wait3A_665 = arith.constant 0 : i32
      %dma_wait3A_666 = tpu.memref_slice %arg9[%add3A_532, %dma_wait3A_665] : memref<10240x128xf32, #tpu.memory_space<vmem_shared>> -> memref<80x128xf32, #tpu.memory_space<vmem_shared>>
      tpu.wait_dma2 semaphore(%run_scoped3A : memref<!tpu.dma_semaphore, #tpu.memory_space<semaphore_mem>>) src(%dma_wait3A_666 : memref<80x128xf32, #tpu.memory_space<vmem_shared>>) dst(%arg15 : memref<80x128xf32, #tpu.memory_space<vmem>>)
      tpu.yield
    }) : () -> ()
    %dma_start3A_539 = arith.constant 0 : i32
    %dma_start3A_540 = tpu.memref_slice %arg7[%arg0, %add3A_532, %dma_start3A_539] : memref<2x10240x128xf32, #tpu.memory_space<hbm>> -> memref<1x80x128xf32, #tpu.memory_space<hbm>>
    %dma_start3A_541 = tpu.memref_squeeze %dma_start3A_540 : memref<1x80x128xf32, #tpu.memory_space<hbm>> -> memref<80x128xf32, #tpu.memory_space<hbm>>
    %dma_start3A_542 = arith.constant 0 : i32
    %dma_start3A_543 = tpu.memref_slice %arg7[%arg0, %add3A_532, %dma_start3A_542] : memref<2x10240x128xf32, #tpu.memory_space<hbm>> -> memref<1x80x128xf32, #tpu.memory_space<hbm>>
    %dma_start3A_544 = tpu.memref_squeeze %dma_start3A_543 : memref<1x80x128xf32, #tpu.memory_space<hbm>> -> memref<80x128xf32, #tpu.memory_space<hbm>>
    tpu.enqueue_dma source(%arg15 : memref<80x128xf32, #tpu.memory_space<vmem>>) target(%dma_start3A_544 : memref<80x128xf32, #tpu.memory_space<hbm>>) target_semaphore(%arg22 : memref<!tpu.dma_semaphore, #tpu.memory_space<semaphore_mem>>)
    %dma_wait3A_545 = arith.constant 0 : i32
    %dma_wait3A_546 = tpu.memref_slice %arg8[%arg0, %add3A_480, %dma_wait3A_545] : memref<2x10240x16xf32, #tpu.memory_space<hbm>> -> memref<1x80x16xf32, #tpu.memory_space<hbm>>
    %dma_wait3A_547 = tpu.memref_squeeze %dma_wait3A_546 : memref<1x80x16xf32, #tpu.memory_space<hbm>> -> memref<80x16xf32, #tpu.memory_space<hbm>>
    %dma_wait3A_548 = arith.constant 0 : i32
    %dma_wait3A_549 = tpu.memref_slice %arg8[%arg0, %add3A_480, %dma_wait3A_548] : memref<2x10240x16xf32, #tpu.memory_space<hbm>> -> memref<1x80x16xf32, #tpu.memory_space<hbm>>
    %dma_wait3A_550 = tpu.memref_squeeze %dma_wait3A_549 : memref<1x80x16xf32, #tpu.memory_space<hbm>> -> memref<80x16xf32, #tpu.memory_space<hbm>>
    tpu.wait_dma2 semaphore(%arg22 : memref<!tpu.dma_semaphore, #tpu.memory_space<semaphore_mem>>) src(%arg17 : memref<80x16xf32, #tpu.memory_space<vmem>>) dst(%dma_wait3A_550 : memref<80x16xf32, #tpu.memory_space<hbm>>)
    "tpu.region"() ({
      %run_scoped3A = tpu.sem_alloc : memref<!tpu.dma_semaphore, #tpu.memory_space<semaphore_mem>>
      %dma_start3A_659 = arith.constant 0 : i32
      %dma_start3A_660 = tpu.memref_slice %arg10[%add3A_532, %dma_start3A_659] : memref<10240x16xf32, #tpu.memory_space<vmem_shared>> -> memref<80x16xf32, #tpu.memory_space<vmem_shared>>
      %dma_start3A_661 = arith.constant 0 : i32
      %dma_start3A_662 = tpu.memref_slice %arg10[%add3A_532, %dma_start3A_661] : memref<10240x16xf32, #tpu.memory_space<vmem_shared>> -> memref<80x16xf32, #tpu.memory_space<vmem_shared>>
      tpu.enqueue_dma source(%dma_start3A_662 : memref<80x16xf32, #tpu.memory_space<vmem_shared>>) target(%arg17 : memref<80x16xf32, #tpu.memory_space<vmem>>) target_semaphore(%run_scoped3A : memref<!tpu.dma_semaphore, #tpu.memory_space<semaphore_mem>>)
      %dma_wait3A_663 = arith.constant 0 : i32
      %dma_wait3A_664 = tpu.memref_slice %arg10[%add3A_532, %dma_wait3A_663] : memref<10240x16xf32, #tpu.memory_space<vmem_shared>> -> memref<80x16xf32, #tpu.memory_space<vmem_shared>>
      %dma_wait3A_665 = arith.constant 0 : i32
      %dma_wait3A_666 = tpu.memref_slice %arg10[%add3A_532, %dma_wait3A_665] : memref<10240x16xf32, #tpu.memory_space<vmem_shared>> -> memref<80x16xf32, #tpu.memory_space<vmem_shared>>
      tpu.wait_dma2 semaphore(%run_scoped3A : memref<!tpu.dma_semaphore, #tpu.memory_space<semaphore_mem>>) src(%dma_wait3A_666 : memref<80x16xf32, #tpu.memory_space<vmem_shared>>) dst(%arg17 : memref<80x16xf32, #tpu.memory_space<vmem>>)
      tpu.yield
    }) : () -> ()
    %dma_start3A_551 = arith.constant 0 : i32
    %dma_start3A_552 = tpu.memref_slice %arg8[%arg0, %add3A_532, %dma_start3A_551] : memref<2x10240x16xf32, #tpu.memory_space<hbm>> -> memref<1x80x16xf32, #tpu.memory_space<hbm>>
    %dma_start3A_553 = tpu.memref_squeeze %dma_start3A_552 : memref<1x80x16xf32, #tpu.memory_space<hbm>> -> memref<80x16xf32, #tpu.memory_space<hbm>>
    %dma_start3A_554 = arith.constant 0 : i32
    %dma_start3A_555 = tpu.memref_slice %arg8[%arg0, %add3A_532, %dma_start3A_554] : memref<2x10240x16xf32, #tpu.memory_space<hbm>> -> memref<1x80x16xf32, #tpu.memory_space<hbm>>
    %dma_start3A_556 = tpu.memref_squeeze %dma_start3A_555 : memref<1x80x16xf32, #tpu.memory_space<hbm>> -> memref<80x16xf32, #tpu.memory_space<hbm>>
    tpu.enqueue_dma source(%arg17 : memref<80x16xf32, #tpu.memory_space<vmem>>) target(%dma_start3A_556 : memref<80x16xf32, #tpu.memory_space<hbm>>) target_semaphore(%arg22 : memref<!tpu.dma_semaphore, #tpu.memory_space<semaphore_mem>>)
    %add3A_557 = arith.constant 400 : i32
    %add3A_558 = arith.addi %mul3A_4, %add3A_557 : i32
    %dma_wait3A_559 = arith.constant 0 : i32
    %dma_wait3A_560 = tpu.memref_slice %arg7[%arg0, %add3A_506, %dma_wait3A_559] : memref<2x10240x128xf32, #tpu.memory_space<hbm>> -> memref<1x80x128xf32, #tpu.memory_space<hbm>>
    %dma_wait3A_561 = tpu.memref_squeeze %dma_wait3A_560 : memref<1x80x128xf32, #tpu.memory_space<hbm>> -> memref<80x128xf32, #tpu.memory_space<hbm>>
    %dma_wait3A_562 = arith.constant 0 : i32
    %dma_wait3A_563 = tpu.memref_slice %arg7[%arg0, %add3A_506, %dma_wait3A_562] : memref<2x10240x128xf32, #tpu.memory_space<hbm>> -> memref<1x80x128xf32, #tpu.memory_space<hbm>>
    %dma_wait3A_564 = tpu.memref_squeeze %dma_wait3A_563 : memref<1x80x128xf32, #tpu.memory_space<hbm>> -> memref<80x128xf32, #tpu.memory_space<hbm>>
    tpu.wait_dma2 semaphore(%arg22 : memref<!tpu.dma_semaphore, #tpu.memory_space<semaphore_mem>>) src(%arg16 : memref<80x128xf32, #tpu.memory_space<vmem>>) dst(%dma_wait3A_564 : memref<80x128xf32, #tpu.memory_space<hbm>>)
    "tpu.region"() ({
      %run_scoped3A = tpu.sem_alloc : memref<!tpu.dma_semaphore, #tpu.memory_space<semaphore_mem>>
      %dma_start3A_659 = arith.constant 0 : i32
      %dma_start3A_660 = tpu.memref_slice %arg9[%add3A_558, %dma_start3A_659] : memref<10240x128xf32, #tpu.memory_space<vmem_shared>> -> memref<80x128xf32, #tpu.memory_space<vmem_shared>>
      %dma_start3A_661 = arith.constant 0 : i32
      %dma_start3A_662 = tpu.memref_slice %arg9[%add3A_558, %dma_start3A_661] : memref<10240x128xf32, #tpu.memory_space<vmem_shared>> -> memref<80x128xf32, #tpu.memory_space<vmem_shared>>
      tpu.enqueue_dma source(%dma_start3A_662 : memref<80x128xf32, #tpu.memory_space<vmem_shared>>) target(%arg16 : memref<80x128xf32, #tpu.memory_space<vmem>>) target_semaphore(%run_scoped3A : memref<!tpu.dma_semaphore, #tpu.memory_space<semaphore_mem>>)
      %dma_wait3A_663 = arith.constant 0 : i32
      %dma_wait3A_664 = tpu.memref_slice %arg9[%add3A_558, %dma_wait3A_663] : memref<10240x128xf32, #tpu.memory_space<vmem_shared>> -> memref<80x128xf32, #tpu.memory_space<vmem_shared>>
      %dma_wait3A_665 = arith.constant 0 : i32
      %dma_wait3A_666 = tpu.memref_slice %arg9[%add3A_558, %dma_wait3A_665] : memref<10240x128xf32, #tpu.memory_space<vmem_shared>> -> memref<80x128xf32, #tpu.memory_space<vmem_shared>>
      tpu.wait_dma2 semaphore(%run_scoped3A : memref<!tpu.dma_semaphore, #tpu.memory_space<semaphore_mem>>) src(%dma_wait3A_666 : memref<80x128xf32, #tpu.memory_space<vmem_shared>>) dst(%arg16 : memref<80x128xf32, #tpu.memory_space<vmem>>)
      tpu.yield
    }) : () -> ()
    %dma_start3A_565 = arith.constant 0 : i32
    %dma_start3A_566 = tpu.memref_slice %arg7[%arg0, %add3A_558, %dma_start3A_565] : memref<2x10240x128xf32, #tpu.memory_space<hbm>> -> memref<1x80x128xf32, #tpu.memory_space<hbm>>
    %dma_start3A_567 = tpu.memref_squeeze %dma_start3A_566 : memref<1x80x128xf32, #tpu.memory_space<hbm>> -> memref<80x128xf32, #tpu.memory_space<hbm>>
    %dma_start3A_568 = arith.constant 0 : i32
    %dma_start3A_569 = tpu.memref_slice %arg7[%arg0, %add3A_558, %dma_start3A_568] : memref<2x10240x128xf32, #tpu.memory_space<hbm>> -> memref<1x80x128xf32, #tpu.memory_space<hbm>>
    %dma_start3A_570 = tpu.memref_squeeze %dma_start3A_569 : memref<1x80x128xf32, #tpu.memory_space<hbm>> -> memref<80x128xf32, #tpu.memory_space<hbm>>
    tpu.enqueue_dma source(%arg16 : memref<80x128xf32, #tpu.memory_space<vmem>>) target(%dma_start3A_570 : memref<80x128xf32, #tpu.memory_space<hbm>>) target_semaphore(%arg22 : memref<!tpu.dma_semaphore, #tpu.memory_space<semaphore_mem>>)
    %dma_wait3A_571 = arith.constant 0 : i32
    %dma_wait3A_572 = tpu.memref_slice %arg8[%arg0, %add3A_506, %dma_wait3A_571] : memref<2x10240x16xf32, #tpu.memory_space<hbm>> -> memref<1x80x16xf32, #tpu.memory_space<hbm>>
    %dma_wait3A_573 = tpu.memref_squeeze %dma_wait3A_572 : memref<1x80x16xf32, #tpu.memory_space<hbm>> -> memref<80x16xf32, #tpu.memory_space<hbm>>
    %dma_wait3A_574 = arith.constant 0 : i32
    %dma_wait3A_575 = tpu.memref_slice %arg8[%arg0, %add3A_506, %dma_wait3A_574] : memref<2x10240x16xf32, #tpu.memory_space<hbm>> -> memref<1x80x16xf32, #tpu.memory_space<hbm>>
    %dma_wait3A_576 = tpu.memref_squeeze %dma_wait3A_575 : memref<1x80x16xf32, #tpu.memory_space<hbm>> -> memref<80x16xf32, #tpu.memory_space<hbm>>
    tpu.wait_dma2 semaphore(%arg22 : memref<!tpu.dma_semaphore, #tpu.memory_space<semaphore_mem>>) src(%arg18 : memref<80x16xf32, #tpu.memory_space<vmem>>) dst(%dma_wait3A_576 : memref<80x16xf32, #tpu.memory_space<hbm>>)
    "tpu.region"() ({
      %run_scoped3A = tpu.sem_alloc : memref<!tpu.dma_semaphore, #tpu.memory_space<semaphore_mem>>
      %dma_start3A_659 = arith.constant 0 : i32
      %dma_start3A_660 = tpu.memref_slice %arg10[%add3A_558, %dma_start3A_659] : memref<10240x16xf32, #tpu.memory_space<vmem_shared>> -> memref<80x16xf32, #tpu.memory_space<vmem_shared>>
      %dma_start3A_661 = arith.constant 0 : i32
      %dma_start3A_662 = tpu.memref_slice %arg10[%add3A_558, %dma_start3A_661] : memref<10240x16xf32, #tpu.memory_space<vmem_shared>> -> memref<80x16xf32, #tpu.memory_space<vmem_shared>>
      tpu.enqueue_dma source(%dma_start3A_662 : memref<80x16xf32, #tpu.memory_space<vmem_shared>>) target(%arg18 : memref<80x16xf32, #tpu.memory_space<vmem>>) target_semaphore(%run_scoped3A : memref<!tpu.dma_semaphore, #tpu.memory_space<semaphore_mem>>)
      %dma_wait3A_663 = arith.constant 0 : i32
      %dma_wait3A_664 = tpu.memref_slice %arg10[%add3A_558, %dma_wait3A_663] : memref<10240x16xf32, #tpu.memory_space<vmem_shared>> -> memref<80x16xf32, #tpu.memory_space<vmem_shared>>
      %dma_wait3A_665 = arith.constant 0 : i32
      %dma_wait3A_666 = tpu.memref_slice %arg10[%add3A_558, %dma_wait3A_665] : memref<10240x16xf32, #tpu.memory_space<vmem_shared>> -> memref<80x16xf32, #tpu.memory_space<vmem_shared>>
      tpu.wait_dma2 semaphore(%run_scoped3A : memref<!tpu.dma_semaphore, #tpu.memory_space<semaphore_mem>>) src(%dma_wait3A_666 : memref<80x16xf32, #tpu.memory_space<vmem_shared>>) dst(%arg18 : memref<80x16xf32, #tpu.memory_space<vmem>>)
      tpu.yield
    }) : () -> ()
    %dma_start3A_577 = arith.constant 0 : i32
    %dma_start3A_578 = tpu.memref_slice %arg8[%arg0, %add3A_558, %dma_start3A_577] : memref<2x10240x16xf32, #tpu.memory_space<hbm>> -> memref<1x80x16xf32, #tpu.memory_space<hbm>>
    %dma_start3A_579 = tpu.memref_squeeze %dma_start3A_578 : memref<1x80x16xf32, #tpu.memory_space<hbm>> -> memref<80x16xf32, #tpu.memory_space<hbm>>
    %dma_start3A_580 = arith.constant 0 : i32
    %dma_start3A_581 = tpu.memref_slice %arg8[%arg0, %add3A_558, %dma_start3A_580] : memref<2x10240x16xf32, #tpu.memory_space<hbm>> -> memref<1x80x16xf32, #tpu.memory_space<hbm>>
    %dma_start3A_582 = tpu.memref_squeeze %dma_start3A_581 : memref<1x80x16xf32, #tpu.memory_space<hbm>> -> memref<80x16xf32, #tpu.memory_space<hbm>>
    tpu.enqueue_dma source(%arg18 : memref<80x16xf32, #tpu.memory_space<vmem>>) target(%dma_start3A_582 : memref<80x16xf32, #tpu.memory_space<hbm>>) target_semaphore(%arg22 : memref<!tpu.dma_semaphore, #tpu.memory_space<semaphore_mem>>)
    %add3A_583 = arith.constant 480 : i32
    %add3A_584 = arith.addi %mul3A_4, %add3A_583 : i32
    %dma_wait3A_585 = arith.constant 0 : i32
    %dma_wait3A_586 = tpu.memref_slice %arg7[%arg0, %add3A_532, %dma_wait3A_585] : memref<2x10240x128xf32, #tpu.memory_space<hbm>> -> memref<1x80x128xf32, #tpu.memory_space<hbm>>
    %dma_wait3A_587 = tpu.memref_squeeze %dma_wait3A_586 : memref<1x80x128xf32, #tpu.memory_space<hbm>> -> memref<80x128xf32, #tpu.memory_space<hbm>>
    %dma_wait3A_588 = arith.constant 0 : i32
    %dma_wait3A_589 = tpu.memref_slice %arg7[%arg0, %add3A_532, %dma_wait3A_588] : memref<2x10240x128xf32, #tpu.memory_space<hbm>> -> memref<1x80x128xf32, #tpu.memory_space<hbm>>
    %dma_wait3A_590 = tpu.memref_squeeze %dma_wait3A_589 : memref<1x80x128xf32, #tpu.memory_space<hbm>> -> memref<80x128xf32, #tpu.memory_space<hbm>>
    tpu.wait_dma2 semaphore(%arg22 : memref<!tpu.dma_semaphore, #tpu.memory_space<semaphore_mem>>) src(%arg15 : memref<80x128xf32, #tpu.memory_space<vmem>>) dst(%dma_wait3A_590 : memref<80x128xf32, #tpu.memory_space<hbm>>)
    "tpu.region"() ({
      %run_scoped3A = tpu.sem_alloc : memref<!tpu.dma_semaphore, #tpu.memory_space<semaphore_mem>>
      %dma_start3A_659 = arith.constant 0 : i32
      %dma_start3A_660 = tpu.memref_slice %arg9[%add3A_584, %dma_start3A_659] : memref<10240x128xf32, #tpu.memory_space<vmem_shared>> -> memref<80x128xf32, #tpu.memory_space<vmem_shared>>
      %dma_start3A_661 = arith.constant 0 : i32
      %dma_start3A_662 = tpu.memref_slice %arg9[%add3A_584, %dma_start3A_661] : memref<10240x128xf32, #tpu.memory_space<vmem_shared>> -> memref<80x128xf32, #tpu.memory_space<vmem_shared>>
      tpu.enqueue_dma source(%dma_start3A_662 : memref<80x128xf32, #tpu.memory_space<vmem_shared>>) target(%arg15 : memref<80x128xf32, #tpu.memory_space<vmem>>) target_semaphore(%run_scoped3A : memref<!tpu.dma_semaphore, #tpu.memory_space<semaphore_mem>>)
      %dma_wait3A_663 = arith.constant 0 : i32
      %dma_wait3A_664 = tpu.memref_slice %arg9[%add3A_584, %dma_wait3A_663] : memref<10240x128xf32, #tpu.memory_space<vmem_shared>> -> memref<80x128xf32, #tpu.memory_space<vmem_shared>>
      %dma_wait3A_665 = arith.constant 0 : i32
      %dma_wait3A_666 = tpu.memref_slice %arg9[%add3A_584, %dma_wait3A_665] : memref<10240x128xf32, #tpu.memory_space<vmem_shared>> -> memref<80x128xf32, #tpu.memory_space<vmem_shared>>
      tpu.wait_dma2 semaphore(%run_scoped3A : memref<!tpu.dma_semaphore, #tpu.memory_space<semaphore_mem>>) src(%dma_wait3A_666 : memref<80x128xf32, #tpu.memory_space<vmem_shared>>) dst(%arg15 : memref<80x128xf32, #tpu.memory_space<vmem>>)
      tpu.yield
    }) : () -> ()
    %dma_start3A_591 = arith.constant 0 : i32
    %dma_start3A_592 = tpu.memref_slice %arg7[%arg0, %add3A_584, %dma_start3A_591] : memref<2x10240x128xf32, #tpu.memory_space<hbm>> -> memref<1x80x128xf32, #tpu.memory_space<hbm>>
    %dma_start3A_593 = tpu.memref_squeeze %dma_start3A_592 : memref<1x80x128xf32, #tpu.memory_space<hbm>> -> memref<80x128xf32, #tpu.memory_space<hbm>>
    %dma_start3A_594 = arith.constant 0 : i32
    %dma_start3A_595 = tpu.memref_slice %arg7[%arg0, %add3A_584, %dma_start3A_594] : memref<2x10240x128xf32, #tpu.memory_space<hbm>> -> memref<1x80x128xf32, #tpu.memory_space<hbm>>
    %dma_start3A_596 = tpu.memref_squeeze %dma_start3A_595 : memref<1x80x128xf32, #tpu.memory_space<hbm>> -> memref<80x128xf32, #tpu.memory_space<hbm>>
    tpu.enqueue_dma source(%arg15 : memref<80x128xf32, #tpu.memory_space<vmem>>) target(%dma_start3A_596 : memref<80x128xf32, #tpu.memory_space<hbm>>) target_semaphore(%arg22 : memref<!tpu.dma_semaphore, #tpu.memory_space<semaphore_mem>>)
    %dma_wait3A_597 = arith.constant 0 : i32
    %dma_wait3A_598 = tpu.memref_slice %arg8[%arg0, %add3A_532, %dma_wait3A_597] : memref<2x10240x16xf32, #tpu.memory_space<hbm>> -> memref<1x80x16xf32, #tpu.memory_space<hbm>>
    %dma_wait3A_599 = tpu.memref_squeeze %dma_wait3A_598 : memref<1x80x16xf32, #tpu.memory_space<hbm>> -> memref<80x16xf32, #tpu.memory_space<hbm>>
    %dma_wait3A_600 = arith.constant 0 : i32
    %dma_wait3A_601 = tpu.memref_slice %arg8[%arg0, %add3A_532, %dma_wait3A_600] : memref<2x10240x16xf32, #tpu.memory_space<hbm>> -> memref<1x80x16xf32, #tpu.memory_space<hbm>>
    %dma_wait3A_602 = tpu.memref_squeeze %dma_wait3A_601 : memref<1x80x16xf32, #tpu.memory_space<hbm>> -> memref<80x16xf32, #tpu.memory_space<hbm>>
    tpu.wait_dma2 semaphore(%arg22 : memref<!tpu.dma_semaphore, #tpu.memory_space<semaphore_mem>>) src(%arg17 : memref<80x16xf32, #tpu.memory_space<vmem>>) dst(%dma_wait3A_602 : memref<80x16xf32, #tpu.memory_space<hbm>>)
    "tpu.region"() ({
      %run_scoped3A = tpu.sem_alloc : memref<!tpu.dma_semaphore, #tpu.memory_space<semaphore_mem>>
      %dma_start3A_659 = arith.constant 0 : i32
      %dma_start3A_660 = tpu.memref_slice %arg10[%add3A_584, %dma_start3A_659] : memref<10240x16xf32, #tpu.memory_space<vmem_shared>> -> memref<80x16xf32, #tpu.memory_space<vmem_shared>>
      %dma_start3A_661 = arith.constant 0 : i32
      %dma_start3A_662 = tpu.memref_slice %arg10[%add3A_584, %dma_start3A_661] : memref<10240x16xf32, #tpu.memory_space<vmem_shared>> -> memref<80x16xf32, #tpu.memory_space<vmem_shared>>
      tpu.enqueue_dma source(%dma_start3A_662 : memref<80x16xf32, #tpu.memory_space<vmem_shared>>) target(%arg17 : memref<80x16xf32, #tpu.memory_space<vmem>>) target_semaphore(%run_scoped3A : memref<!tpu.dma_semaphore, #tpu.memory_space<semaphore_mem>>)
      %dma_wait3A_663 = arith.constant 0 : i32
      %dma_wait3A_664 = tpu.memref_slice %arg10[%add3A_584, %dma_wait3A_663] : memref<10240x16xf32, #tpu.memory_space<vmem_shared>> -> memref<80x16xf32, #tpu.memory_space<vmem_shared>>
      %dma_wait3A_665 = arith.constant 0 : i32
      %dma_wait3A_666 = tpu.memref_slice %arg10[%add3A_584, %dma_wait3A_665] : memref<10240x16xf32, #tpu.memory_space<vmem_shared>> -> memref<80x16xf32, #tpu.memory_space<vmem_shared>>
      tpu.wait_dma2 semaphore(%run_scoped3A : memref<!tpu.dma_semaphore, #tpu.memory_space<semaphore_mem>>) src(%dma_wait3A_666 : memref<80x16xf32, #tpu.memory_space<vmem_shared>>) dst(%arg17 : memref<80x16xf32, #tpu.memory_space<vmem>>)
      tpu.yield
    }) : () -> ()
    %dma_start3A_603 = arith.constant 0 : i32
    %dma_start3A_604 = tpu.memref_slice %arg8[%arg0, %add3A_584, %dma_start3A_603] : memref<2x10240x16xf32, #tpu.memory_space<hbm>> -> memref<1x80x16xf32, #tpu.memory_space<hbm>>
    %dma_start3A_605 = tpu.memref_squeeze %dma_start3A_604 : memref<1x80x16xf32, #tpu.memory_space<hbm>> -> memref<80x16xf32, #tpu.memory_space<hbm>>
    %dma_start3A_606 = arith.constant 0 : i32
    %dma_start3A_607 = tpu.memref_slice %arg8[%arg0, %add3A_584, %dma_start3A_606] : memref<2x10240x16xf32, #tpu.memory_space<hbm>> -> memref<1x80x16xf32, #tpu.memory_space<hbm>>
    %dma_start3A_608 = tpu.memref_squeeze %dma_start3A_607 : memref<1x80x16xf32, #tpu.memory_space<hbm>> -> memref<80x16xf32, #tpu.memory_space<hbm>>
    tpu.enqueue_dma source(%arg17 : memref<80x16xf32, #tpu.memory_space<vmem>>) target(%dma_start3A_608 : memref<80x16xf32, #tpu.memory_space<hbm>>) target_semaphore(%arg22 : memref<!tpu.dma_semaphore, #tpu.memory_space<semaphore_mem>>)
    %add3A_609 = arith.constant 560 : i32
    %add3A_610 = arith.addi %mul3A_4, %add3A_609 : i32
    %dma_wait3A_611 = arith.constant 0 : i32
    %dma_wait3A_612 = tpu.memref_slice %arg7[%arg0, %add3A_558, %dma_wait3A_611] : memref<2x10240x128xf32, #tpu.memory_space<hbm>> -> memref<1x80x128xf32, #tpu.memory_space<hbm>>
    %dma_wait3A_613 = tpu.memref_squeeze %dma_wait3A_612 : memref<1x80x128xf32, #tpu.memory_space<hbm>> -> memref<80x128xf32, #tpu.memory_space<hbm>>
    %dma_wait3A_614 = arith.constant 0 : i32
    %dma_wait3A_615 = tpu.memref_slice %arg7[%arg0, %add3A_558, %dma_wait3A_614] : memref<2x10240x128xf32, #tpu.memory_space<hbm>> -> memref<1x80x128xf32, #tpu.memory_space<hbm>>
    %dma_wait3A_616 = tpu.memref_squeeze %dma_wait3A_615 : memref<1x80x128xf32, #tpu.memory_space<hbm>> -> memref<80x128xf32, #tpu.memory_space<hbm>>
    tpu.wait_dma2 semaphore(%arg22 : memref<!tpu.dma_semaphore, #tpu.memory_space<semaphore_mem>>) src(%arg16 : memref<80x128xf32, #tpu.memory_space<vmem>>) dst(%dma_wait3A_616 : memref<80x128xf32, #tpu.memory_space<hbm>>)
    "tpu.region"() ({
      %run_scoped3A = tpu.sem_alloc : memref<!tpu.dma_semaphore, #tpu.memory_space<semaphore_mem>>
      %dma_start3A_659 = arith.constant 0 : i32
      %dma_start3A_660 = tpu.memref_slice %arg9[%add3A_610, %dma_start3A_659] : memref<10240x128xf32, #tpu.memory_space<vmem_shared>> -> memref<80x128xf32, #tpu.memory_space<vmem_shared>>
      %dma_start3A_661 = arith.constant 0 : i32
      %dma_start3A_662 = tpu.memref_slice %arg9[%add3A_610, %dma_start3A_661] : memref<10240x128xf32, #tpu.memory_space<vmem_shared>> -> memref<80x128xf32, #tpu.memory_space<vmem_shared>>
      tpu.enqueue_dma source(%dma_start3A_662 : memref<80x128xf32, #tpu.memory_space<vmem_shared>>) target(%arg16 : memref<80x128xf32, #tpu.memory_space<vmem>>) target_semaphore(%run_scoped3A : memref<!tpu.dma_semaphore, #tpu.memory_space<semaphore_mem>>)
      %dma_wait3A_663 = arith.constant 0 : i32
      %dma_wait3A_664 = tpu.memref_slice %arg9[%add3A_610, %dma_wait3A_663] : memref<10240x128xf32, #tpu.memory_space<vmem_shared>> -> memref<80x128xf32, #tpu.memory_space<vmem_shared>>
      %dma_wait3A_665 = arith.constant 0 : i32
      %dma_wait3A_666 = tpu.memref_slice %arg9[%add3A_610, %dma_wait3A_665] : memref<10240x128xf32, #tpu.memory_space<vmem_shared>> -> memref<80x128xf32, #tpu.memory_space<vmem_shared>>
      tpu.wait_dma2 semaphore(%run_scoped3A : memref<!tpu.dma_semaphore, #tpu.memory_space<semaphore_mem>>) src(%dma_wait3A_666 : memref<80x128xf32, #tpu.memory_space<vmem_shared>>) dst(%arg16 : memref<80x128xf32, #tpu.memory_space<vmem>>)
      tpu.yield
    }) : () -> ()
    %dma_start3A_617 = arith.constant 0 : i32
    %dma_start3A_618 = tpu.memref_slice %arg7[%arg0, %add3A_610, %dma_start3A_617] : memref<2x10240x128xf32, #tpu.memory_space<hbm>> -> memref<1x80x128xf32, #tpu.memory_space<hbm>>
    %dma_start3A_619 = tpu.memref_squeeze %dma_start3A_618 : memref<1x80x128xf32, #tpu.memory_space<hbm>> -> memref<80x128xf32, #tpu.memory_space<hbm>>
    %dma_start3A_620 = arith.constant 0 : i32
    %dma_start3A_621 = tpu.memref_slice %arg7[%arg0, %add3A_610, %dma_start3A_620] : memref<2x10240x128xf32, #tpu.memory_space<hbm>> -> memref<1x80x128xf32, #tpu.memory_space<hbm>>
    %dma_start3A_622 = tpu.memref_squeeze %dma_start3A_621 : memref<1x80x128xf32, #tpu.memory_space<hbm>> -> memref<80x128xf32, #tpu.memory_space<hbm>>
    tpu.enqueue_dma source(%arg16 : memref<80x128xf32, #tpu.memory_space<vmem>>) target(%dma_start3A_622 : memref<80x128xf32, #tpu.memory_space<hbm>>) target_semaphore(%arg22 : memref<!tpu.dma_semaphore, #tpu.memory_space<semaphore_mem>>)
    %dma_wait3A_623 = arith.constant 0 : i32
    %dma_wait3A_624 = tpu.memref_slice %arg8[%arg0, %add3A_558, %dma_wait3A_623] : memref<2x10240x16xf32, #tpu.memory_space<hbm>> -> memref<1x80x16xf32, #tpu.memory_space<hbm>>
    %dma_wait3A_625 = tpu.memref_squeeze %dma_wait3A_624 : memref<1x80x16xf32, #tpu.memory_space<hbm>> -> memref<80x16xf32, #tpu.memory_space<hbm>>
    %dma_wait3A_626 = arith.constant 0 : i32
    %dma_wait3A_627 = tpu.memref_slice %arg8[%arg0, %add3A_558, %dma_wait3A_626] : memref<2x10240x16xf32, #tpu.memory_space<hbm>> -> memref<1x80x16xf32, #tpu.memory_space<hbm>>
    %dma_wait3A_628 = tpu.memref_squeeze %dma_wait3A_627 : memref<1x80x16xf32, #tpu.memory_space<hbm>> -> memref<80x16xf32, #tpu.memory_space<hbm>>
    tpu.wait_dma2 semaphore(%arg22 : memref<!tpu.dma_semaphore, #tpu.memory_space<semaphore_mem>>) src(%arg18 : memref<80x16xf32, #tpu.memory_space<vmem>>) dst(%dma_wait3A_628 : memref<80x16xf32, #tpu.memory_space<hbm>>)
    "tpu.region"() ({
      %run_scoped3A = tpu.sem_alloc : memref<!tpu.dma_semaphore, #tpu.memory_space<semaphore_mem>>
      %dma_start3A_659 = arith.constant 0 : i32
      %dma_start3A_660 = tpu.memref_slice %arg10[%add3A_610, %dma_start3A_659] : memref<10240x16xf32, #tpu.memory_space<vmem_shared>> -> memref<80x16xf32, #tpu.memory_space<vmem_shared>>
      %dma_start3A_661 = arith.constant 0 : i32
      %dma_start3A_662 = tpu.memref_slice %arg10[%add3A_610, %dma_start3A_661] : memref<10240x16xf32, #tpu.memory_space<vmem_shared>> -> memref<80x16xf32, #tpu.memory_space<vmem_shared>>
      tpu.enqueue_dma source(%dma_start3A_662 : memref<80x16xf32, #tpu.memory_space<vmem_shared>>) target(%arg18 : memref<80x16xf32, #tpu.memory_space<vmem>>) target_semaphore(%run_scoped3A : memref<!tpu.dma_semaphore, #tpu.memory_space<semaphore_mem>>)
      %dma_wait3A_663 = arith.constant 0 : i32
      %dma_wait3A_664 = tpu.memref_slice %arg10[%add3A_610, %dma_wait3A_663] : memref<10240x16xf32, #tpu.memory_space<vmem_shared>> -> memref<80x16xf32, #tpu.memory_space<vmem_shared>>
      %dma_wait3A_665 = arith.constant 0 : i32
      %dma_wait3A_666 = tpu.memref_slice %arg10[%add3A_610, %dma_wait3A_665] : memref<10240x16xf32, #tpu.memory_space<vmem_shared>> -> memref<80x16xf32, #tpu.memory_space<vmem_shared>>
      tpu.wait_dma2 semaphore(%run_scoped3A : memref<!tpu.dma_semaphore, #tpu.memory_space<semaphore_mem>>) src(%dma_wait3A_666 : memref<80x16xf32, #tpu.memory_space<vmem_shared>>) dst(%arg18 : memref<80x16xf32, #tpu.memory_space<vmem>>)
      tpu.yield
    }) : () -> ()
    %dma_start3A_629 = arith.constant 0 : i32
    %dma_start3A_630 = tpu.memref_slice %arg8[%arg0, %add3A_610, %dma_start3A_629] : memref<2x10240x16xf32, #tpu.memory_space<hbm>> -> memref<1x80x16xf32, #tpu.memory_space<hbm>>
    %dma_start3A_631 = tpu.memref_squeeze %dma_start3A_630 : memref<1x80x16xf32, #tpu.memory_space<hbm>> -> memref<80x16xf32, #tpu.memory_space<hbm>>
    %dma_start3A_632 = arith.constant 0 : i32
    %dma_start3A_633 = tpu.memref_slice %arg8[%arg0, %add3A_610, %dma_start3A_632] : memref<2x10240x16xf32, #tpu.memory_space<hbm>> -> memref<1x80x16xf32, #tpu.memory_space<hbm>>
    %dma_start3A_634 = tpu.memref_squeeze %dma_start3A_633 : memref<1x80x16xf32, #tpu.memory_space<hbm>> -> memref<80x16xf32, #tpu.memory_space<hbm>>
    tpu.enqueue_dma source(%arg18 : memref<80x16xf32, #tpu.memory_space<vmem>>) target(%dma_start3A_634 : memref<80x16xf32, #tpu.memory_space<hbm>>) target_semaphore(%arg22 : memref<!tpu.dma_semaphore, #tpu.memory_space<semaphore_mem>>)
    %dma_wait3A_635 = arith.constant 0 : i32
    %dma_wait3A_636 = tpu.memref_slice %arg7[%arg0, %add3A_584, %dma_wait3A_635] : memref<2x10240x128xf32, #tpu.memory_space<hbm>> -> memref<1x80x128xf32, #tpu.memory_space<hbm>>
    %dma_wait3A_637 = tpu.memref_squeeze %dma_wait3A_636 : memref<1x80x128xf32, #tpu.memory_space<hbm>> -> memref<80x128xf32, #tpu.memory_space<hbm>>
    %dma_wait3A_638 = arith.constant 0 : i32
    %dma_wait3A_639 = tpu.memref_slice %arg7[%arg0, %add3A_584, %dma_wait3A_638] : memref<2x10240x128xf32, #tpu.memory_space<hbm>> -> memref<1x80x128xf32, #tpu.memory_space<hbm>>
    %dma_wait3A_640 = tpu.memref_squeeze %dma_wait3A_639 : memref<1x80x128xf32, #tpu.memory_space<hbm>> -> memref<80x128xf32, #tpu.memory_space<hbm>>
    tpu.wait_dma2 semaphore(%arg22 : memref<!tpu.dma_semaphore, #tpu.memory_space<semaphore_mem>>) src(%arg15 : memref<80x128xf32, #tpu.memory_space<vmem>>) dst(%dma_wait3A_640 : memref<80x128xf32, #tpu.memory_space<hbm>>)
    %dma_wait3A_641 = arith.constant 0 : i32
    %dma_wait3A_642 = tpu.memref_slice %arg7[%arg0, %add3A_610, %dma_wait3A_641] : memref<2x10240x128xf32, #tpu.memory_space<hbm>> -> memref<1x80x128xf32, #tpu.memory_space<hbm>>
    %dma_wait3A_643 = tpu.memref_squeeze %dma_wait3A_642 : memref<1x80x128xf32, #tpu.memory_space<hbm>> -> memref<80x128xf32, #tpu.memory_space<hbm>>
    %dma_wait3A_644 = arith.constant 0 : i32
    %dma_wait3A_645 = tpu.memref_slice %arg7[%arg0, %add3A_610, %dma_wait3A_644] : memref<2x10240x128xf32, #tpu.memory_space<hbm>> -> memref<1x80x128xf32, #tpu.memory_space<hbm>>
    %dma_wait3A_646 = tpu.memref_squeeze %dma_wait3A_645 : memref<1x80x128xf32, #tpu.memory_space<hbm>> -> memref<80x128xf32, #tpu.memory_space<hbm>>
    tpu.wait_dma2 semaphore(%arg22 : memref<!tpu.dma_semaphore, #tpu.memory_space<semaphore_mem>>) src(%arg16 : memref<80x128xf32, #tpu.memory_space<vmem>>) dst(%dma_wait3A_646 : memref<80x128xf32, #tpu.memory_space<hbm>>)
    %dma_wait3A_647 = arith.constant 0 : i32
    %dma_wait3A_648 = tpu.memref_slice %arg8[%arg0, %add3A_584, %dma_wait3A_647] : memref<2x10240x16xf32, #tpu.memory_space<hbm>> -> memref<1x80x16xf32, #tpu.memory_space<hbm>>
    %dma_wait3A_649 = tpu.memref_squeeze %dma_wait3A_648 : memref<1x80x16xf32, #tpu.memory_space<hbm>> -> memref<80x16xf32, #tpu.memory_space<hbm>>
    %dma_wait3A_650 = arith.constant 0 : i32
    %dma_wait3A_651 = tpu.memref_slice %arg8[%arg0, %add3A_584, %dma_wait3A_650] : memref<2x10240x16xf32, #tpu.memory_space<hbm>> -> memref<1x80x16xf32, #tpu.memory_space<hbm>>
    %dma_wait3A_652 = tpu.memref_squeeze %dma_wait3A_651 : memref<1x80x16xf32, #tpu.memory_space<hbm>> -> memref<80x16xf32, #tpu.memory_space<hbm>>
    tpu.wait_dma2 semaphore(%arg22 : memref<!tpu.dma_semaphore, #tpu.memory_space<semaphore_mem>>) src(%arg17 : memref<80x16xf32, #tpu.memory_space<vmem>>) dst(%dma_wait3A_652 : memref<80x16xf32, #tpu.memory_space<hbm>>)
    %dma_wait3A_653 = arith.constant 0 : i32
    %dma_wait3A_654 = tpu.memref_slice %arg8[%arg0, %add3A_610, %dma_wait3A_653] : memref<2x10240x16xf32, #tpu.memory_space<hbm>> -> memref<1x80x16xf32, #tpu.memory_space<hbm>>
    %dma_wait3A_655 = tpu.memref_squeeze %dma_wait3A_654 : memref<1x80x16xf32, #tpu.memory_space<hbm>> -> memref<80x16xf32, #tpu.memory_space<hbm>>
    %dma_wait3A_656 = arith.constant 0 : i32
    %dma_wait3A_657 = tpu.memref_slice %arg8[%arg0, %add3A_610, %dma_wait3A_656] : memref<2x10240x16xf32, #tpu.memory_space<hbm>> -> memref<1x80x16xf32, #tpu.memory_space<hbm>>
    %dma_wait3A_658 = tpu.memref_squeeze %dma_wait3A_657 : memref<1x80x16xf32, #tpu.memory_space<hbm>> -> memref<80x16xf32, #tpu.memory_space<hbm>>
    tpu.wait_dma2 semaphore(%arg22 : memref<!tpu.dma_semaphore, #tpu.memory_space<semaphore_mem>>) src(%arg18 : memref<80x16xf32, #tpu.memory_space<vmem>>) dst(%dma_wait3A_658 : memref<80x16xf32, #tpu.memory_space<hbm>>)
    return
  }
}

module attributes {stable_mosaic.version = 14 : i64} {
  func.func @body(%arg0: i32, %arg1: memref<2x2000x128xf32, #tpu.memory_space<vmem>>, %arg2: memref<2x2000x16xf32, #tpu.memory_space<vmem>>, %arg3: memref<2000x128xf32, #tpu.memory_space<vmem>>, %arg4: memref<128x128xf32, #tpu.memory_space<vmem>>, %arg5: memref<1x128xf32, #tpu.memory_space<vmem>>, %arg6: memref<128x128xf32, #tpu.memory_space<vmem>>, %arg7: memref<2000x128xf32, #tpu.memory_space<vmem>>) attributes {dimension_semantics = [#tpu.dimension_semantics<arbitrary>], iteration_bounds = array<i64: 5>, scalar_prefetch = 0 : i64, scratch_operands = 0 : i64, tpu.core_type = #tpu.core_type<tc>, window_params = [{transform_indices = @transform_0, window_bounds = array<i64: 2, 2000, 128>}, {transform_indices = @transform_1, window_bounds = array<i64: 2, 2000, 16>}, {transform_indices = @transform_2, window_bounds = array<i64: 2000, 128>}, {pipeline_mode = #tpu.pipeline_mode<synchronous>, transform_indices = @transform_3, window_bounds = array<i64: 128, 128>}, {pipeline_mode = #tpu.pipeline_mode<synchronous>, transform_indices = @transform_4, window_bounds = array<i64: 1, 128>}, {pipeline_mode = #tpu.pipeline_mode<synchronous>, transform_indices = @transform_5, window_bounds = array<i64: 128, 128>}, {transform_indices = @transform_6, window_bounds = array<i64: 2000, 128>}]} {
    %get3A = arith.constant 0 : index
    %get3A_0 = arith.constant 0 : index
    %get3A_1 = arith.constant 0 : index
    %get3A_2 = vector.load %arg1[%get3A, %get3A_0, %get3A_1] : memref<2x2000x128xf32, #tpu.memory_space<vmem>>, vector<1x2000x128xf32>
    %get3A_3 = vector.shape_cast %get3A_2 : vector<1x2000x128xf32> to vector<2000x128xf32>
    %get3A_4 = arith.constant 1 : index
    %get3A_5 = arith.constant 0 : index
    %get3A_6 = arith.constant 0 : index
    %get3A_7 = vector.load %arg1[%get3A_4, %get3A_5, %get3A_6] : memref<2x2000x128xf32, #tpu.memory_space<vmem>>, vector<1x2000x128xf32>
    %get3A_8 = vector.shape_cast %get3A_7 : vector<1x2000x128xf32> to vector<2000x128xf32>
    %add3A = arith.addf %get3A_3, %get3A_8 : vector<2000x128xf32>
    %get3A_9 = arith.constant 0 : index
    %get3A_10 = arith.constant 0 : index
    %get3A_11 = arith.constant 0 : index
    %get3A_12 = vector.load %arg2[%get3A_9, %get3A_10, %get3A_11] : memref<2x2000x16xf32, #tpu.memory_space<vmem>>, vector<1x2000x16xf32>
    %get3A_13 = vector.shape_cast %get3A_12 : vector<1x2000x16xf32> to vector<2000x16xf32>
    %get3A_14 = arith.constant 1 : index
    %get3A_15 = arith.constant 0 : index
    %get3A_16 = arith.constant 0 : index
    %get3A_17 = vector.load %arg2[%get3A_14, %get3A_15, %get3A_16] : memref<2x2000x16xf32, #tpu.memory_space<vmem>>, vector<1x2000x16xf32>
    %get3A_18 = vector.shape_cast %get3A_17 : vector<1x2000x16xf32> to vector<2000x16xf32>
    %add3A_19 = arith.addf %get3A_13, %get3A_18 : vector<2000x16xf32>
    %reduce_sum3A = arith.constant dense<0.000000e+00> : vector<2000xf32>
    %reduce_sum3A_20 = vector.multi_reduction <add>, %add3A_19, %reduce_sum3A [1] : vector<2000x16xf32> to vector<2000xf32>
    %broadcast_in_dim3A = vector.shape_cast %reduce_sum3A_20 : vector<2000xf32> to vector<2000x1xf32>
    %max3A = arith.constant 1.000000e+00 : f32
    %max3A_21 = vector.broadcast %max3A : f32 to vector<2000x1xf32>
    %max3A_22 = arith.maximumf %broadcast_in_dim3A, %max3A_21 : vector<2000x1xf32>
    %div3A = vector.broadcast %max3A_22 : vector<2000x1xf32> to vector<2000x128xf32>
    %div3A_23 = arith.divf %add3A, %div3A : vector<2000x128xf32>
    %get3A_24 = arith.constant 0 : index
    %get3A_25 = arith.constant 0 : index
    %get3A_26 = vector.load %arg4[%get3A_24, %get3A_25] : memref<128x128xf32, #tpu.memory_space<vmem>>, vector<128x128xf32>
    %dot_general3A = arith.constant dense<0.000000e+00> : vector<2000x128xf32>
    %dot_general3A_27 = tpu.matmul %div3A_23, %get3A_26, %dot_general3A {dimension_numbers = #tpu.dot_dimension_numbers<[1], [1], [0], [0], [0, 0, 1, 0], [], []>, transpose_lhs_hint = false} : vector<2000x128xf32>, vector<128x128xf32>, vector<2000x128xf32> -> vector<2000x128xf32>
    %get3A_28 = arith.constant 0 : index
    %get3A_29 = arith.constant 0 : index
    %get3A_30 = vector.load %arg3[%get3A_28, %get3A_29] : memref<2000x128xf32, #tpu.memory_space<vmem>>, vector<2000x128xf32>
    %get3A_31 = arith.constant 0 : index
    %get3A_32 = arith.constant 0 : index
    %get3A_33 = vector.load %arg6[%get3A_31, %get3A_32] : memref<128x128xf32, #tpu.memory_space<vmem>>, vector<128x128xf32>
    %dot_general3A_34 = arith.constant dense<0.000000e+00> : vector<2000x128xf32>
    %dot_general3A_35 = tpu.matmul %get3A_30, %get3A_33, %dot_general3A_34 {dimension_numbers = #tpu.dot_dimension_numbers<[1], [1], [0], [0], [0, 0, 1, 0], [], []>, transpose_lhs_hint = false} : vector<2000x128xf32>, vector<128x128xf32>, vector<2000x128xf32> -> vector<2000x128xf32>
    %add3A_36 = arith.addf %dot_general3A_27, %dot_general3A_35 : vector<2000x128xf32>
    %get3A_37 = arith.constant 0 : index
    %get3A_38 = arith.constant 0 : index
    %get3A_39 = vector.load %arg5[%get3A_37, %get3A_38] : memref<1x128xf32, #tpu.memory_space<vmem>>, vector<1x128xf32>
    %add3A_40 = vector.broadcast %get3A_39 : vector<1x128xf32> to vector<2000x128xf32>
    %add3A_41 = arith.addf %add3A_36, %add3A_40 : vector<2000x128xf32>
    %max3A_42 = arith.constant 0.000000e+00 : f32
    %max3A_43 = vector.broadcast %max3A_42 : f32 to vector<2000x128xf32>
    %max3A_44 = arith.maximumf %add3A_41, %max3A_43 : vector<2000x128xf32>
    %swap3A = arith.constant 0 : index
    %swap3A_45 = arith.constant 0 : index
    %swap3A_46 = vector.load %arg7[%swap3A, %swap3A_45] : memref<2000x128xf32, #tpu.memory_space<vmem>>, vector<2000x128xf32>
    tpu.vector_store %arg7[%swap3A, %swap3A_45], %max3A_44 {strides = array<i32>} : memref<2000x128xf32, #tpu.memory_space<vmem>>, vector<2000x128xf32>,
    return
  }
  func.func @transform_0(%arg0: i32) -> (i32, i32, i32) {
    %c0_i32 = arith.constant 0 : i32
    %c0_i32_0 = arith.constant 0 : i32
    %c0_i32_1 = arith.constant 0 : i32
    return %c0_i32, %arg0, %c0_i32_0 : i32, i32, i32
  }
  func.func @transform_1(%arg0: i32) -> (i32, i32, i32) {
    %c0_i32 = arith.constant 0 : i32
    %c0_i32_0 = arith.constant 0 : i32
    %c0_i32_1 = arith.constant 0 : i32
    return %c0_i32, %arg0, %c0_i32_0 : i32, i32, i32
  }
  func.func @transform_2(%arg0: i32) -> (i32, i32) {
    %c0_i32 = arith.constant 0 : i32
    %c0_i32_0 = arith.constant 0 : i32
    return %arg0, %c0_i32 : i32, i32
  }
  func.func @transform_3(%arg0: i32) -> (i32, i32) {
    %c0_i32 = arith.constant 0 : i32
    %c0_i32_0 = arith.constant 0 : i32
    %c0_i32_1 = arith.constant 0 : i32
    return %c0_i32, %c0_i32_0 : i32, i32
  }
  func.func @transform_4(%arg0: i32) -> (i32, i32) {
    %c0_i32 = arith.constant 0 : i32
    %c0_i32_0 = arith.constant 0 : i32
    %c0_i32_1 = arith.constant 0 : i32
    return %c0_i32, %c0_i32_0 : i32, i32
  }
  func.func @transform_5(%arg0: i32) -> (i32, i32) {
    %c0_i32 = arith.constant 0 : i32
    %c0_i32_0 = arith.constant 0 : i32
    %c0_i32_1 = arith.constant 0 : i32
    return %c0_i32, %c0_i32_0 : i32, i32
  }
  func.func @transform_6(%arg0: i32) -> (i32, i32) {
    %c0_i32 = arith.constant 0 : i32
    %c0_i32_0 = arith.constant 0 : i32
    return %arg0, %c0_i32 : i32, i32
  }
}

</mosaic_0001>

<sc_bundles>
// kernel: kernel.4.cloned.1.call-start
scs
__scs_entry_jumppad:
0x0: {  	(pc) =	sbr.rel $0x88, $3  }
0x1: {  	(tag) =	ssettag $0x0;
	lr =	simm.s32 $0x1  }
0x2: {  	[smem:$0x3F9C] =	sst lr;
	_ =	strace $0xD0000000  }
0x3: {  	_ = 	snop  }
0x4: {  	_ = 	snop  }
0x5: {  	_ = 	snop  }
0x6: {  	_ = 	snop  }
0x7: {  	_ = 	snop  }
__scs_overlays_trampoline_lowered:
0x8: {  	[smem:$0x3FAB] =	sst s0  }
0x9: {  	[smem:$0x3FAC] =	sst s1  }
0xa: {  	[smem:$0x3FAD] =	sst s2  }
0xb: {  	[smem:$0x3FAE] =	sst s3  }
0xc: {  	[smem:$0x3FAF] =	sst s4  }
0xd: {  	[smem:$0x3FB0] =	sst s5  }
0xe: {  	[smem:$0x3FB1] =	sst s6  }
0xf: {  	[smem:$0x3FB2] =	sst s7  }
0x10: {  	[smem:$0x3FB3] =	sst s8  }
0x11: {  	[smem:$0x3FB4] =	sst s9;
	s0 =	simm.s32 @!p0 $0x0  }
0x12: {  	s1 =	sld [smem:$0x3F9A];
	s0 =	simm.s32 @p0 $0x1  }
0x13: {  	[smem:$0x3FB5] =	sst s0;
	s0 =	simm.s32 @!p1 $0x0  }
0x14: {  	s2 =	sld [smem:$0x3F99];
	s0 =	simm.s32 @p1 $0x1  }
0x15: {  	[smem:$0x3FB6] =	sst s0;
	s0 =	simm.s32 @!p2 $0x0  }
0x16: {  	s3 =	sld [smem:$0x3FDB];
	s0 =	simm.s32 @p2 $0x1  }
0x17: {  	s4 =	simm.s32 $0x1BF5;
	[smem:$0x3FB8] =	sst s0  }
0x18: {  	s0 =	sld [smem:$0x3F9B];
	_ =	swait.ge [sflag:s4], $0x0  }
0x19: {  	s7 =	sld [smem:$0x3F9C]  }
0x1a: {  	s8 =	sadd.s32 $0xFFFFE003, lr  }
0x1b: {  	s9 =	sadd.s32 $0xFFFFFEF7, lr;
	s5 =	simm.s32 $0xFFFFFFFF;
	p2 =	slt.u32 s8, $0xFFFFF086  }
0x1c: {  	p1 =	slt.u32 s9, $0xF7A;
	s5 =	simm.s32 @!p2 $0x0  }
0x1d: {  	s5 =	simm.s32 @p1 $0x1;
	p0 =	seq.s32 s7, s2  }
0x1e: {  	s7 =	smul.u32 @!p0 $0xF7A, s2;
	p2 =	seq.s32 @!p0 s5, $0x0  }
0x1f: {  	s9 =	smul.u32 $0xF7A, s1;
	s8 =	simm.s32 @!p0 $0x1BF5;
	p2 =	por !p2, p0  }
0x20: {  	[sflag:s8] =	ssyncset.s32 @!p0 $0xFFFFF086;
	s6 =	sadd.s32 @!p0 s3, s7;
	s7 =	simm.s32 @!p0 $0x108  }
0x21: {  	s3 =	sadd.s32 s3, s9;
	s6 =	sadd.s32 @!p0 $0x88, s6;
	s7 =	simm.s32 @p2 $0x1082  }
0x22: {  	[simem:s7], [sflag:s8] =	dma.local @!p0 [hbm:s6], $0xF7A  }
0x23: {  	s9 =	sor.u32 $0xD0000000, s2;
	s6 =	simm.s32 $0x108;
	_ =	swait.ge @!p0 [sflag:s8], $0x0  }
0x24: {  	s3 =	sadd.s32 $0x88, s3;
	s6 =	simm.s32 @!p1 $0x1082;
	[sflag:s4] =	ssyncset.s32 $0xFFFFF086  }
0x25: {  	[simem:s6], [sflag:s4] =	dma.local [hbm:s3], $0xF7A  }
0x26: {  	[smem:$0x3F9C] =	sst s1;
	(tag) =	ssettag s2;
	_ =	strace s9  }
0x27: {  	s1 =	sld [smem:$0x3FAC]  }
0x28: {  	s2 =	sld [smem:$0x3FAD]  }
0x29: {  	s4 =	sld [smem:$0x3FAF]  }
0x2a: {  	p0 =	seq.s32 s5, $0x0;
	s5 =	sld [smem:$0x3FB0]  }
0x2b: {  	s6 =	sld [smem:$0x3FB1]  }
0x2c: {  	s7 =	sld [smem:$0x3FB2]  }
0x2d: {  	s3 =	simm.s32 $0x108;
	s8 =	sld [smem:$0x3FB3]  }
0x2e: {  	s3 =	simm.s32 @!p0 $0x1082;
	s9 =	sld [smem:$0x3FB4]  }
0x2f: {  	lr =	sadd.s32 s0, s3;
	s0 =	sld [smem:$0x3FAB]  }
0x30: {  	s3 =	sld [smem:$0x3FAE]  }
0x31: {  	[smem:$0x3FB7] =	sst s10  }
0x32: {  	s10 =	sld [smem:$0x3FB5];
	_ =	sdelay $0x3  }
0x33: {  	p0 =	seq.s32 s10, $0x1;
	s10 =	sld [smem:$0x3FB7];
	_ =	sdelay $0x3  }
0x34: {  	[smem:$0x3FB7] =	sst s10  }
0x35: {  	s10 =	sld [smem:$0x3FB6];
	_ =	sdelay $0x3  }
0x36: {  	p1 =	seq.s32 s10, $0x1;
	s10 =	sld [smem:$0x3FB7];
	_ =	sdelay $0x3  }
0x37: {  	[smem:$0x3FB7] =	sst s10  }
0x38: {  	s10 =	sld [smem:$0x3FB8]  }
0x39: {  	_ = 	snop;
	(pc) =	sbr.ind lr, $3  }
0x3a: {  	_ = 	snop  }
0x3b: {  	_ = 	snop  }
0x3c: {  	p2 =	seq.s32 s10, $0x1;
	s10 =	sld [smem:$0x3FB7]  }
0x3d: {  	_ =	shalt  }
0x3e: {  	_ =	shalt  }
0x3f: {  	_ =	shalt  }
0x40: {  	_ =	shalt  }
0x41: {  	_ =	shalt  }
0x42: {  	_ =	shalt  }
0x43: {  	_ =	shalt  }
0x44: {  	_ =	shalt  }
0x45: {  	_ =	shalt  }
0x46: {  	_ =	shalt  }
0x47: {  	_ =	shalt  }
0x48: {  	_ =	shalt  }
0x49: {  	_ =	shalt  }
0x4a: {  	_ =	shalt  }
0x4b: {  	_ =	shalt  }
0x4c: {  	_ =	shalt  }
0x4d: {  	_ =	shalt  }
0x4e: {  	_ =	shalt  }
0x4f: {  	_ =	shalt  }
0x50: {  	_ =	shalt  }
0x51: {  	_ =	shalt  }
0x52: {  	_ =	shalt  }
0x53: {  	_ =	shalt  }
0x54: {  	_ =	shalt  }
0x55: {  	_ =	shalt  }
0x56: {  	_ =	shalt  }
0x57: {  	_ =	shalt  }
0x58: {  	_ =	shalt  }
0x59: {  	_ =	shalt  }
0x5a: {  	_ =	shalt  }
0x5b: {  	_ =	shalt  }
0x5c: {  	_ =	shalt  }
0x5d: {  	_ =	shalt  }
0x5e: {  	_ =	shalt  }
0x5f: {  	_ =	shalt  }
0x60: {  	_ =	shalt  }
0x61: {  	_ =	shalt  }
0x62: {  	_ =	shalt  }
0x63: {  	_ =	shalt  }
0x64: {  	_ =	shalt  }
0x65: {  	_ =	shalt  }
0x66: {  	_ =	shalt  }
0x67: {  	_ =	shalt  }
0x68: {  	_ =	shalt  }
0x69: {  	_ =	shalt  }
0x6a: {  	_ =	shalt  }
0x6b: {  	_ =	shalt  }
0x6c: {  	_ =	shalt  }
0x6d: {  	_ =	shalt  }
0x6e: {  	_ =	shalt  }
0x6f: {  	_ =	shalt  }
0x70: {  	_ =	shalt  }
0x71: {  	_ =	shalt  }
0x72: {  	_ =	shalt  }
0x73: {  	_ =	shalt  }
0x74: {  	_ =	shalt  }
0x75: {  	_ =	shalt  }
0x76: {  	_ =	shalt  }
0x77: {  	_ =	shalt  }
0x78: {  	_ =	shalt  }
0x79: {  	_ =	shalt  }
0x7a: {  	_ =	shalt  }
0x7b: {  	_ =	shalt  }
0x7c: {  	_ =	shalt  }
0x7d: {  	_ =	shalt  }
0x7e: {  	_ =	shalt  }
0x7f: {  	_ =	shalt  }
0x80: {  	_ =	shalt  }
0x81: {  	_ =	shalt  }
0x82: {  	_ =	shalt  }
0x83: {  	_ =	shalt  }
0x84: {  	_ =	shalt  }
0x85: {  	_ =	shalt  }
0x86: {  	_ =	shalt  }
0x87: {  	_ =	shalt  }
.Lfunc_end0:
.L_simem_size_0:
called_computation_lowered:
.L_overlay_start_0:
0x88: {  	s2 =	sld [smem:$0x3FD9]  }
0x89: {  	s3 =	sld [smem:$0x3FFE];
	_ =	sdelay $0x1  }
0x8a: {  	s1 =	srdreg.scid  }
0x8b: {  	s0 =	sand.u32 $0x1, s1  }
0x8c: {  	s17 =	sshll.u32 s0, $0xA;
	s2 =	sadd.s32 s3, s2  }
0x8d: {  	s2 =	sadd.s32 s2, s17  }
0x8e: {  	[smem:$0x3FC3] =	sst s2  }
0x8f: {  	_ = 	snop  }
0x90: {  	s2 =	sld [smem:$0x3FC9]  }
0x91: {  	s18 =	sld [smem:$0x3FD0];
	(tm) =	ssettm $0x1  }
0x92: {  	s4 =	sld [smem:$0x3FFB];
	_ =	sdelay $0x3  }
0x93: {  	_ =	strace s4  }
0x94: {  	s4 =	sld [smem:$0x3FFC];
	_ =	sdelay $0x3  }
0x95: {  	_ =	strace s4  }
0x96: {  	s4 =	sld [smem:$0x3FFD];
	_ =	sdelay $0x3  }
0x97: {  	_ =	strace s4  }
0x98: {  	_ =	strace $0x8FFFFFFF  }
0x99: {  	s19 =	sld [smem:$0x3FDB];
	_ =	sdelay $0x1  }
0x9a: {  	s5 =	simm.s32 $_scs_section_size  }
0x9b: {  	s6 =	simm.s32 $_size__tile_overlayer_lowered;
	s7 =	simm.s32 $_tile_overlayer_lowered  }
0x9c: {  	s22 =	simm.s32 $0x1BFF;
	s21 =	sshll.u32 s7, $0x1;
	s4 =	sadd.s32 s5, s19  }
0x9d: {  	s8 =	simm.s32 $0x0;
	s20 =	sshll.u32 s6, $0x1;
	s6 =	sadd.s32 s21, s4  }
0x9e: {  	[timem:s8], [sflag:s22] =	dma.local [hbm:s6], s20  }
0x9f: {  	_ =	swait.ge [sflag:s22], s20  }
0xa0: {  	s5 =	ssub.s32 $0x0, s20;
	[sflag:s22] =	ssyncset.done $0x0  }
0xa1: {  	[sflag:s22] =	ssyncadd.s32 s5;
	_ =	sdelay $0x1  }
0xa2: {  	s23 =	simm.s32 $0x1B8B  }
0xa3: {  	_ =	swait.ge [sflag:s23], $0x1  }
0xa4: {  	[sflag:s23] =	ssyncset.done $0x0  }
0xa5: {  	s25 =	simm.s32 $0x1B8E;
	s24 =	sld [smem:$0x3FFE];
	[sflag:s23] =	ssyncadd.s32 $0xFFFFFFFF  }
0xa6: {  	s26 =	simm.s32 $execute0_lowered;
	[smem:$0x3FD2] =	sst s25  }
0xa7: {  	s6 =	sshll.u32 s26, $0x1;
	_ =	strace $0x80000046;
	[dreg:$0x1] =	wrdreg $0xFFFFFFFF  }
0xa8: {  	s28 =	simm.s32 $_size_execute0_lowered;
	s4 =	sadd.s32 s4, s6;
	[dreg:$0x0] =	wrdreg $0x0  }
0xa9: {  	s6 =	sshll.u32 s28, $0x1;
	[dreg:$0x2] =	wrdreg s4  }
0xaa: {  	[dreg:$0x3] =	wrdreg s6  }
0xab: {  	[dreg:$0x4] =	wrdreg $0xC0  }
0xac: {  	_ =	task [dreg:s8], $0x5FFFF  }
0xad: {  	[dreg:$0x1] =	wrdreg $0xFFFFFFFF  }
0xae: {  	[dreg:$0x0] =	wrdreg $0x60  }
0xaf: {  	[dreg:$0x2] =	wrdreg s2  }
0xb0: {  	[dreg:$0x3] =	wrdreg s18  }
0xb1: {  	[dreg:$0x4] =	wrdreg s24  }
0xb2: {  	[dreg:$0x5] =	wrdreg $0x0  }
0xb3: {  	[dreg:$0x6] =	wrdreg $0x140000  }
0xb4: {  	[dreg:$0x7] =	wrdreg $0x9  }
0xb5: {  	_ =	task.clear_ibuf [dreg:s8], $0x8FFFF;
	_ =	strace $0x90000046  }
0xb6: {  	s29 =	simm.s32 $0x9;
	_ =	strace $0x80000048  }
0xb7: {  	_ =	swait.ge [sflag:s29], $0x1  }
0xb8: {  	[sflag:s29] =	ssyncadd.s32 $0xFFFFFFFF  }
0xb9: {  	_ =	strace $0x90000048  }
0xba: {  	_ =	sfence  }
0xbb: {  	s30 =	sld [smem:$0x0];
	_ =	sdelay $0x2  }
0xbc: {  	s31 =	sshll.u32 s1, $0xD;
	s1 =	sshrl.u32 s1, $0x2  }
0xbd: {  	s3 =	sand.u32 $0x4000, s31;
	s1 =	sadd.s32 s1, s30  }
0xbe: {  	s0 =	sor.u32 s3, s0;
	s1 =	sshll.u32 s1, $0x11  }
0xbf: {  	s0 =	sor.u32 s1, s0  }
0xc0: {  	s0 =	sadd.s32 $0x8F2B, s0  }
0xc1: {  	[sflag:s0] =	ssyncadd.remote.s32 $0x1  }
0xc2: {  	_ =	sfence.sel $0xFFFF  }
0xc3: {  	[dreg:$0x0] =	wrdreg $0xFFFFFFFF;
	(pc) =	sbr.abs _section_cstart, $3  }
0xc4: {  	[dreg:$0x1] =	wrdreg $0xFFFFFFFF  }
0xc5: {  	_ =	task.clear_ibuf [dreg:s8], $0x2FFFF;
	_ =	strace $0x9FFFFFFF  }
0xc6: {  	(tm) =	ssettm $0x7FFFFFFF  }
0xc7: {  	_ =	shalt  }
tec
execute0_lowered:
.L_overlay_start_1:
0x0: {  	(tag) =	ssettag $0x1  }
0x1: {  	s0 =	srdreg.scid;
	s10 =	rddreg [dreg:$0x1]  }
0x2: {  	s24 =	stileid.u32;
	s1 =	rddreg [dreg:$0x2];
	s9 =	sand.u32 $0x1, s0  }
0x3: {  	s21 =	sshll.u32 s24, $0x1;
	s12 =	smul.u32 $0x280, s24;
	s13 =	sadd.s32 $0xBE00, s1  }
0x4: {  	s0 =	sor.u32 s9, s21;
	s2 =	ssub.s32 $0x2, s9;
	s19 =	smul.u32 $0x140000, s9  }
0x5: {  	s11 =	smul.u32 $0x2710, s0;
	s22 =	sshrl.u32 s2, $0x1;
	s14 =	sor.u32 $0x50, s12  }
0x6: {  	s15 =	sadd.s32 $0xA0, s12;
	s16 =	sadd.s32 $0xF0, s12;
	s17 =	sadd.s32 $0x140, s12  }
0x7: {  	s18 =	sadd.s32 $0x190, s12;
	s20 =	sadd.s32 $0x1E0, s12;
	s12 =	sadd.s32 $0x230, s12  }
0x8: {  	s26 =	ssub.s32 s2, s22;
	s2 =	smul.u32 $0x14000, s24;
	s6 =	sshll.u32 s14, $0x7  }
0x9: {  	s4 =	sshll.u32 s15, $0x7;
	s3 =	sshll.u32 s16, $0x7;
	s8 =	sshll.u32 s17, $0x7  }
0xa: {  	s5 =	sshll.u32 s18, $0x7;
	s7 =	sshll.u32 s20, $0x7;
	s28 =	sshll.u32 s12, $0x7  }
0xb: {  	s15 =	sshll.u32 s15, $0x4;
	s16 =	sshll.u32 s16, $0x4;
	s11 =	sshrl.u32 s11, $0x3  }
0xc: {  	s22 =	sadd.s32 s19, s6;
	s21 =	sadd.s32 s2, s19;
	s25 =	sadd.s32 s10, s11  }
0xd: {  	s0 =	sshrl.u32 s22, $0x3;
	s22 =	sadd.s32 s19, s4;
	s21 =	sshrl.u32 s21, $0x3  }
0xe: {  	s11 =	smul.u32 $0x28000, s9;
	s9 =	sshrl.u32 s22, $0x3;
	s23 =	sadd.s32 s13, s21  }
0xf: {  	s21 =	sadd.s32 s13, s0;
	s0 =	sadd.s32 s19, s8;
	[dreg:$0x7] =	wrdreg s23  }
0x10: {  	s9 =	sadd.s32 s13, s9;
	[dreg:$0x8] =	wrdreg s21;
	s23 =	sadd.s32 s19, s3  }
0x11: {  	[dreg:$0x9] =	wrdreg s9;
	s21 =	sshrl.u32 s0, $0x3;
	s0 =	sadd.s32 s19, s7  }
0x12: {  	s10 =	sshrl.u32 s23, $0x3;
	s22 =	sadd.s32 s13, s21;
	s23 =	sadd.s32 s19, s5  }
0x13: {  	s19 =	sadd.s32 s19, s28;
	s21 =	sshll.u32 s17, $0x4;
	s9 =	sadd.s32 s13, s10  }
0x14: {  	[dreg:$0xb] =	wrdreg s22;
	s10 =	sshrl.u32 s0, $0x3;
	s19 =	sshrl.u32 s19, $0x3  }
0x15: {  	[dreg:$0xa] =	wrdreg s9;
	s9 =	sshrl.u32 s23, $0x3;
	s23 =	simm.s32 $0x0  }
0x16: {  	s22 =	sshll.u32 s20, $0x4;
	s9 =	sadd.s32 s13, s9;
	[smem:$0x7FF] =	sst s23  }
0x17: {  	[dreg:$0xc] =	wrdreg s9;
	s9 =	sadd.s32 s13, s10;
	s13 =	sadd.s32 s13, s19  }
0x18: {  	s0 =	sadd.s32 $0x1E00, s1;
	[dreg:$0xe] =	wrdreg s13;
	s13 =	smul.u32 $0x2800, s24  }
0x19: {  	s10 =	sshll.u32 s14, $0x4;
	[dreg:$0xd] =	wrdreg s9;
	s24 =	sadd.s32 s11, s15  }
0x1a: {  	s20 =	sadd.s32 s11, s10;
	s14 =	sshrl.u32 s24, $0x3;
	s19 =	sadd.s32 s13, s11  }
0x1b: {  	s9 =	sshrl.u32 s20, $0x3;
	s20 =	sadd.s32 s0, s14;
	s17 =	sshrl.u32 s19, $0x3  }
0x1c: {  	s18 =	sshll.u32 s18, $0x4;
	[dreg:$0x11] =	wrdreg s20;
	s17 =	sadd.s32 s0, s17  }
0x1d: {  	s14 =	sadd.s32 s11, s18;
	[dreg:$0xf] =	wrdreg s17;
	s17 =	sadd.s32 s0, s9  }
0x1e: {  	s24 =	sadd.s32 s11, s16;
	s20 =	sshrl.u32 s14, $0x3;
	[dreg:$0x10] =	wrdreg s17  }
0x1f: {  	s17 =	sshrl.u32 s24, $0x3;
	s24 =	sadd.s32 s0, s20;
	s20 =	rddreg [dreg:$0x4]  }
0x20: {  	s9 =	sadd.s32 s11, s21;
	s17 =	sadd.s32 s0, s17;
	[dreg:$0x14] =	wrdreg s24  }
0x21: {  	s12 =	sshll.u32 s12, $0x4;
	s19 =	sshrl.u32 s9, $0x3;
	[dreg:$0x12] =	wrdreg s17  }
0x22: {  	s9 =	sadd.s32 s11, s22;
	s17 =	sadd.s32 s0, s19;
	s19 =	rddreg [dreg:$0x3]  }
0x23: {  	s11 =	sadd.s32 s11, s12;
	s14 =	sshrl.u32 s9, $0x3;
	[dreg:$0x13] =	wrdreg s17  }
0x24: {  	s11 =	sshrl.u32 s11, $0x3;
	s24 =	sadd.s32 s0, s14;
	s17 =	rddreg [dreg:$0x0]  }
0x25: {  	s9 =	sadd.s32 $0x1800, s1;
	s11 =	sadd.s32 s0, s11;
	[dreg:$0x15] =	wrdreg s24  }
0x26: {  	s14 =	sadd.s32 $0x1600, s1;
	s1 =	sadd.s32 $0x1400, s1;
	[dreg:$0x16] =	wrdreg s11  }
0x27: {  	s0 =	sadd.s32 s15, s20;
	_ =	strace $0x80000047;
	[dreg:$0x17] =	wrdreg s9  }
0x28: {  	s15 =	smax.u32 s26, $0x1;
	s24 =	sadd.s32 s10, s20;
	[dreg:$0x18] =	wrdreg s14  }
0x29: {  	s10 =	sadd.s32 s16, s20;
	s16 =	sadd.s32 s21, s20;
	[dreg:$0x19] =	wrdreg s1  }
0x2a: {  	s21 =	sadd.s32 s22, s20;
	s22 =	sadd.s32 $0x9C40, s25;
	[smem:$0x7EE] =	sst s15  }
0x2b: {  	s30 =	sadd.s32 s18, s20;
	s26 =	sadd.s32 $0x9D3A, s25;
	[smem:$0x7EF] =	sst s22  }
0x2c: {  	s18 =	sadd.s32 s12, s20;
	s12 =	sadd.s32 $0x1F4, s25;
	[smem:$0x7F1] =	sst s26  }
0x2d: {  	[smem:$0x7F2] =	sst s12  }
0x2e: {  	s11 =	sadd.s32 s3, s19;
	[dreg:$0x6] =	wrdreg s25  }
0x2f: {  	s6 =	sadd.s32 s6, s19;
	[dreg:$0x1c] =	wrdreg s11  }
0x30: {  	[dreg:$0x1d] =	wrdreg s6  }
0x31: {  	s3 =	sadd.s32 s28, s19;
	[smem:$0x7FA] =	sst s21  }
0x32: {  	[smem:$0x7FB] =	sst s3  }
0x33: {  	s9 =	sadd.s32 s8, s19;
	[smem:$0x7FC] =	sst s18  }
0x34: {  	s8 =	smov.u32 s24;
	s24 =	sadd.s32 $0xFA, s25;
	[smem:$0x7FD] =	sst s0  }
0x35: {  	s15 =	sadd.s32 $0x2EE, s25;
	[smem:$0x7F0] =	sst s24  }
0x36: {  	s29 =	simm.s32 $0x2;
	s22 =	sadd.s32 $0x9F2E, s25;
	[smem:$0x7F4] =	sst s15  }
0x37: {  	s1 =	sadd.s32 s2, s19;
	s26 =	sadd.s32 $0xA028, s25;
	[smem:$0x7F5] =	sst s22  }
0x38: {  	s2 =	sadd.s32 s4, s19;
	s4 =	simm.s32 $0x0;
	[smem:$0x7F7] =	sst s26  }
0x39: {  	s31 =	simm.s32 $0x5;
	s7 =	sadd.s32 s7, s19;
	[smem:$0x7F8] =	sst s4  }
0x3a: {  	s28 =	simm.s32 $0x1;
	s14 =	sadd.s32 s13, s20;
	[dreg:$0x1a] =	wrdreg s2  }
0x3b: {  	s13 =	sadd.s32 s5, s19;
	s5 =	smov.u32 s1;
	[dreg:$0x1b] =	wrdreg s8  }
0x3c: {  	s1 =	smov.u32 s13;
	s13 =	sadd.s32 $0x9E34, s25;
	[dreg:$0x1e] =	wrdreg s14  }
0x3d: {  	s12 =	simm.s32 $0x18740;
	s24 =	sadd.s32 $0x3E8, s25;
	[smem:$0x7F3] =	sst s13  }
0x3e: {  	s25 =	simm.s32 $0x1D740;
	s15 =	simm.s32 $0x1DC40;
	[smem:$0x7F6] =	sst s24  }
0x3f: {  	s22 =	simm.s32 $0x4;
	s26 =	simm.s32 $0x1AF40;
	[dreg:$0x1f] =	wrdreg s5  }
0x40: {  	s13 =	simm.s32 $0x6;
	s24 =	simm.s32 $0x50;
	[smem:$0x7F9] =	sst s1  }
.LBB2_1:
0x41: {  	s4 =	rddreg [dreg:$0x17]  }
0x42: {  	[tilespmem:s12], [sflag:$0x6] =	stream.linear.gather [hbm4b:s4+s23], $0x2800, $0x38;
	[tilespmem:$0x1E140] =	vst v63  }
0x43: {  	_ =	swait.ge [sflag:s13], $0x2800  }
0x44: {  	[sflag:s13] =	ssyncset.done $0x0  }
0x45: {  	s4 =	rddreg [dreg:$0x18];
	[sflag:s13] =	ssyncadd.s32 $0xFFFFD800  }
0x46: {  	[tilespmem:s25], [sflag:$0x6] =	stream.linear.gather [hbm4b:s4+s23], $0x500, $0x38;
	[tilespmem:$0x1E140] =	vst v63  }
0x47: {  	_ =	swait.ge [sflag:s13], $0x500  }
0x48: {  	[sflag:s13] =	ssyncset.done $0x0  }
0x49: {  	s4 =	rddreg [dreg:$0x19];
	[sflag:s13] =	ssyncadd.s32 $0xFFFFFB00  }
0x4a: {  	[tilespmem:s15], [sflag:$0x6] =	stream.linear.gather [hbm4b:s4+s23], $0x500, $0x38;
	[tilespmem:$0x1E140] =	vst v63  }
0x4b: {  	_ =	swait.ge [sflag:s13], $0x500  }
0x4c: {  	[sflag:s13] =	ssyncset.done $0x0  }
0x4d: {  	[sflag:s13] =	ssyncadd.s32 $0xFFFFFB00  }
0x4e: {  	[spmem:s5] =	stream.linear.scatter [tilespmem:s12], [sflag:$0x4], $0x2800, $0x38;
	[tilespmem:$0x1E140] =	vst v63  }
0x4f: {  	_ = 	snop  }
0x50: {  	[spmem:s14] =	stream.linear.scatter [tilespmem:s25], [sflag:$0x4], $0x500, $0x38;
	[tilespmem:$0x1E140] =	vst v63  }
0x51: {  	_ = 	snop  }
0x52: {  	[spmem:s6] =	stream.linear.scatter [tilespmem:s12], [sflag:$0x4], $0x2800, $0x38;
	[tilespmem:$0x1E140] =	vst v63  }
0x53: {  	_ = 	snop  }
0x54: {  	[spmem:s8] =	stream.linear.scatter [tilespmem:s25], [sflag:$0x4], $0x500, $0x38;
	[tilespmem:$0x1E140] =	vst v63  }
0x55: {  	_ = 	snop  }
0x56: {  	[spmem:s2] =	stream.linear.scatter [tilespmem:s12], [sflag:$0x4], $0x2800, $0x38;
	[tilespmem:$0x1E140] =	vst v63  }
0x57: {  	_ = 	snop  }
0x58: {  	[spmem:s0] =	stream.linear.scatter [tilespmem:s25], [sflag:$0x4], $0x500, $0x38;
	[tilespmem:$0x1E140] =	vst v63  }
0x59: {  	_ = 	snop  }
0x5a: {  	[spmem:s11] =	stream.linear.scatter [tilespmem:s12], [sflag:$0x4], $0x2800, $0x38;
	[tilespmem:$0x1E140] =	vst v63  }
0x5b: {  	_ = 	snop  }
0x5c: {  	[spmem:s10] =	stream.linear.scatter [tilespmem:s25], [sflag:$0x4], $0x500, $0x38;
	[tilespmem:$0x1E140] =	vst v63  }
0x5d: {  	_ = 	snop  }
0x5e: {  	[spmem:s9] =	stream.linear.scatter [tilespmem:s12], [sflag:$0x4], $0x2800, $0x38;
	[tilespmem:$0x1E140] =	vst v63  }
0x5f: {  	_ = 	snop  }
0x60: {  	[spmem:s16] =	stream.linear.scatter [tilespmem:s25], [sflag:$0x4], $0x500, $0x38;
	[tilespmem:$0x1E140] =	vst v63  }
0x61: {  	_ = 	snop  }
0x62: {  	[spmem:s1] =	stream.linear.scatter [tilespmem:s12], [sflag:$0x4], $0x2800, $0x38;
	[tilespmem:$0x1E140] =	vst v63  }
0x63: {  	_ = 	snop  }
0x64: {  	[spmem:s30] =	stream.linear.scatter [tilespmem:s25], [sflag:$0x4], $0x500, $0x38;
	[tilespmem:$0x1E140] =	vst v63  }
0x65: {  	_ = 	snop  }
0x66: {  	[spmem:s7] =	stream.linear.scatter [tilespmem:s12], [sflag:$0x4], $0x2800, $0x38;
	[tilespmem:$0x1E140] =	vst v63  }
0x67: {  	_ = 	snop  }
0x68: {  	[spmem:s21] =	stream.linear.scatter [tilespmem:s25], [sflag:$0x4], $0x500, $0x38;
	[tilespmem:$0x1E140] =	vst v63  }
0x69: {  	_ = 	snop  }
0x6a: {  	[spmem:s3] =	stream.linear.scatter [tilespmem:s12], [sflag:$0x4], $0x2800, $0x38;
	[tilespmem:$0x1E140] =	vst v63  }
0x6b: {  	s11 =	smov.u32 s16;
	s16 =	rddreg [dreg:$0x6]  }
0x6c: {  	[spmem:s18] =	stream.linear.scatter [tilespmem:s25], [sflag:$0x4], $0x500, $0x38;
	[tilespmem:$0x1E140] =	vst v63  }
0x6d: {  	s21 =	simm.s32 $0x16800;
	s18 =	sld [smem:$0x7EF]  }
0x6e: {  	[tilespmem:s21], [sflag:$0x3] =	stream.linear.gather [hbm4b:s16+s23], $0x7D0, $0x38;
	[tilespmem:$0x1E140] =	vst v63  }
0x6f: {  	s25 =	simm.s32 $0x16FD0  }
0x70: {  	[tilespmem:s25], [sflag:$0x3] =	stream.linear.gather [hbm4b:s18+s23], $0x7D0, $0x38;
	[tilespmem:$0x1E140] =	vst v63  }
0x71: {  	_ =	swait.ge [sflag:s22], $0x2800  }
0x72: {  	[sflag:s22] =	ssyncset.done $0x0  }
0x73: {  	[sflag:s22] =	ssyncadd.s32 $0xFFFFD800  }
0x74: {  	_ =	swait.ge [sflag:s22], $0x500  }
0x75: {  	[sflag:s22] =	ssyncset.done $0x0  }
0x76: {  	[sflag:s22] =	ssyncadd.s32 $0xFFFFFB00  }
0x77: {  	_ =	swait.ge [sflag:s22], $0x2800  }
0x78: {  	[sflag:s22] =	ssyncset.done $0x0  }
0x79: {  	[sflag:s22] =	ssyncadd.s32 $0xFFFFD800  }
0x7a: {  	_ =	swait.ge [sflag:s22], $0x500  }
0x7b: {  	[sflag:s22] =	ssyncset.done $0x0  }
0x7c: {  	[sflag:s22] =	ssyncadd.s32 $0xFFFFFB00  }
0x7d: {  	_ =	swait.ge [sflag:s22], $0x2800  }
0x7e: {  	[sflag:s22] =	ssyncset.done $0x0  }
0x7f: {  	[sflag:s22] =	ssyncadd.s32 $0xFFFFD800  }
0x80: {  	_ =	swait.ge [sflag:s22], $0x500  }
0x81: {  	[sflag:s22] =	ssyncset.done $0x0  }
0x82: {  	[sflag:s22] =	ssyncadd.s32 $0xFFFFFB00  }
0x83: {  	_ =	swait.ge [sflag:s22], $0x2800  }
0x84: {  	[sflag:s22] =	ssyncset.done $0x0  }
0x85: {  	[sflag:s22] =	ssyncadd.s32 $0xFFFFD800  }
0x86: {  	_ =	swait.ge [sflag:s22], $0x500  }
0x87: {  	[sflag:s22] =	ssyncset.done $0x0  }
0x88: {  	[sflag:s22] =	ssyncadd.s32 $0xFFFFFB00  }
0x89: {  	_ =	swait.ge [sflag:s22], $0x2800  }
0x8a: {  	[sflag:s22] =	ssyncset.done $0x0  }
0x8b: {  	[sflag:s22] =	ssyncadd.s32 $0xFFFFD800  }
0x8c: {  	_ =	swait.ge [sflag:s22], $0x500  }
0x8d: {  	[sflag:s22] =	ssyncset.done $0x0  }
0x8e: {  	[sflag:s22] =	ssyncadd.s32 $0xFFFFFB00  }
0x8f: {  	_ =	swait.ge [sflag:s22], $0x2800  }
0x90: {  	[sflag:s22] =	ssyncset.done $0x0  }
0x91: {  	[sflag:s22] =	ssyncadd.s32 $0xFFFFD800  }
0x92: {  	_ =	swait.ge [sflag:s22], $0x500  }
0x93: {  	[sflag:s22] =	ssyncset.done $0x0  }
0x94: {  	[sflag:s22] =	ssyncadd.s32 $0xFFFFFB00  }
0x95: {  	_ =	swait.ge [sflag:s22], $0x2800  }
0x96: {  	[sflag:s22] =	ssyncset.done $0x0  }
0x97: {  	[sflag:s22] =	ssyncadd.s32 $0xFFFFD800  }
0x98: {  	_ =	swait.ge [sflag:s22], $0x500  }
0x99: {  	[sflag:s22] =	ssyncset.done $0x0  }
0x9a: {  	[sflag:s22] =	ssyncadd.s32 $0xFFFFFB00  }
0x9b: {  	_ =	swait.ge [sflag:s22], $0x2800  }
0x9c: {  	[sflag:s22] =	ssyncset.done $0x0  }
0x9d: {  	[sflag:s22] =	ssyncadd.s32 $0xFFFFD800  }
0x9e: {  	_ =	swait.ge [sflag:s22], $0x500  }
0x9f: {  	[sflag:s22] =	ssyncset.done $0x0  }
0xa0: {  	s0 =	simm.s32 $0x3;
	[sflag:s22] =	ssyncadd.s32 $0xFFFFFB00  }
0xa1: {  	_ =	swait.ge [sflag:s0], $0x7D0  }
0xa2: {  	[sflag:s0] =	ssyncset.done $0x0  }
0xa3: {  	[sflag:s0] =	ssyncadd.s32 $0xFFFFF830  }
0xa4: {  	_ =	swait.ge [sflag:s0], $0x7D0  }
0xa5: {  	[sflag:s0] =	ssyncset.done $0x0  }
0xa6: {  	[sflag:s0] =	ssyncadd.s32 $0xFFFFF830  }
0xa7: {  	[tilespmem:s12], [sflag:$0x1] =	stream.indirect.gather [hbm4b:s17+s24], $0x80, s21, s24, $0xb8;
	[tilespmem:$0x1E140] =	vst v63  }
0xa8: {  	[bflag:$0x0] =	sbarrier.arrive $0xFFFF  }
0xa9: {  	s1 =	sld [smem:$0x7F0];
	_ =	sdelay $0x1  }
0xaa: {  	s3 =	simm.s32 $0x177A0;
	s4 =	sld [smem:$0x7F1]  }
0xab: {  	[tilespmem:s3], [sflag:$0x3] =	stream.linear.gather [hbm4b:s1+s23], $0x7D0, $0x38;
	[tilespmem:$0x1E140] =	vst v63  }
0xac: {  	s5 =	simm.s32 $0x17F70  }
0xad: {  	[tilespmem:s5], [sflag:$0x3] =	stream.linear.gather [hbm4b:s4+s23], $0x7D0, $0x38;
	[tilespmem:$0x1E140] =	vst v63  }
0xae: {  	s6 =	simm.s32 $0x16850  }
0xaf: {  	[tilespmem:s26], [sflag:$0x2] =	stream.indirect.gather [hbm4b:s17+s24], $0x80, s6, s24, $0xb8;
	[tilespmem:$0x1E140] =	vst v63  }
0xb0: {  	_ =	swait.ge [sflag:s28], $0x2800  }
0xb1: {  	[sflag:s28] =	ssyncset.done $0x0  }
0xb2: {  	[sflag:s28] =	ssyncadd.s32 $0xFFFFD800  }
0xb3: {  	[spmem:s19] =	stream.indirect.scatter.add.f32 [tilespmem:s12], [sflag:$0x6], $0x80, s25, s24, $0xb8;
	[tilespmem:$0x1E140] =	vst v63  }
0xb4: {  	_ =	swait.ge [sflag:s13], $0x2800  }
0xb5: {  	[sflag:s13] =	ssyncset.done $0x0  }
0xb6: {  	[sflag:s13] =	ssyncadd.s32 $0xFFFFD800  }
0xb7: {  	[spmem:s20] =	stream.indirect.scatter.add.f32 [tilespmem:s15], [sflag:$0x5], $0x10, s25, s24, $0xb8;
	[tilespmem:$0x1E140] =	vst v63  }
0xb8: {  	s8 =	simm.s32 $0x168A0  }
0xb9: {  	[tilespmem:s12], [sflag:$0x1] =	stream.indirect.gather [hbm4b:s17+s24], $0x80, s8, s24, $0xb8;
	[tilespmem:$0x1E140] =	vst v63  }
0xba: {  	_ =	swait.ge [sflag:s29], $0x2800  }
0xbb: {  	[sflag:s29] =	ssyncset.done $0x0  }
0xbc: {  	s14 =	simm.s32 $0x17020;
	[sflag:s29] =	ssyncadd.s32 $0xFFFFD800  }
0xbd: {  	[spmem:s19] =	stream.indirect.scatter.add.f32 [tilespmem:s26], [sflag:$0x6], $0x80, s14, s24, $0xb8;
	[tilespmem:$0x1E140] =	vst v63  }
0xbe: {  	_ =	swait.ge [sflag:s13], $0x2800  }
0xbf: {  	[sflag:s13] =	ssyncset.done $0x0  }
0xc0: {  	[sflag:s13] =	ssyncadd.s32 $0xFFFFD800  }
0xc1: {  	[spmem:s20] =	stream.indirect.scatter.add.f32 [tilespmem:s15], [sflag:$0x5], $0x10, s14, s24, $0xb8;
	[tilespmem:$0x1E140] =	vst v63  }
0xc2: {  	s16 =	simm.s32 $0x168F0  }
0xc3: {  	[tilespmem:s26], [sflag:$0x2] =	stream.indirect.gather [hbm4b:s17+s24], $0x80, s16, s24, $0xb8;
	[tilespmem:$0x1E140] =	vst v63  }
0xc4: {  	_ =	swait.ge [sflag:s28], $0x2800  }
0xc5: {  	[sflag:s28] =	ssyncset.done $0x0  }
0xc6: {  	s18 =	simm.s32 $0x17070;
	[sflag:s28] =	ssyncadd.s32 $0xFFFFD800  }
0xc7: {  	[spmem:s19] =	stream.indirect.scatter.add.f32 [tilespmem:s12], [sflag:$0x6], $0x80, s18, s24, $0xb8;
	[tilespmem:$0x1E140] =	vst v63  }
0xc8: {  	_ =	swait.ge [sflag:s13], $0x2800  }
0xc9: {  	[sflag:s13] =	ssyncset.done $0x0  }
0xca: {  	[sflag:s13] =	ssyncadd.s32 $0xFFFFD800  }
0xcb: {  	_ =	swait.ge [sflag:s31], $0x500  }
0xcc: {  	[sflag:s31] =	ssyncset.done $0x0  }
0xcd: {  	[sflag:s31] =	ssyncadd.s32 $0xFFFFFB00  }
0xce: {  	[spmem:s20] =	stream.indirect.scatter.add.f32 [tilespmem:s15], [sflag:$0x5], $0x10, s18, s24, $0xb8;
	[tilespmem:$0x1E140] =	vst v63  }
0xcf: {  	s23 =	simm.s32 $0x16940  }
0xd0: {  	[tilespmem:s12], [sflag:$0x1] =	stream.indirect.gather [hbm4b:s17+s24], $0x80, s23, s24, $0xb8;
	[tilespmem:$0x1E140] =	vst v63  }
0xd1: {  	_ =	swait.ge [sflag:s29], $0x2800  }
0xd2: {  	[sflag:s29] =	ssyncset.done $0x0  }
0xd3: {  	s5 =	simm.s32 $0x170C0;
	[sflag:s29] =	ssyncadd.s32 $0xFFFFD800  }
0xd4: {  	[spmem:s19] =	stream.indirect.scatter.add.f32 [tilespmem:s26], [sflag:$0x6], $0x80, s5, s24, $0xb8;
	[tilespmem:$0x1E140] =	vst v63  }
0xd5: {  	_ =	swait.ge [sflag:s13], $0x2800  }
0xd6: {  	[sflag:s13] =	ssyncset.done $0x0  }
0xd7: {  	[sflag:s13] =	ssyncadd.s32 $0xFFFFD800  }
0xd8: {  	s2 =	smov.u32 s7;
	s0 =	smov.u32 s10;
	_ =	swait.ge [sflag:s31], $0x500  }
0xd9: {  	s10 =	smov.u32 s30;
	s4 =	simm.s32 $0xFFFFF9C0;
	[sflag:s31] =	ssyncset.done $0x0  }
0xda: {  	s6 =	simm.s32 $0xFFFFE980;
	s16 =	simm.s32 $0x0;
	[sflag:s31] =	ssyncadd.s32 $0xFFFFFB00  }
.LBB2_2:
0xdb: {  	[spmem:s20] =	stream.indirect.scatter.add.f32 [tilespmem:s15], [sflag:$0x5], $0x10, s5, s24, $0xb8;
	[tilespmem:$0x1E140] =	vst v63  }
0xdc: {  	s5 =	smov.u32 s6  }
0xdd: {  	s8 =	sadd.s32 $0x280, s6;
	s7 =	sshra.s32 s5, $0x2;
	s5 =	sadd.s32 $0x16FD0, s4  }
0xde: {  	[tilespmem:s26], [sflag:$0x2] =	stream.indirect.gather [hbm4b:s17+s24], $0x80, s5, s24, $0xb8;
	[tilespmem:$0x1E140] =	vst v63  }
0xdf: {  	p0 =	sne.s32 s6, $0xFFFFFD80;
	_ =	swait.ge [sflag:s28], $0x2800  }
0xe0: {  	[sflag:s28] =	ssyncset.done $0x0  }
0xe1: {  	s5 =	sadd.s32 $0x17750, s4;
	[sflag:s28] =	ssyncadd.s32 $0xFFFFD800  }
0xe2: {  	[spmem:s19] =	stream.indirect.scatter.add.f32 [tilespmem:s12], [sflag:$0x6], $0x80, s5, s24, $0xb8;
	[tilespmem:$0x1E140] =	vst v63  }
0xe3: {  	_ =	swait.ge [sflag:s13], $0x2800  }
0xe4: {  	[sflag:s13] =	ssyncset.done $0x0  }
0xe5: {  	[sflag:s13] =	ssyncadd.s32 $0xFFFFD800  }
0xe6: {  	_ =	swait.ge [sflag:s31], $0x500  }
0xe7: {  	[sflag:s31] =	ssyncset.done $0x0  }
0xe8: {  	[sflag:s31] =	ssyncadd.s32 $0xFFFFFB00  }
0xe9: {  	[spmem:s20] =	stream.indirect.scatter.add.f32 [tilespmem:s15], [sflag:$0x5], $0x10, s5, s24, $0xb8;
	[tilespmem:$0x1E140] =	vst v63  }
0xea: {  	s5 =	sadd.s32 $0x17020, s4  }
0xeb: {  	[tilespmem:s12], [sflag:$0x1] =	stream.indirect.gather [hbm4b:s17+s24], $0x80, s5, s24, $0xb8;
	[tilespmem:$0x1E140] =	vst v63  }
0xec: {  	_ =	swait.ge [sflag:s29], $0x2800  }
0xed: {  	[sflag:s29] =	ssyncset.done $0x0  }
0xee: {  	s5 =	sadd.s32 $0x177A0, s4;
	s4 =	smov.u32 s7;
	[sflag:s29] =	ssyncadd.s32 $0xFFFFD800  }
0xef: {  	[spmem:s19] =	stream.indirect.scatter.add.f32 [tilespmem:s26], [sflag:$0x6], $0x80, s5, s24, $0xb8;
	[tilespmem:$0x1E140] =	vst v63  }
0xf0: {  	_ =	swait.ge [sflag:s13], $0x2800  }
.Ltmp0:
0xf1: {  	[sflag:s13] =	ssyncset.done $0x0;
	(pc) =	sbr.rel @p0 .LBB2_2-.Ltmp0, $4  }
0xf2: {  	[sflag:s13] =	ssyncadd.s32 $0xFFFFD800  }
0xf3: {  	_ =	swait.ge [sflag:s31], $0x500  }
0xf4: {  	[sflag:s31] =	ssyncset.done $0x0  }
0xf5: {  	s6 =	smov.u32 s8;
	[sflag:s31] =	ssyncadd.s32 $0xFFFFFB00  }
0xf6: {  	[spmem:s20] =	stream.indirect.scatter.add.f32 [tilespmem:s15], [sflag:$0x5], $0x10, s5, s24, $0xb8;
	[tilespmem:$0x1E140] =	vst v63  }
0xf7: {  	s3 =	sadd.s32 $0x16FD0, s4  }
0xf8: {  	[tilespmem:s26], [sflag:$0x2] =	stream.indirect.gather [hbm4b:s17+s24], $0x80, s3, s24, $0xb8;
	[tilespmem:$0x1E140] =	vst v63  }
0xf9: {  	_ =	swait.ge [sflag:s28], $0x2800  }
0xfa: {  	[sflag:s28] =	ssyncset.done $0x0  }
0xfb: {  	s6 =	sadd.s32 $0x17750, s4;
	[sflag:s28] =	ssyncadd.s32 $0xFFFFD800  }
0xfc: {  	[spmem:s19] =	stream.indirect.scatter.add.f32 [tilespmem:s12], [sflag:$0x6], $0x80, s6, s24, $0xb8;
	[tilespmem:$0x1E140] =	vst v63  }
0xfd: {  	_ =	swait.ge [sflag:s13], $0x2800  }
0xfe: {  	[sflag:s13] =	ssyncset.done $0x0  }
0xff: {  	[sflag:s13] =	ssyncadd.s32 $0xFFFFD800  }
0x100: {  	_ =	swait.ge [sflag:s31], $0x500  }
0x101: {  	[sflag:s31] =	ssyncset.done $0x0  }
0x102: {  	[sflag:s31] =	ssyncadd.s32 $0xFFFFFB00  }
0x103: {  	[spmem:s20] =	stream.indirect.scatter.add.f32 [tilespmem:s15], [sflag:$0x5], $0x10, s6, s24, $0xb8;
	[tilespmem:$0x1E140] =	vst v63  }
0x104: {  	s7 =	sadd.s32 $0x17020, s4  }
0x105: {  	[tilespmem:s12], [sflag:$0x1] =	stream.indirect.gather [hbm4b:s17+s24], $0x80, s7, s24, $0xb8;
	[tilespmem:$0x1E140] =	vst v63  }
0x106: {  	_ =	swait.ge [sflag:s29], $0x2800  }
0x107: {  	[sflag:s29] =	ssyncset.done $0x0  }
0x108: {  	s8 =	sadd.s32 $0x177A0, s4;
	[sflag:s29] =	ssyncadd.s32 $0xFFFFD800  }
0x109: {  	[spmem:s19] =	stream.indirect.scatter.add.f32 [tilespmem:s26], [sflag:$0x6], $0x80, s8, s24, $0xb8;
	[tilespmem:$0x1E140] =	vst v63  }
0x10a: {  	_ =	swait.ge [sflag:s13], $0x2800  }
0x10b: {  	[sflag:s13] =	ssyncset.done $0x0  }
0x10c: {  	[sflag:s13] =	ssyncadd.s32 $0xFFFFD800  }
0x10d: {  	_ =	swait.ge [sflag:s31], $0x500  }
0x10e: {  	[sflag:s31] =	ssyncset.done $0x0  }
0x10f: {  	[sflag:s31] =	ssyncadd.s32 $0xFFFFFB00  }
0x110: {  	[spmem:s20] =	stream.indirect.scatter.add.f32 [tilespmem:s15], [sflag:$0x5], $0x10, s8, s24, $0xb8;
	[tilespmem:$0x1E140] =	vst v63  }
0x111: {  	_ =	swait.ge [sflag:s31], $0x500  }
0x112: {  	[sflag:s31] =	ssyncset.done $0x0  }
0x113: {  	[sflag:s31] =	ssyncadd.s32 $0xFFFFFB00  }
0x114: {  	_ =	swait.ge [sflag:s31], $0x500  }
0x115: {  	[sflag:s31] =	ssyncset.done $0x0  }
0x116: {  	s23 =	simm.s32 $0x3;
	[sflag:s31] =	ssyncadd.s32 $0xFFFFFB00  }
0x117: {  	_ =	swait.ge [sflag:s23], $0x7D0  }
0x118: {  	[sflag:s23] =	ssyncset.done $0x0  }
0x119: {  	[sflag:s23] =	ssyncadd.s32 $0xFFFFF830  }
0x11a: {  	_ =	swait.ge [sflag:s23], $0x7D0  }
0x11b: {  	[sflag:s23] =	ssyncset.done $0x0  }
0x11c: {  	[sflag:s23] =	ssyncadd.s32 $0xFFFFF830  }
0x11d: {  	_ =	swait.ge [sflag:s28], $0x2800  }
0x11e: {  	[sflag:s28] =	ssyncset.done $0x0  }
0x11f: {  	s1 =	simm.s32 $0x177A0;
	[sflag:s28] =	ssyncadd.s32 $0xFFFFD800  }
0x120: {  	[tilespmem:s26], [sflag:$0x2] =	stream.indirect.gather [hbm4b:s17+s24], $0x80, s1, s24, $0xb8;
	[tilespmem:$0x1E140] =	vst v63  }
0x121: {  	s14 =	simm.s32 $0x17750  }
0x122: {  	[spmem:s19] =	stream.indirect.scatter.add.f32 [tilespmem:s12], [sflag:$0x6], $0x80, s14, s24, $0xb8;
	[tilespmem:$0x1E140] =	vst v63  }
0x123: {  	_ =	swait.ge [sflag:s13], $0x2800  }
0x124: {  	[sflag:s13] =	ssyncset.done $0x0  }
0x125: {  	[sflag:s13] =	ssyncadd.s32 $0xFFFFD800  }
0x126: {  	[spmem:s20] =	stream.indirect.scatter.add.f32 [tilespmem:s15], [sflag:$0x5], $0x10, s14, s24, $0xb8;
	[tilespmem:$0x1E140] =	vst v63  }
0x127: {  	_ =	swait.ge [sflag:s31], $0x500  }
0x128: {  	s18 =	sld [smem:$0x7F2]  }
0x129: {  	[sflag:s31] =	ssyncset.done $0x0  }
0x12a: {  	s3 =	sld [smem:$0x7F3];
	[sflag:s31] =	ssyncadd.s32 $0xFFFFFB00  }
0x12b: {  	[tilespmem:s21], [sflag:$0x3] =	stream.linear.gather [hbm4b:s18+s16], $0x7D0, $0x38;
	[tilespmem:$0x1E140] =	vst v63  }
0x12c: {  	_ = 	snop  }
0x12d: {  	[tilespmem:s25], [sflag:$0x3] =	stream.linear.gather [hbm4b:s3+s16], $0x7D0, $0x38;
	[tilespmem:$0x1E140] =	vst v63  }
0x12e: {  	s4 =	simm.s32 $0x177F0  }
0x12f: {  	[tilespmem:s12], [sflag:$0x1] =	stream.indirect.gather [hbm4b:s17+s24], $0x80, s4, s24, $0xb8;
	[tilespmem:$0x1E140] =	vst v63  }
0x130: {  	_ =	swait.ge [sflag:s29], $0x2800  }
0x131: {  	[sflag:s29] =	ssyncset.done $0x0  }
0x132: {  	s5 =	simm.s32 $0x17F70;
	[sflag:s29] =	ssyncadd.s32 $0xFFFFD800  }
0x133: {  	[spmem:s19] =	stream.indirect.scatter.add.f32 [tilespmem:s26], [sflag:$0x6], $0x80, s5, s24, $0xb8;
	[tilespmem:$0x1E140] =	vst v63  }
0x134: {  	_ =	swait.ge [sflag:s13], $0x2800  }
0x135: {  	[sflag:s13] =	ssyncset.done $0x0  }
0x136: {  	[sflag:s13] =	ssyncadd.s32 $0xFFFFD800  }
0x137: {  	[spmem:s20] =	stream.indirect.scatter.add.f32 [tilespmem:s15], [sflag:$0x5], $0x10, s5, s24, $0xb8;
	[tilespmem:$0x1E140] =	vst v63  }
0x138: {  	s6 =	simm.s32 $0x17840  }
0x139: {  	[tilespmem:s26], [sflag:$0x2] =	stream.indirect.gather [hbm4b:s17+s24], $0x80, s6, s24, $0xb8;
	[tilespmem:$0x1E140] =	vst v63  }
0x13a: {  	_ =	swait.ge [sflag:s28], $0x2800  }
0x13b: {  	[sflag:s28] =	ssyncset.done $0x0  }
0x13c: {  	s7 =	simm.s32 $0x17FC0;
	[sflag:s28] =	ssyncadd.s32 $0xFFFFD800  }
0x13d: {  	[spmem:s19] =	stream.indirect.scatter.add.f32 [tilespmem:s12], [sflag:$0x6], $0x80, s7, s24, $0xb8;
	[tilespmem:$0x1E140] =	vst v63  }
0x13e: {  	_ =	swait.ge [sflag:s13], $0x2800  }
0x13f: {  	[sflag:s13] =	ssyncset.done $0x0  }
0x140: {  	[sflag:s13] =	ssyncadd.s32 $0xFFFFD800  }
0x141: {  	[spmem:s20] =	stream.indirect.scatter.add.f32 [tilespmem:s15], [sflag:$0x5], $0x10, s7, s24, $0xb8;
	[tilespmem:$0x1E140] =	vst v63  }
0x142: {  	s8 =	simm.s32 $0x17890  }
0x143: {  	[tilespmem:s12], [sflag:$0x1] =	stream.indirect.gather [hbm4b:s17+s24], $0x80, s8, s24, $0xb8;
	[tilespmem:$0x1E140] =	vst v63  }
0x144: {  	_ =	swait.ge [sflag:s29], $0x2800  }
0x145: {  	[sflag:s29] =	ssyncset.done $0x0  }
0x146: {  	s14 =	simm.s32 $0x18010;
	[sflag:s29] =	ssyncadd.s32 $0xFFFFD800  }
0x147: {  	[spmem:s19] =	stream.indirect.scatter.add.f32 [tilespmem:s26], [sflag:$0x6], $0x80, s14, s24, $0xb8;
	[tilespmem:$0x1E140] =	vst v63  }
0x148: {  	_ =	swait.ge [sflag:s13], $0x2800  }
0x149: {  	[sflag:s13] =	ssyncset.done $0x0  }
0x14a: {  	[sflag:s13] =	ssyncadd.s32 $0xFFFFD800  }
0x14b: {  	_ =	swait.ge [sflag:s31], $0x500  }
0x14c: {  	[sflag:s31] =	ssyncset.done $0x0  }
0x14d: {  	[sflag:s31] =	ssyncadd.s32 $0xFFFFFB00  }
0x14e: {  	[spmem:s20] =	stream.indirect.scatter.add.f32 [tilespmem:s15], [sflag:$0x5], $0x10, s14, s24, $0xb8;
	[tilespmem:$0x1E140] =	vst v63  }
0x14f: {  	s18 =	simm.s32 $0x178E0  }
0x150: {  	[tilespmem:s26], [sflag:$0x2] =	stream.indirect.gather [hbm4b:s17+s24], $0x80, s18, s24, $0xb8;
	[tilespmem:$0x1E140] =	vst v63  }
0x151: {  	_ =	swait.ge [sflag:s28], $0x2800  }
0x152: {  	[sflag:s28] =	ssyncset.done $0x0  }
0x153: {  	s5 =	simm.s32 $0x18060;
	[sflag:s28] =	ssyncadd.s32 $0xFFFFD800  }
0x154: {  	[spmem:s19] =	stream.indirect.scatter.add.f32 [tilespmem:s12], [sflag:$0x6], $0x80, s5, s24, $0xb8;
	[tilespmem:$0x1E140] =	vst v63  }
0x155: {  	_ =	swait.ge [sflag:s13], $0x2800  }
0x156: {  	[sflag:s13] =	ssyncset.done $0x0  }
0x157: {  	[sflag:s13] =	ssyncadd.s32 $0xFFFFD800  }
0x158: {  	_ =	swait.ge [sflag:s31], $0x500  }
0x159: {  	s30 =	simm.s32 $0x17F70;
	[sflag:s31] =	ssyncset.done $0x0  }
0x15a: {  	s4 =	simm.s32 $0xFFFFF9C0;
	s6 =	simm.s32 $0xFFFFE980;
	[sflag:s31] =	ssyncadd.s32 $0xFFFFFB00  }
.LBB2_4:
0x15b: {  	[spmem:s20] =	stream.indirect.scatter.add.f32 [tilespmem:s15], [sflag:$0x5], $0x10, s5, s24, $0xb8;
	[tilespmem:$0x1E140] =	vst v63  }
0x15c: {  	s5 =	smov.u32 s6  }
0x15d: {  	s8 =	sadd.s32 $0x280, s6;
	s7 =	sshra.s32 s5, $0x2;
	s5 =	sadd.s32 $0x17F70, s4  }
0x15e: {  	[tilespmem:s12], [sflag:$0x1] =	stream.indirect.gather [hbm4b:s17+s24], $0x80, s5, s24, $0xb8;
	[tilespmem:$0x1E140] =	vst v63  }
0x15f: {  	p0 =	sne.s32 s6, $0xFFFFFD80;
	_ =	swait.ge [sflag:s29], $0x2800  }
0x160: {  	[sflag:s29] =	ssyncset.done $0x0  }
0x161: {  	s5 =	sadd.s32 $0x186F0, s4;
	[sflag:s29] =	ssyncadd.s32 $0xFFFFD800  }
0x162: {  	[spmem:s19] =	stream.indirect.scatter.add.f32 [tilespmem:s26], [sflag:$0x6], $0x80, s5, s24, $0xb8;
	[tilespmem:$0x1E140] =	vst v63  }
0x163: {  	_ =	swait.ge [sflag:s13], $0x2800  }
0x164: {  	[sflag:s13] =	ssyncset.done $0x0  }
0x165: {  	[sflag:s13] =	ssyncadd.s32 $0xFFFFD800  }
0x166: {  	_ =	swait.ge [sflag:s31], $0x500  }
0x167: {  	[sflag:s31] =	ssyncset.done $0x0  }
0x168: {  	[sflag:s31] =	ssyncadd.s32 $0xFFFFFB00  }
0x169: {  	[spmem:s20] =	stream.indirect.scatter.add.f32 [tilespmem:s15], [sflag:$0x5], $0x10, s5, s24, $0xb8;
	[tilespmem:$0x1E140] =	vst v63  }
0x16a: {  	s5 =	sadd.s32 $0x17FC0, s4  }
0x16b: {  	[tilespmem:s26], [sflag:$0x2] =	stream.indirect.gather [hbm4b:s17+s24], $0x80, s5, s24, $0xb8;
	[tilespmem:$0x1E140] =	vst v63  }
0x16c: {  	_ =	swait.ge [sflag:s28], $0x2800  }
0x16d: {  	[sflag:s28] =	ssyncset.done $0x0  }
0x16e: {  	s5 =	sadd.s32 $0x18740, s4;
	s4 =	smov.u32 s7;
	[sflag:s28] =	ssyncadd.s32 $0xFFFFD800  }
0x16f: {  	[spmem:s19] =	stream.indirect.scatter.add.f32 [tilespmem:s12], [sflag:$0x6], $0x80, s5, s24, $0xb8;
	[tilespmem:$0x1E140] =	vst v63  }
0x170: {  	_ =	swait.ge [sflag:s13], $0x2800  }
.Ltmp1:
0x171: {  	[sflag:s13] =	ssyncset.done $0x0;
	(pc) =	sbr.rel @p0 .LBB2_4-.Ltmp1, $4  }
0x172: {  	[sflag:s13] =	ssyncadd.s32 $0xFFFFD800  }
0x173: {  	_ =	swait.ge [sflag:s31], $0x500  }
0x174: {  	[sflag:s31] =	ssyncset.done $0x0  }
0x175: {  	s6 =	smov.u32 s8;
	[sflag:s31] =	ssyncadd.s32 $0xFFFFFB00  }
0x176: {  	[spmem:s20] =	stream.indirect.scatter.add.f32 [tilespmem:s15], [sflag:$0x5], $0x10, s5, s24, $0xb8;
	[tilespmem:$0x1E140] =	vst v63  }
0x177: {  	s8 =	sadd.s32 $0x17F70, s4  }
0x178: {  	[tilespmem:s12], [sflag:$0x1] =	stream.indirect.gather [hbm4b:s17+s24], $0x80, s8, s24, $0xb8;
	[tilespmem:$0x1E140] =	vst v63  }
0x179: {  	_ =	swait.ge [sflag:s29], $0x2800  }
0x17a: {  	[sflag:s29] =	ssyncset.done $0x0  }
0x17b: {  	s1 =	smov.u32 s11;
	s11 =	sadd.s32 $0x186F0, s4;
	[sflag:s29] =	ssyncadd.s32 $0xFFFFD800  }
0x17c: {  	[spmem:s19] =	stream.indirect.scatter.add.f32 [tilespmem:s26], [sflag:$0x6], $0x80, s11, s24, $0xb8;
	[tilespmem:$0x1E140] =	vst v63  }
0x17d: {  	_ =	swait.ge [sflag:s13], $0x2800  }
0x17e: {  	[sflag:s13] =	ssyncset.done $0x0  }
0x17f: {  	[sflag:s13] =	ssyncadd.s32 $0xFFFFD800  }
0x180: {  	_ =	swait.ge [sflag:s31], $0x500  }
0x181: {  	[sflag:s31] =	ssyncset.done $0x0  }
0x182: {  	[sflag:s31] =	ssyncadd.s32 $0xFFFFFB00  }
0x183: {  	[spmem:s20] =	stream.indirect.scatter.add.f32 [tilespmem:s15], [sflag:$0x5], $0x10, s11, s24, $0xb8;
	[tilespmem:$0x1E140] =	vst v63  }
0x184: {  	s14 =	sadd.s32 $0x17FC0, s4  }
0x185: {  	[tilespmem:s26], [sflag:$0x2] =	stream.indirect.gather [hbm4b:s17+s24], $0x80, s14, s24, $0xb8;
	[tilespmem:$0x1E140] =	vst v63  }
0x186: {  	_ =	swait.ge [sflag:s28], $0x2800  }
0x187: {  	[sflag:s28] =	ssyncset.done $0x0  }
0x188: {  	s18 =	sadd.s32 $0x18740, s4;
	[sflag:s28] =	ssyncadd.s32 $0xFFFFD800  }
0x189: {  	[spmem:s19] =	stream.indirect.scatter.add.f32 [tilespmem:s12], [sflag:$0x6], $0x80, s18, s24, $0xb8;
	[tilespmem:$0x1E140] =	vst v63  }
0x18a: {  	_ =	swait.ge [sflag:s13], $0x2800  }
0x18b: {  	[sflag:s13] =	ssyncset.done $0x0  }
0x18c: {  	[sflag:s13] =	ssyncadd.s32 $0xFFFFD800  }
0x18d: {  	_ =	swait.ge [sflag:s31], $0x500  }
0x18e: {  	[sflag:s31] =	ssyncset.done $0x0  }
0x18f: {  	[sflag:s31] =	ssyncadd.s32 $0xFFFFFB00  }
0x190: {  	[spmem:s20] =	stream.indirect.scatter.add.f32 [tilespmem:s15], [sflag:$0x5], $0x10, s18, s24, $0xb8;
	[tilespmem:$0x1E140] =	vst v63  }
0x191: {  	_ =	swait.ge [sflag:s31], $0x500  }
0x192: {  	[sflag:s31] =	ssyncset.done $0x0  }
0x193: {  	[sflag:s31] =	ssyncadd.s32 $0xFFFFFB00  }
0x194: {  	_ =	swait.ge [sflag:s31], $0x500  }
0x195: {  	[sflag:s31] =	ssyncset.done $0x0  }
0x196: {  	[sflag:s31] =	ssyncadd.s32 $0xFFFFFB00  }
0x197: {  	_ =	swait.ge [sflag:s23], $0x7D0  }
0x198: {  	[sflag:s23] =	ssyncset.done $0x0  }
0x199: {  	[sflag:s23] =	ssyncadd.s32 $0xFFFFF830  }
0x19a: {  	_ =	swait.ge [sflag:s23], $0x7D0  }
0x19b: {  	[sflag:s23] =	ssyncset.done $0x0  }
0x19c: {  	[sflag:s23] =	ssyncadd.s32 $0xFFFFF830  }
0x19d: {  	_ =	swait.ge [sflag:s29], $0x2800  }
0x19e: {  	[sflag:s29] =	ssyncset.done $0x0  }
0x19f: {  	[sflag:s29] =	ssyncadd.s32 $0xFFFFD800  }
0x1a0: {  	[tilespmem:s12], [sflag:$0x1] =	stream.indirect.gather [hbm4b:s17+s24], $0x80, s21, s24, $0xb8;
	[tilespmem:$0x1E140] =	vst v63  }
0x1a1: {  	s3 =	simm.s32 $0x186F0  }
0x1a2: {  	[spmem:s19] =	stream.indirect.scatter.add.f32 [tilespmem:s26], [sflag:$0x6], $0x80, s3, s24, $0xb8;
	[tilespmem:$0x1E140] =	vst v63  }
0x1a3: {  	_ =	swait.ge [sflag:s13], $0x2800  }
0x1a4: {  	[sflag:s13] =	ssyncset.done $0x0  }
0x1a5: {  	[sflag:s13] =	ssyncadd.s32 $0xFFFFD800  }
0x1a6: {  	[spmem:s20] =	stream.indirect.scatter.add.f32 [tilespmem:s15], [sflag:$0x5], $0x10, s3, s24, $0xb8;
	[tilespmem:$0x1E140] =	vst v63  }
0x1a7: {  	_ =	swait.ge [sflag:s31], $0x500  }
0x1a8: {  	s5 =	sld [smem:$0x7F4]  }
0x1a9: {  	[sflag:s31] =	ssyncset.done $0x0  }
0x1aa: {  	s6 =	simm.s32 $0x177A0;
	s7 =	sld [smem:$0x7F5];
	[sflag:s31] =	ssyncadd.s32 $0xFFFFFB00  }
0x1ab: {  	[tilespmem:s6], [sflag:$0x3] =	stream.linear.gather [hbm4b:s5+s16], $0x7D0, $0x38;
	[tilespmem:$0x1E140] =	vst v63  }
0x1ac: {  	_ = 	snop  }
0x1ad: {  	[tilespmem:s30], [sflag:$0x3] =	stream.linear.gather [hbm4b:s7+s16], $0x7D0, $0x38;
	[tilespmem:$0x1E140] =	vst v63  }
0x1ae: {  	s8 =	simm.s32 $0x16850  }
0x1af: {  	[tilespmem:s26], [sflag:$0x2] =	stream.indirect.gather [hbm4b:s17+s24], $0x80, s8, s24, $0xb8;
	[tilespmem:$0x1E140] =	vst v63  }
0x1b0: {  	_ =	swait.ge [sflag:s28], $0x2800  }
0x1b1: {  	[sflag:s28] =	ssyncset.done $0x0  }
0x1b2: {  	[sflag:s28] =	ssyncadd.s32 $0xFFFFD800  }
0x1b3: {  	[spmem:s19] =	stream.indirect.scatter.add.f32 [tilespmem:s12], [sflag:$0x6], $0x80, s25, s24, $0xb8;
	[tilespmem:$0x1E140] =	vst v63  }
0x1b4: {  	_ =	swait.ge [sflag:s13], $0x2800  }
0x1b5: {  	[sflag:s13] =	ssyncset.done $0x0  }
0x1b6: {  	[sflag:s13] =	ssyncadd.s32 $0xFFFFD800  }
0x1b7: {  	[spmem:s20] =	stream.indirect.scatter.add.f32 [tilespmem:s15], [sflag:$0x5], $0x10, s25, s24, $0xb8;
	[tilespmem:$0x1E140] =	vst v63  }
0x1b8: {  	s11 =	simm.s32 $0x168A0  }
0x1b9: {  	[tilespmem:s12], [sflag:$0x1] =	stream.indirect.gather [hbm4b:s17+s24], $0x80, s11, s24, $0xb8;
	[tilespmem:$0x1E140] =	vst v63  }
0x1ba: {  	_ =	swait.ge [sflag:s29], $0x2800  }
0x1bb: {  	[sflag:s29] =	ssyncset.done $0x0  }
0x1bc: {  	s14 =	simm.s32 $0x17020;
	[sflag:s29] =	ssyncadd.s32 $0xFFFFD800  }
0x1bd: {  	[spmem:s19] =	stream.indirect.scatter.add.f32 [tilespmem:s26], [sflag:$0x6], $0x80, s14, s24, $0xb8;
	[tilespmem:$0x1E140] =	vst v63  }
0x1be: {  	_ =	swait.ge [sflag:s13], $0x2800  }
0x1bf: {  	[sflag:s13] =	ssyncset.done $0x0  }
0x1c0: {  	[sflag:s13] =	ssyncadd.s32 $0xFFFFD800  }
0x1c1: {  	[spmem:s20] =	stream.indirect.scatter.add.f32 [tilespmem:s15], [sflag:$0x5], $0x10, s14, s24, $0xb8;
	[tilespmem:$0x1E140] =	vst v63  }
0x1c2: {  	s16 =	simm.s32 $0x168F0  }
0x1c3: {  	[tilespmem:s26], [sflag:$0x2] =	stream.indirect.gather [hbm4b:s17+s24], $0x80, s16, s24, $0xb8;
	[tilespmem:$0x1E140] =	vst v63  }
0x1c4: {  	_ =	swait.ge [sflag:s28], $0x2800  }
0x1c5: {  	[sflag:s28] =	ssyncset.done $0x0  }
0x1c6: {  	s18 =	simm.s32 $0x17070;
	[sflag:s28] =	ssyncadd.s32 $0xFFFFD800  }
0x1c7: {  	[spmem:s19] =	stream.indirect.scatter.add.f32 [tilespmem:s12], [sflag:$0x6], $0x80, s18, s24, $0xb8;
	[tilespmem:$0x1E140] =	vst v63  }
0x1c8: {  	_ =	swait.ge [sflag:s13], $0x2800  }
0x1c9: {  	[sflag:s13] =	ssyncset.done $0x0  }
0x1ca: {  	[sflag:s13] =	ssyncadd.s32 $0xFFFFD800  }
0x1cb: {  	_ =	swait.ge [sflag:s31], $0x500  }
0x1cc: {  	[sflag:s31] =	ssyncset.done $0x0  }
0x1cd: {  	[sflag:s31] =	ssyncadd.s32 $0xFFFFFB00  }
0x1ce: {  	[spmem:s20] =	stream.indirect.scatter.add.f32 [tilespmem:s15], [sflag:$0x5], $0x10, s18, s24, $0xb8;
	[tilespmem:$0x1E140] =	vst v63  }
0x1cf: {  	s30 =	simm.s32 $0x16940  }
0x1d0: {  	[tilespmem:s12], [sflag:$0x1] =	stream.indirect.gather [hbm4b:s17+s24], $0x80, s30, s24, $0xb8;
	[tilespmem:$0x1E140] =	vst v63  }
0x1d1: {  	_ =	swait.ge [sflag:s29], $0x2800  }
0x1d2: {  	[sflag:s29] =	ssyncset.done $0x0  }
0x1d3: {  	s5 =	simm.s32 $0x170C0;
	[sflag:s29] =	ssyncadd.s32 $0xFFFFD800  }
0x1d4: {  	[spmem:s19] =	stream.indirect.scatter.add.f32 [tilespmem:s26], [sflag:$0x6], $0x80, s5, s24, $0xb8;
	[tilespmem:$0x1E140] =	vst v63  }
0x1d5: {  	_ =	swait.ge [sflag:s13], $0x2800  }
0x1d6: {  	[sflag:s13] =	ssyncset.done $0x0  }
0x1d7: {  	[sflag:s13] =	ssyncadd.s32 $0xFFFFD800  }
0x1d8: {  	_ =	swait.ge [sflag:s31], $0x500  }
0x1d9: {  	[sflag:s31] =	ssyncset.done $0x0  }
0x1da: {  	s4 =	simm.s32 $0xFFFFF9C0;
	s6 =	simm.s32 $0xFFFFE980;
	[sflag:s31] =	ssyncadd.s32 $0xFFFFFB00  }
.LBB2_6:
0x1db: {  	[spmem:s20] =	stream.indirect.scatter.add.f32 [tilespmem:s15], [sflag:$0x5], $0x10, s5, s24, $0xb8;
	[tilespmem:$0x1E140] =	vst v63  }
0x1dc: {  	s5 =	smov.u32 s6  }
0x1dd: {  	s8 =	sadd.s32 $0x280, s6;
	s7 =	sshra.s32 s5, $0x2;
	s5 =	sadd.s32 $0x16FD0, s4  }
0x1de: {  	[tilespmem:s26], [sflag:$0x2] =	stream.indirect.gather [hbm4b:s17+s24], $0x80, s5, s24, $0xb8;
	[tilespmem:$0x1E140] =	vst v63  }
0x1df: {  	p0 =	sne.s32 s6, $0xFFFFFD80;
	_ =	swait.ge [sflag:s28], $0x2800  }
0x1e0: {  	[sflag:s28] =	ssyncset.done $0x0  }
0x1e1: {  	s5 =	sadd.s32 $0x17750, s4;
	[sflag:s28] =	ssyncadd.s32 $0xFFFFD800  }
0x1e2: {  	[spmem:s19] =	stream.indirect.scatter.add.f32 [tilespmem:s12], [sflag:$0x6], $0x80, s5, s24, $0xb8;
	[tilespmem:$0x1E140] =	vst v63  }
0x1e3: {  	_ =	swait.ge [sflag:s13], $0x2800  }
0x1e4: {  	[sflag:s13] =	ssyncset.done $0x0  }
0x1e5: {  	[sflag:s13] =	ssyncadd.s32 $0xFFFFD800  }
0x1e6: {  	_ =	swait.ge [sflag:s31], $0x500  }
0x1e7: {  	[sflag:s31] =	ssyncset.done $0x0  }
0x1e8: {  	[sflag:s31] =	ssyncadd.s32 $0xFFFFFB00  }
0x1e9: {  	[spmem:s20] =	stream.indirect.scatter.add.f32 [tilespmem:s15], [sflag:$0x5], $0x10, s5, s24, $0xb8;
	[tilespmem:$0x1E140] =	vst v63  }
0x1ea: {  	s5 =	sadd.s32 $0x17020, s4  }
0x1eb: {  	[tilespmem:s12], [sflag:$0x1] =	stream.indirect.gather [hbm4b:s17+s24], $0x80, s5, s24, $0xb8;
	[tilespmem:$0x1E140] =	vst v63  }
0x1ec: {  	_ =	swait.ge [sflag:s29], $0x2800  }
0x1ed: {  	[sflag:s29] =	ssyncset.done $0x0  }
0x1ee: {  	s5 =	sadd.s32 $0x177A0, s4;
	s4 =	smov.u32 s7;
	[sflag:s29] =	ssyncadd.s32 $0xFFFFD800  }
0x1ef: {  	[spmem:s19] =	stream.indirect.scatter.add.f32 [tilespmem:s26], [sflag:$0x6], $0x80, s5, s24, $0xb8;
	[tilespmem:$0x1E140] =	vst v63  }
0x1f0: {  	_ =	swait.ge [sflag:s13], $0x2800  }
.Ltmp2:
0x1f1: {  	[sflag:s13] =	ssyncset.done $0x0;
	(pc) =	sbr.rel @p0 .LBB2_6-.Ltmp2, $4  }
0x1f2: {  	[sflag:s13] =	ssyncadd.s32 $0xFFFFD800  }
0x1f3: {  	_ =	swait.ge [sflag:s31], $0x500  }
0x1f4: {  	[sflag:s31] =	ssyncset.done $0x0  }
0x1f5: {  	s6 =	smov.u32 s8;
	[sflag:s31] =	ssyncadd.s32 $0xFFFFFB00  }
0x1f6: {  	[spmem:s20] =	stream.indirect.scatter.add.f32 [tilespmem:s15], [sflag:$0x5], $0x10, s5, s24, $0xb8;
	[tilespmem:$0x1E140] =	vst v63  }
0x1f7: {  	s11 =	sadd.s32 $0x16FD0, s4  }
0x1f8: {  	[tilespmem:s26], [sflag:$0x2] =	stream.indirect.gather [hbm4b:s17+s24], $0x80, s11, s24, $0xb8;
	[tilespmem:$0x1E140] =	vst v63  }
0x1f9: {  	_ =	swait.ge [sflag:s28], $0x2800  }
0x1fa: {  	[sflag:s28] =	ssyncset.done $0x0  }
0x1fb: {  	s14 =	sadd.s32 $0x17750, s4;
	[sflag:s28] =	ssyncadd.s32 $0xFFFFD800  }
0x1fc: {  	[spmem:s19] =	stream.indirect.scatter.add.f32 [tilespmem:s12], [sflag:$0x6], $0x80, s14, s24, $0xb8;
	[tilespmem:$0x1E140] =	vst v63  }
0x1fd: {  	_ =	swait.ge [sflag:s13], $0x2800  }
0x1fe: {  	[sflag:s13] =	ssyncset.done $0x0  }
0x1ff: {  	[sflag:s13] =	ssyncadd.s32 $0xFFFFD800  }
0x200: {  	_ =	swait.ge [sflag:s31], $0x500  }
0x201: {  	[sflag:s31] =	ssyncset.done $0x0  }
0x202: {  	[sflag:s31] =	ssyncadd.s32 $0xFFFFFB00  }
0x203: {  	[spmem:s20] =	stream.indirect.scatter.add.f32 [tilespmem:s15], [sflag:$0x5], $0x10, s14, s24, $0xb8;
	[tilespmem:$0x1E140] =	vst v63  }
0x204: {  	s16 =	sadd.s32 $0x17020, s4  }
0x205: {  	[tilespmem:s12], [sflag:$0x1] =	stream.indirect.gather [hbm4b:s17+s24], $0x80, s16, s24, $0xb8;
	[tilespmem:$0x1E140] =	vst v63  }
0x206: {  	_ =	swait.ge [sflag:s29], $0x2800  }
0x207: {  	[sflag:s29] =	ssyncset.done $0x0  }
0x208: {  	s18 =	sadd.s32 $0x177A0, s4;
	[sflag:s29] =	ssyncadd.s32 $0xFFFFD800  }
0x209: {  	[spmem:s19] =	stream.indirect.scatter.add.f32 [tilespmem:s26], [sflag:$0x6], $0x80, s18, s24, $0xb8;
	[tilespmem:$0x1E140] =	vst v63  }
0x20a: {  	_ =	swait.ge [sflag:s13], $0x2800  }
0x20b: {  	[sflag:s13] =	ssyncset.done $0x0  }
0x20c: {  	[sflag:s13] =	ssyncadd.s32 $0xFFFFD800  }
0x20d: {  	_ =	swait.ge [sflag:s31], $0x500  }
0x20e: {  	[sflag:s31] =	ssyncset.done $0x0  }
0x20f: {  	[sflag:s31] =	ssyncadd.s32 $0xFFFFFB00  }
0x210: {  	[spmem:s20] =	stream.indirect.scatter.add.f32 [tilespmem:s15], [sflag:$0x5], $0x10, s18, s24, $0xb8;
	[tilespmem:$0x1E140] =	vst v63  }
0x211: {  	_ =	swait.ge [sflag:s31], $0x500  }
0x212: {  	[sflag:s31] =	ssyncset.done $0x0  }
0x213: {  	[sflag:s31] =	ssyncadd.s32 $0xFFFFFB00  }
0x214: {  	_ =	swait.ge [sflag:s31], $0x500  }
0x215: {  	[sflag:s31] =	ssyncset.done $0x0  }
0x216: {  	[sflag:s31] =	ssyncadd.s32 $0xFFFFFB00  }
0x217: {  	_ =	swait.ge [sflag:s23], $0x7D0  }
0x218: {  	[sflag:s23] =	ssyncset.done $0x0  }
0x219: {  	[sflag:s23] =	ssyncadd.s32 $0xFFFFF830  }
0x21a: {  	_ =	swait.ge [sflag:s23], $0x7D0  }
0x21b: {  	[sflag:s23] =	ssyncset.done $0x0  }
0x21c: {  	[sflag:s23] =	ssyncadd.s32 $0xFFFFF830  }
0x21d: {  	_ =	swait.ge [sflag:s28], $0x2800  }
0x21e: {  	[sflag:s28] =	ssyncset.done $0x0  }
0x21f: {  	s30 =	simm.s32 $0x177A0;
	[sflag:s28] =	ssyncadd.s32 $0xFFFFD800  }
0x220: {  	[tilespmem:s26], [sflag:$0x2] =	stream.indirect.gather [hbm4b:s17+s24], $0x80, s30, s24, $0xb8;
	[tilespmem:$0x1E140] =	vst v63  }
0x221: {  	s3 =	simm.s32 $0x17750  }
0x222: {  	[spmem:s19] =	stream.indirect.scatter.add.f32 [tilespmem:s12], [sflag:$0x6], $0x80, s3, s24, $0xb8;
	[tilespmem:$0x1E140] =	vst v63  }
0x223: {  	_ =	swait.ge [sflag:s13], $0x2800  }
0x224: {  	[sflag:s13] =	ssyncset.done $0x0  }
0x225: {  	[sflag:s13] =	ssyncadd.s32 $0xFFFFD800  }
0x226: {  	[spmem:s20] =	stream.indirect.scatter.add.f32 [tilespmem:s15], [sflag:$0x5], $0x10, s3, s24, $0xb8;
	[tilespmem:$0x1E140] =	vst v63  }
0x227: {  	_ =	swait.ge [sflag:s31], $0x500  }
0x228: {  	s5 =	sld [smem:$0x7F6]  }
0x229: {  	[sflag:s31] =	ssyncset.done $0x0  }
0x22a: {  	s6 =	simm.s32 $0x0;
	s7 =	sld [smem:$0x7F7];
	[sflag:s31] =	ssyncadd.s32 $0xFFFFFB00  }
0x22b: {  	[tilespmem:s21], [sflag:$0x3] =	stream.linear.gather [hbm4b:s5+s6], $0x7D0, $0x38;
	[tilespmem:$0x1E140] =	vst v63  }
0x22c: {  	_ = 	snop  }
0x22d: {  	[tilespmem:s25], [sflag:$0x3] =	stream.linear.gather [hbm4b:s7+s6], $0x7D0, $0x38;
	[tilespmem:$0x1E140] =	vst v63  }
0x22e: {  	s8 =	simm.s32 $0x177F0  }
0x22f: {  	[tilespmem:s12], [sflag:$0x1] =	stream.indirect.gather [hbm4b:s17+s24], $0x80, s8, s24, $0xb8;
	[tilespmem:$0x1E140] =	vst v63  }
0x230: {  	_ =	swait.ge [sflag:s29], $0x2800  }
0x231: {  	[sflag:s29] =	ssyncset.done $0x0  }
0x232: {  	s11 =	simm.s32 $0x17F70;
	[sflag:s29] =	ssyncadd.s32 $0xFFFFD800  }
0x233: {  	[spmem:s19] =	stream.indirect.scatter.add.f32 [tilespmem:s26], [sflag:$0x6], $0x80, s11, s24, $0xb8;
	[tilespmem:$0x1E140] =	vst v63  }
0x234: {  	_ =	swait.ge [sflag:s13], $0x2800  }
0x235: {  	[sflag:s13] =	ssyncset.done $0x0  }
0x236: {  	[sflag:s13] =	ssyncadd.s32 $0xFFFFD800  }
0x237: {  	[spmem:s20] =	stream.indirect.scatter.add.f32 [tilespmem:s15], [sflag:$0x5], $0x10, s11, s24, $0xb8;
	[tilespmem:$0x1E140] =	vst v63  }
0x238: {  	s14 =	simm.s32 $0x17840  }
0x239: {  	[tilespmem:s26], [sflag:$0x2] =	stream.indirect.gather [hbm4b:s17+s24], $0x80, s14, s24, $0xb8;
	[tilespmem:$0x1E140] =	vst v63  }
0x23a: {  	_ =	swait.ge [sflag:s28], $0x2800  }
0x23b: {  	[sflag:s28] =	ssyncset.done $0x0  }
0x23c: {  	s16 =	simm.s32 $0x17FC0;
	[sflag:s28] =	ssyncadd.s32 $0xFFFFD800  }
0x23d: {  	[spmem:s19] =	stream.indirect.scatter.add.f32 [tilespmem:s12], [sflag:$0x6], $0x80, s16, s24, $0xb8;
	[tilespmem:$0x1E140] =	vst v63  }
0x23e: {  	_ =	swait.ge [sflag:s13], $0x2800  }
0x23f: {  	[sflag:s13] =	ssyncset.done $0x0  }
0x240: {  	[sflag:s13] =	ssyncadd.s32 $0xFFFFD800  }
0x241: {  	[spmem:s20] =	stream.indirect.scatter.add.f32 [tilespmem:s15], [sflag:$0x5], $0x10, s16, s24, $0xb8;
	[tilespmem:$0x1E140] =	vst v63  }
0x242: {  	s18 =	simm.s32 $0x17890  }
0x243: {  	[tilespmem:s12], [sflag:$0x1] =	stream.indirect.gather [hbm4b:s17+s24], $0x80, s18, s24, $0xb8;
	[tilespmem:$0x1E140] =	vst v63  }
0x244: {  	_ =	swait.ge [sflag:s29], $0x2800  }
0x245: {  	[sflag:s29] =	ssyncset.done $0x0  }
0x246: {  	s25 =	simm.s32 $0x18010;
	[sflag:s29] =	ssyncadd.s32 $0xFFFFD800  }
0x247: {  	[spmem:s19] =	stream.indirect.scatter.add.f32 [tilespmem:s26], [sflag:$0x6], $0x80, s25, s24, $0xb8;
	[tilespmem:$0x1E140] =	vst v63  }
0x248: {  	_ =	swait.ge [sflag:s13], $0x2800  }
0x249: {  	[sflag:s13] =	ssyncset.done $0x0  }
0x24a: {  	[sflag:s13] =	ssyncadd.s32 $0xFFFFD800  }
0x24b: {  	_ =	swait.ge [sflag:s31], $0x500  }
0x24c: {  	[sflag:s31] =	ssyncset.done $0x0  }
0x24d: {  	[sflag:s31] =	ssyncadd.s32 $0xFFFFFB00  }
0x24e: {  	[spmem:s20] =	stream.indirect.scatter.add.f32 [tilespmem:s15], [sflag:$0x5], $0x10, s25, s24, $0xb8;
	[tilespmem:$0x1E140] =	vst v63  }
0x24f: {  	s30 =	simm.s32 $0x178E0  }
0x250: {  	[tilespmem:s26], [sflag:$0x2] =	stream.indirect.gather [hbm4b:s17+s24], $0x80, s30, s24, $0xb8;
	[tilespmem:$0x1E140] =	vst v63  }
0x251: {  	_ =	swait.ge [sflag:s28], $0x2800  }
0x252: {  	[sflag:s28] =	ssyncset.done $0x0  }
0x253: {  	s5 =	simm.s32 $0x18060;
	[sflag:s28] =	ssyncadd.s32 $0xFFFFD800  }
0x254: {  	[spmem:s19] =	stream.indirect.scatter.add.f32 [tilespmem:s12], [sflag:$0x6], $0x80, s5, s24, $0xb8;
	[tilespmem:$0x1E140] =	vst v63  }
0x255: {  	_ =	swait.ge [sflag:s13], $0x2800  }
0x256: {  	[sflag:s13] =	ssyncset.done $0x0  }
0x257: {  	[sflag:s13] =	ssyncadd.s32 $0xFFFFD800  }
0x258: {  	_ =	swait.ge [sflag:s31], $0x500  }
0x259: {  	[sflag:s31] =	ssyncset.done $0x0  }
0x25a: {  	s4 =	simm.s32 $0xFFFFF9C0;
	s6 =	simm.s32 $0xFFFFE980;
	[sflag:s31] =	ssyncadd.s32 $0xFFFFFB00  }
.LBB2_8:
0x25b: {  	[spmem:s20] =	stream.indirect.scatter.add.f32 [tilespmem:s15], [sflag:$0x5], $0x10, s5, s24, $0xb8;
	[tilespmem:$0x1E140] =	vst v63  }
0x25c: {  	s5 =	smov.u32 s6  }
0x25d: {  	s8 =	sadd.s32 $0x280, s6;
	s7 =	sshra.s32 s5, $0x2;
	s5 =	sadd.s32 $0x17F70, s4  }
0x25e: {  	[tilespmem:s12], [sflag:$0x1] =	stream.indirect.gather [hbm4b:s17+s24], $0x80, s5, s24, $0xb8;
	[tilespmem:$0x1E140] =	vst v63  }
0x25f: {  	p0 =	sne.s32 s6, $0xFFFFFD80;
	_ =	swait.ge [sflag:s29], $0x2800  }
0x260: {  	[sflag:s29] =	ssyncset.done $0x0  }
0x261: {  	s5 =	sadd.s32 $0x186F0, s4;
	[sflag:s29] =	ssyncadd.s32 $0xFFFFD800  }
0x262: {  	[spmem:s19] =	stream.indirect.scatter.add.f32 [tilespmem:s26], [sflag:$0x6], $0x80, s5, s24, $0xb8;
	[tilespmem:$0x1E140] =	vst v63  }
0x263: {  	_ =	swait.ge [sflag:s13], $0x2800  }
0x264: {  	[sflag:s13] =	ssyncset.done $0x0  }
0x265: {  	[sflag:s13] =	ssyncadd.s32 $0xFFFFD800  }
0x266: {  	_ =	swait.ge [sflag:s31], $0x500  }
0x267: {  	[sflag:s31] =	ssyncset.done $0x0  }
0x268: {  	[sflag:s31] =	ssyncadd.s32 $0xFFFFFB00  }
0x269: {  	[spmem:s20] =	stream.indirect.scatter.add.f32 [tilespmem:s15], [sflag:$0x5], $0x10, s5, s24, $0xb8;
	[tilespmem:$0x1E140] =	vst v63  }
0x26a: {  	s5 =	sadd.s32 $0x17FC0, s4  }
0x26b: {  	[tilespmem:s26], [sflag:$0x2] =	stream.indirect.gather [hbm4b:s17+s24], $0x80, s5, s24, $0xb8;
	[tilespmem:$0x1E140] =	vst v63  }
0x26c: {  	_ =	swait.ge [sflag:s28], $0x2800  }
0x26d: {  	[sflag:s28] =	ssyncset.done $0x0  }
0x26e: {  	s5 =	sadd.s32 $0x18740, s4;
	s4 =	smov.u32 s7;
	[sflag:s28] =	ssyncadd.s32 $0xFFFFD800  }
0x26f: {  	[spmem:s19] =	stream.indirect.scatter.add.f32 [tilespmem:s12], [sflag:$0x6], $0x80, s5, s24, $0xb8;
	[tilespmem:$0x1E140] =	vst v63  }
0x270: {  	_ =	swait.ge [sflag:s13], $0x2800  }
.Ltmp3:
0x271: {  	[sflag:s13] =	ssyncset.done $0x0;
	(pc) =	sbr.rel @p0 .LBB2_8-.Ltmp3, $4  }
0x272: {  	[sflag:s13] =	ssyncadd.s32 $0xFFFFD800  }
0x273: {  	_ =	swait.ge [sflag:s31], $0x500  }
0x274: {  	[sflag:s31] =	ssyncset.done $0x0  }
0x275: {  	s6 =	smov.u32 s8;
	[sflag:s31] =	ssyncadd.s32 $0xFFFFFB00  }
0x276: {  	[spmem:s20] =	stream.indirect.scatter.add.f32 [tilespmem:s15], [sflag:$0x5], $0x10, s5, s24, $0xb8;
	[tilespmem:$0x1E140] =	vst v63  }
0x277: {  	s16 =	sadd.s32 $0x17F70, s4  }
0x278: {  	[tilespmem:s12], [sflag:$0x1] =	stream.indirect.gather [hbm4b:s17+s24], $0x80, s16, s24, $0xb8;
	[tilespmem:$0x1E140] =	vst v63  }
0x279: {  	s25 =	smov.u32 s0;
	s0 =	sld [smem:$0x7FD];
	_ =	swait.ge [sflag:s29], $0x2800  }
0x27a: {  	[sflag:s29] =	ssyncset.done $0x0  }
0x27b: {  	s18 =	smov.u32 s2;
	s2 =	sadd.s32 $0x186F0, s4;
	[sflag:s29] =	ssyncadd.s32 $0xFFFFD800  }
0x27c: {  	[spmem:s19] =	stream.indirect.scatter.add.f32 [tilespmem:s26], [sflag:$0x6], $0x80, s2, s24, $0xb8;
	[tilespmem:$0x1E140] =	vst v63  }
0x27d: {  	_ =	swait.ge [sflag:s13], $0x2800  }
0x27e: {  	[sflag:s13] =	ssyncset.done $0x0  }
0x27f: {  	[sflag:s13] =	ssyncadd.s32 $0xFFFFD800  }
0x280: {  	_ =	swait.ge [sflag:s31], $0x500  }
0x281: {  	[sflag:s31] =	ssyncset.done $0x0  }
0x282: {  	[sflag:s31] =	ssyncadd.s32 $0xFFFFFB00  }
0x283: {  	[spmem:s20] =	stream.indirect.scatter.add.f32 [tilespmem:s15], [sflag:$0x5], $0x10, s2, s24, $0xb8;
	[tilespmem:$0x1E140] =	vst v63  }
0x284: {  	s3 =	sadd.s32 $0x17FC0, s4  }
0x285: {  	[tilespmem:s26], [sflag:$0x2] =	stream.indirect.gather [hbm4b:s17+s24], $0x80, s3, s24, $0xb8;
	[tilespmem:$0x1E140] =	vst v63  }
0x286: {  	_ =	swait.ge [sflag:s28], $0x2800  }
0x287: {  	[sflag:s28] =	ssyncset.done $0x0  }
0x288: {  	s6 =	sadd.s32 $0x18740, s4;
	[sflag:s28] =	ssyncadd.s32 $0xFFFFD800  }
0x289: {  	[spmem:s19] =	stream.indirect.scatter.add.f32 [tilespmem:s12], [sflag:$0x6], $0x80, s6, s24, $0xb8;
	[tilespmem:$0x1E140] =	vst v63  }
0x28a: {  	_ =	swait.ge [sflag:s13], $0x2800  }
0x28b: {  	[sflag:s13] =	ssyncset.done $0x0  }
0x28c: {  	[sflag:s13] =	ssyncadd.s32 $0xFFFFD800  }
0x28d: {  	_ =	swait.ge [sflag:s31], $0x500  }
0x28e: {  	[sflag:s31] =	ssyncset.done $0x0  }
0x28f: {  	[sflag:s31] =	ssyncadd.s32 $0xFFFFFB00  }
0x290: {  	[spmem:s20] =	stream.indirect.scatter.add.f32 [tilespmem:s15], [sflag:$0x5], $0x10, s6, s24, $0xb8;
	[tilespmem:$0x1E140] =	vst v63  }
0x291: {  	_ =	swait.ge [sflag:s31], $0x500  }
0x292: {  	[sflag:s31] =	ssyncset.done $0x0  }
0x293: {  	[sflag:s31] =	ssyncadd.s32 $0xFFFFFB00  }
0x294: {  	_ =	swait.ge [sflag:s31], $0x500  }
0x295: {  	[sflag:s31] =	ssyncset.done $0x0  }
0x296: {  	[sflag:s31] =	ssyncadd.s32 $0xFFFFFB00  }
0x297: {  	_ =	swait.ge [sflag:s23], $0x7D0  }
0x298: {  	[sflag:s23] =	ssyncset.done $0x0  }
0x299: {  	[sflag:s23] =	ssyncadd.s32 $0xFFFFF830  }
0x29a: {  	_ =	swait.ge [sflag:s23], $0x7D0  }
0x29b: {  	[sflag:s23] =	ssyncset.done $0x0  }
0x29c: {  	[sflag:s23] =	ssyncadd.s32 $0xFFFFF830  }
0x29d: {  	_ =	swait.ge [sflag:s29], $0x2800  }
0x29e: {  	[sflag:s29] =	ssyncset.done $0x0  }
0x29f: {  	[sflag:s29] =	ssyncadd.s32 $0xFFFFD800  }
0x2a0: {  	[tilespmem:s12], [sflag:$0x1] =	stream.indirect.gather [hbm4b:s17+s24], $0x80, s21, s24, $0xb8;
	[tilespmem:$0x1E140] =	vst v63  }
0x2a1: {  	s7 =	simm.s32 $0x186F0  }
0x2a2: {  	[spmem:s19] =	stream.indirect.scatter.add.f32 [tilespmem:s26], [sflag:$0x6], $0x80, s7, s24, $0xb8;
	[tilespmem:$0x1E140] =	vst v63  }
0x2a3: {  	_ =	swait.ge [sflag:s13], $0x2800  }
0x2a4: {  	[sflag:s13] =	ssyncset.done $0x0  }
0x2a5: {  	[sflag:s13] =	ssyncadd.s32 $0xFFFFD800  }
0x2a6: {  	[spmem:s20] =	stream.indirect.scatter.add.f32 [tilespmem:s15], [sflag:$0x5], $0x10, s7, s24, $0xb8;
	[tilespmem:$0x1E140] =	vst v63  }
0x2a7: {  	_ =	swait.ge [sflag:s31], $0x500  }
0x2a8: {  	[sflag:s31] =	ssyncset.done $0x0  }
0x2a9: {  	s8 =	simm.s32 $0x16850;
	[sflag:s31] =	ssyncadd.s32 $0xFFFFFB00  }
0x2aa: {  	[tilespmem:s26], [sflag:$0x2] =	stream.indirect.gather [hbm4b:s17+s24], $0x80, s8, s24, $0xb8;
	[tilespmem:$0x1E140] =	vst v63  }
0x2ab: {  	_ =	swait.ge [sflag:s28], $0x2800  }
0x2ac: {  	[sflag:s28] =	ssyncset.done $0x0  }
0x2ad: {  	s30 =	smov.u32 s10;
	s10 =	simm.s32 $0x16FD0;
	[sflag:s28] =	ssyncadd.s32 $0xFFFFD800  }
0x2ae: {  	[spmem:s19] =	stream.indirect.scatter.add.f32 [tilespmem:s12], [sflag:$0x6], $0x80, s10, s24, $0xb8;
	[tilespmem:$0x1E140] =	vst v63  }
0x2af: {  	_ =	swait.ge [sflag:s13], $0x2800  }
0x2b0: {  	[sflag:s13] =	ssyncset.done $0x0  }
0x2b1: {  	[sflag:s13] =	ssyncadd.s32 $0xFFFFD800  }
0x2b2: {  	[spmem:s20] =	stream.indirect.scatter.add.f32 [tilespmem:s15], [sflag:$0x5], $0x10, s10, s24, $0xb8;
	[tilespmem:$0x1E140] =	vst v63  }
0x2b3: {  	s11 =	simm.s32 $0x168A0  }
0x2b4: {  	[tilespmem:s12], [sflag:$0x1] =	stream.indirect.gather [hbm4b:s17+s24], $0x80, s11, s24, $0xb8;
	[tilespmem:$0x1E140] =	vst v63  }
0x2b5: {  	_ =	swait.ge [sflag:s29], $0x2800  }
0x2b6: {  	[sflag:s29] =	ssyncset.done $0x0  }
0x2b7: {  	s14 =	simm.s32 $0x17020;
	[sflag:s29] =	ssyncadd.s32 $0xFFFFD800  }
0x2b8: {  	[spmem:s19] =	stream.indirect.scatter.add.f32 [tilespmem:s26], [sflag:$0x6], $0x80, s14, s24, $0xb8;
	[tilespmem:$0x1E140] =	vst v63  }
0x2b9: {  	_ =	swait.ge [sflag:s13], $0x2800  }
0x2ba: {  	[sflag:s13] =	ssyncset.done $0x0  }
0x2bb: {  	[sflag:s13] =	ssyncadd.s32 $0xFFFFD800  }
0x2bc: {  	[spmem:s20] =	stream.indirect.scatter.add.f32 [tilespmem:s15], [sflag:$0x5], $0x10, s14, s24, $0xb8;
	[tilespmem:$0x1E140] =	vst v63  }
0x2bd: {  	s16 =	simm.s32 $0x168F0  }
0x2be: {  	[tilespmem:s26], [sflag:$0x2] =	stream.indirect.gather [hbm4b:s17+s24], $0x80, s16, s24, $0xb8;
	[tilespmem:$0x1E140] =	vst v63  }
0x2bf: {  	_ =	swait.ge [sflag:s28], $0x2800  }
0x2c0: {  	[sflag:s28] =	ssyncset.done $0x0  }
0x2c1: {  	s21 =	simm.s32 $0x17070;
	[sflag:s28] =	ssyncadd.s32 $0xFFFFD800  }
0x2c2: {  	[spmem:s19] =	stream.indirect.scatter.add.f32 [tilespmem:s12], [sflag:$0x6], $0x80, s21, s24, $0xb8;
	[tilespmem:$0x1E140] =	vst v63  }
0x2c3: {  	_ =	swait.ge [sflag:s13], $0x2800  }
0x2c4: {  	[sflag:s13] =	ssyncset.done $0x0  }
0x2c5: {  	[sflag:s13] =	ssyncadd.s32 $0xFFFFD800  }
0x2c6: {  	_ =	swait.ge [sflag:s31], $0x500  }
0x2c7: {  	[sflag:s31] =	ssyncset.done $0x0  }
0x2c8: {  	[sflag:s31] =	ssyncadd.s32 $0xFFFFFB00  }
0x2c9: {  	[spmem:s20] =	stream.indirect.scatter.add.f32 [tilespmem:s15], [sflag:$0x5], $0x10, s21, s24, $0xb8;
	[tilespmem:$0x1E140] =	vst v63  }
0x2ca: {  	s23 =	simm.s32 $0x16940  }
0x2cb: {  	[tilespmem:s12], [sflag:$0x1] =	stream.indirect.gather [hbm4b:s17+s24], $0x80, s23, s24, $0xb8;
	[tilespmem:$0x1E140] =	vst v63  }
0x2cc: {  	_ =	swait.ge [sflag:s29], $0x2800  }
0x2cd: {  	[sflag:s29] =	ssyncset.done $0x0  }
0x2ce: {  	s5 =	simm.s32 $0x170C0;
	[sflag:s29] =	ssyncadd.s32 $0xFFFFD800  }
0x2cf: {  	[spmem:s19] =	stream.indirect.scatter.add.f32 [tilespmem:s26], [sflag:$0x6], $0x80, s5, s24, $0xb8;
	[tilespmem:$0x1E140] =	vst v63  }
0x2d0: {  	_ =	swait.ge [sflag:s13], $0x2800  }
0x2d1: {  	[sflag:s13] =	ssyncset.done $0x0  }
0x2d2: {  	[sflag:s13] =	ssyncadd.s32 $0xFFFFD800  }
0x2d3: {  	_ =	swait.ge [sflag:s31], $0x500  }
0x2d4: {  	[sflag:s31] =	ssyncset.done $0x0  }
0x2d5: {  	s4 =	simm.s32 $0xFFFFF9C0;
	s6 =	simm.s32 $0xFFFFE980;
	[sflag:s31] =	ssyncadd.s32 $0xFFFFFB00  }
.LBB2_10:
0x2d6: {  	[spmem:s20] =	stream.indirect.scatter.add.f32 [tilespmem:s15], [sflag:$0x5], $0x10, s5, s24, $0xb8;
	[tilespmem:$0x1E140] =	vst v63  }
0x2d7: {  	s5 =	smov.u32 s6  }
0x2d8: {  	s8 =	sadd.s32 $0x280, s6;
	s7 =	sshra.s32 s5, $0x2;
	s5 =	sadd.s32 $0x16FD0, s4  }
0x2d9: {  	[tilespmem:s26], [sflag:$0x2] =	stream.indirect.gather [hbm4b:s17+s24], $0x80, s5, s24, $0xb8;
	[tilespmem:$0x1E140] =	vst v63  }
0x2da: {  	p0 =	sne.s32 s6, $0xFFFFFD80;
	_ =	swait.ge [sflag:s28], $0x2800  }
0x2db: {  	[sflag:s28] =	ssyncset.done $0x0  }
0x2dc: {  	s5 =	sadd.s32 $0x17750, s4;
	[sflag:s28] =	ssyncadd.s32 $0xFFFFD800  }
0x2dd: {  	[spmem:s19] =	stream.indirect.scatter.add.f32 [tilespmem:s12], [sflag:$0x6], $0x80, s5, s24, $0xb8;
	[tilespmem:$0x1E140] =	vst v63  }
0x2de: {  	_ =	swait.ge [sflag:s13], $0x2800  }
0x2df: {  	[sflag:s13] =	ssyncset.done $0x0  }
0x2e0: {  	[sflag:s13] =	ssyncadd.s32 $0xFFFFD800  }
0x2e1: {  	_ =	swait.ge [sflag:s31], $0x500  }
0x2e2: {  	[sflag:s31] =	ssyncset.done $0x0  }
0x2e3: {  	[sflag:s31] =	ssyncadd.s32 $0xFFFFFB00  }
0x2e4: {  	[spmem:s20] =	stream.indirect.scatter.add.f32 [tilespmem:s15], [sflag:$0x5], $0x10, s5, s24, $0xb8;
	[tilespmem:$0x1E140] =	vst v63  }
0x2e5: {  	s5 =	sadd.s32 $0x17020, s4  }
0x2e6: {  	[tilespmem:s12], [sflag:$0x1] =	stream.indirect.gather [hbm4b:s17+s24], $0x80, s5, s24, $0xb8;
	[tilespmem:$0x1E140] =	vst v63  }
0x2e7: {  	_ =	swait.ge [sflag:s29], $0x2800  }
0x2e8: {  	[sflag:s29] =	ssyncset.done $0x0  }
0x2e9: {  	s5 =	sadd.s32 $0x177A0, s4;
	s4 =	smov.u32 s7;
	[sflag:s29] =	ssyncadd.s32 $0xFFFFD800  }
0x2ea: {  	[spmem:s19] =	stream.indirect.scatter.add.f32 [tilespmem:s26], [sflag:$0x6], $0x80, s5, s24, $0xb8;
	[tilespmem:$0x1E140] =	vst v63  }
0x2eb: {  	_ =	swait.ge [sflag:s13], $0x2800  }
.Ltmp4:
0x2ec: {  	[sflag:s13] =	ssyncset.done $0x0;
	(pc) =	sbr.rel @p0 .LBB2_10-.Ltmp4, $4  }
0x2ed: {  	[sflag:s13] =	ssyncadd.s32 $0xFFFFD800  }
0x2ee: {  	_ =	swait.ge [sflag:s31], $0x500  }
0x2ef: {  	[sflag:s31] =	ssyncset.done $0x0  }
0x2f0: {  	s6 =	smov.u32 s8;
	[sflag:s31] =	ssyncadd.s32 $0xFFFFFB00  }
0x2f1: {  	[spmem:s20] =	stream.indirect.scatter.add.f32 [tilespmem:s15], [sflag:$0x5], $0x10, s5, s24, $0xb8;
	[tilespmem:$0x1E140] =	vst v63  }
0x2f2: {  	s8 =	sadd.s32 $0x16FD0, s4  }
0x2f3: {  	[tilespmem:s26], [sflag:$0x2] =	stream.indirect.gather [hbm4b:s17+s24], $0x80, s8, s24, $0xb8;
	[tilespmem:$0x1E140] =	vst v63  }
0x2f4: {  	_ =	swait.ge [sflag:s28], $0x2800  }
0x2f5: {  	[sflag:s28] =	ssyncset.done $0x0  }
0x2f6: {  	s10 =	sadd.s32 $0x17750, s4;
	[sflag:s28] =	ssyncadd.s32 $0xFFFFD800  }
0x2f7: {  	[spmem:s19] =	stream.indirect.scatter.add.f32 [tilespmem:s12], [sflag:$0x6], $0x80, s10, s24, $0xb8;
	[tilespmem:$0x1E140] =	vst v63  }
0x2f8: {  	_ =	swait.ge [sflag:s13], $0x2800  }
0x2f9: {  	[sflag:s13] =	ssyncset.done $0x0  }
0x2fa: {  	[sflag:s13] =	ssyncadd.s32 $0xFFFFD800  }
0x2fb: {  	_ =	swait.ge [sflag:s31], $0x500  }
0x2fc: {  	[sflag:s31] =	ssyncset.done $0x0  }
0x2fd: {  	[sflag:s31] =	ssyncadd.s32 $0xFFFFFB00  }
0x2fe: {  	[spmem:s20] =	stream.indirect.scatter.add.f32 [tilespmem:s15], [sflag:$0x5], $0x10, s10, s24, $0xb8;
	[tilespmem:$0x1E140] =	vst v63  }
0x2ff: {  	s11 =	sadd.s32 $0x17020, s4  }
0x300: {  	[tilespmem:s12], [sflag:$0x1] =	stream.indirect.gather [hbm4b:s17+s24], $0x80, s11, s24, $0xb8;
	[tilespmem:$0x1E140] =	vst v63  }
0x301: {  	_ =	swait.ge [sflag:s29], $0x2800  }
0x302: {  	[sflag:s29] =	ssyncset.done $0x0  }
0x303: {  	s14 =	sadd.s32 $0x177A0, s4;
	[sflag:s29] =	ssyncadd.s32 $0xFFFFD800  }
0x304: {  	[spmem:s19] =	stream.indirect.scatter.add.f32 [tilespmem:s26], [sflag:$0x6], $0x80, s14, s24, $0xb8;
	[tilespmem:$0x1E140] =	vst v63  }
0x305: {  	_ =	swait.ge [sflag:s13], $0x2800  }
0x306: {  	[sflag:s13] =	ssyncset.done $0x0  }
0x307: {  	[sflag:s13] =	ssyncadd.s32 $0xFFFFD800  }
0x308: {  	_ =	swait.ge [sflag:s31], $0x500  }
0x309: {  	[sflag:s31] =	ssyncset.done $0x0  }
0x30a: {  	[sflag:s31] =	ssyncadd.s32 $0xFFFFFB00  }
0x30b: {  	[spmem:s20] =	stream.indirect.scatter.add.f32 [tilespmem:s15], [sflag:$0x5], $0x10, s14, s24, $0xb8;
	[tilespmem:$0x1E140] =	vst v63  }
0x30c: {  	_ =	swait.ge [sflag:s31], $0x500  }
0x30d: {  	[sflag:s31] =	ssyncset.done $0x0  }
0x30e: {  	[sflag:s31] =	ssyncadd.s32 $0xFFFFFB00  }
0x30f: {  	_ =	swait.ge [sflag:s31], $0x500  }
0x310: {  	[sflag:s31] =	ssyncset.done $0x0  }
0x311: {  	[sflag:s31] =	ssyncadd.s32 $0xFFFFFB00  }
0x312: {  	_ =	swait.ge [sflag:s28], $0x2800  }
0x313: {  	[sflag:s28] =	ssyncset.done $0x0  }
0x314: {  	s2 =	simm.s32 $0x17750;
	[sflag:s28] =	ssyncadd.s32 $0xFFFFD800  }
0x315: {  	[spmem:s19] =	stream.indirect.scatter.add.f32 [tilespmem:s12], [sflag:$0x6], $0x80, s2, s24, $0xb8;
	[tilespmem:$0x1E140] =	vst v63  }
0x316: {  	_ =	swait.ge [sflag:s13], $0x2800  }
0x317: {  	[sflag:s13] =	ssyncset.done $0x0  }
0x318: {  	[sflag:s13] =	ssyncadd.s32 $0xFFFFD800  }
0x319: {  	[spmem:s20] =	stream.indirect.scatter.add.f32 [tilespmem:s15], [sflag:$0x5], $0x10, s2, s24, $0xb8;
	[tilespmem:$0x1E140] =	vst v63  }
0x31a: {  	_ =	swait.ge [sflag:s31], $0x500  }
0x31b: {  	[sflag:s31] =	ssyncset.done $0x0  }
0x31c: {  	[sflag:s31] =	ssyncadd.s32 $0xFFFFFB00  }
0x31d: {  	[bflag:$0x0] =	sbarrier.arrive $0xFFFF  }
0x31e: {  	s5 =	rddreg [dreg:$0x1f]  }
0x31f: {  	[tilespmem:s12], [sflag:$0x6] =	stream.linear.gather [spmem:s5], $0x2800, $0x38;
	[tilespmem:$0x1E140] =	vst v63  }
0x320: {  	_ =	swait.ge [sflag:s13], $0x2800  }
0x321: {  	[sflag:s13] =	ssyncset.done $0x0  }
0x322: {  	s23 =	simm.s32 $0x0;
	s16 =	rddreg [dreg:$0x7];
	[sflag:s13] =	ssyncadd.s32 $0xFFFFD800  }
0x323: {  	[hbm4b:s16+s23] =	stream.linear.scatter [tilespmem:s12], [sflag:$0x4], $0x2800, $0x38;
	[tilespmem:$0x1E140] =	vst v63  }
0x324: {  	s7 =	simm.s32 $0x1D740;
	s14 =	rddreg [dreg:$0x1e]  }
0x325: {  	[tilespmem:s7], [sflag:$0x6] =	stream.linear.gather [spmem:s14], $0x500, $0x38;
	[tilespmem:$0x1E140] =	vst v63  }
0x326: {  	_ =	swait.ge [sflag:s13], $0x500  }
0x327: {  	[sflag:s13] =	ssyncset.done $0x0  }
0x328: {  	s21 =	rddreg [dreg:$0xf];
	[sflag:s13] =	ssyncadd.s32 $0xFFFFFB00  }
0x329: {  	[hbm4b:s21+s23] =	stream.linear.scatter [tilespmem:s7], [sflag:$0x4], $0x500, $0x38;
	[tilespmem:$0x1E140] =	vst v63  }
0x32a: {  	s6 =	rddreg [dreg:$0x1d]  }
0x32b: {  	[tilespmem:s26], [sflag:$0x6] =	stream.linear.gather [spmem:s6], $0x2800, $0x38;
	[tilespmem:$0x1E140] =	vst v63  }
0x32c: {  	_ =	swait.ge [sflag:s13], $0x2800  }
0x32d: {  	[sflag:s13] =	ssyncset.done $0x0  }
0x32e: {  	s2 =	rddreg [dreg:$0x8];
	[sflag:s13] =	ssyncadd.s32 $0xFFFFD800  }
0x32f: {  	[hbm4b:s2+s23] =	stream.linear.scatter [tilespmem:s26], [sflag:$0x4], $0x2800, $0x38;
	[tilespmem:$0x1E140] =	vst v63  }
0x330: {  	s8 =	rddreg [dreg:$0x1b]  }
0x331: {  	[tilespmem:s15], [sflag:$0x6] =	stream.linear.gather [spmem:s8], $0x500, $0x38;
	[tilespmem:$0x1E140] =	vst v63  }
0x332: {  	_ =	swait.ge [sflag:s13], $0x500  }
0x333: {  	[sflag:s13] =	ssyncset.done $0x0  }
0x334: {  	s3 =	rddreg [dreg:$0x10];
	[sflag:s13] =	ssyncadd.s32 $0xFFFFFB00  }
0x335: {  	[hbm4b:s3+s23] =	stream.linear.scatter [tilespmem:s15], [sflag:$0x4], $0x500, $0x38;
	[tilespmem:$0x1E140] =	vst v63  }
0x336: {  	_ =	swait.ge [sflag:s22], $0x2800  }
0x337: {  	[sflag:s22] =	ssyncset.done $0x0  }
0x338: {  	s2 =	rddreg [dreg:$0x1a];
	[sflag:s22] =	ssyncadd.s32 $0xFFFFD800  }
0x339: {  	[tilespmem:s12], [sflag:$0x6] =	stream.linear.gather [spmem:s2], $0x2800, $0x38;
	[tilespmem:$0x1E140] =	vst v63  }
0x33a: {  	_ =	swait.ge [sflag:s13], $0x2800  }
0x33b: {  	[sflag:s13] =	ssyncset.done $0x0  }
0x33c: {  	s10 =	rddreg [dreg:$0x9];
	[sflag:s13] =	ssyncadd.s32 $0xFFFFD800  }
0x33d: {  	[hbm4b:s10+s23] =	stream.linear.scatter [tilespmem:s12], [sflag:$0x4], $0x2800, $0x38;
	[tilespmem:$0x1E140] =	vst v63  }
0x33e: {  	_ =	swait.ge [sflag:s22], $0x500  }
0x33f: {  	[sflag:s22] =	ssyncset.done $0x0  }
0x340: {  	[sflag:s22] =	ssyncadd.s32 $0xFFFFFB00  }
0x341: {  	[tilespmem:s7], [sflag:$0x6] =	stream.linear.gather [spmem:s0], $0x500, $0x38;
	[tilespmem:$0x1E140] =	vst v63  }
0x342: {  	_ =	swait.ge [sflag:s13], $0x500  }
0x343: {  	[sflag:s13] =	ssyncset.done $0x0  }
0x344: {  	s11 =	rddreg [dreg:$0x11];
	[sflag:s13] =	ssyncadd.s32 $0xFFFFFB00  }
0x345: {  	[hbm4b:s11+s23] =	stream.linear.scatter [tilespmem:s7], [sflag:$0x4], $0x500, $0x38;
	[tilespmem:$0x1E140] =	vst v63  }
0x346: {  	_ =	swait.ge [sflag:s22], $0x2800  }
0x347: {  	[sflag:s22] =	ssyncset.done $0x0  }
0x348: {  	s11 =	rddreg [dreg:$0x1c];
	[sflag:s22] =	ssyncadd.s32 $0xFFFFD800  }
0x349: {  	[tilespmem:s26], [sflag:$0x6] =	stream.linear.gather [spmem:s11], $0x2800, $0x38;
	[tilespmem:$0x1E140] =	vst v63  }
0x34a: {  	_ =	swait.ge [sflag:s13], $0x2800  }
0x34b: {  	[sflag:s13] =	ssyncset.done $0x0  }
0x34c: {  	s16 =	rddreg [dreg:$0xa];
	[sflag:s13] =	ssyncadd.s32 $0xFFFFD800  }
0x34d: {  	[hbm4b:s16+s23] =	stream.linear.scatter [tilespmem:s26], [sflag:$0x4], $0x2800, $0x38;
	[tilespmem:$0x1E140] =	vst v63  }
0x34e: {  	_ =	swait.ge [sflag:s22], $0x500  }
0x34f: {  	[sflag:s22] =	ssyncset.done $0x0  }
0x350: {  	[sflag:s22] =	ssyncadd.s32 $0xFFFFFB00  }
0x351: {  	[tilespmem:s15], [sflag:$0x6] =	stream.linear.gather [spmem:s25], $0x500, $0x38;
	[tilespmem:$0x1E140] =	vst v63  }
0x352: {  	_ =	swait.ge [sflag:s13], $0x500  }
0x353: {  	[sflag:s13] =	ssyncset.done $0x0  }
0x354: {  	s21 =	rddreg [dreg:$0x12];
	[sflag:s13] =	ssyncadd.s32 $0xFFFFFB00  }
0x355: {  	[hbm4b:s21+s23] =	stream.linear.scatter [tilespmem:s15], [sflag:$0x4], $0x500, $0x38;
	[tilespmem:$0x1E140] =	vst v63  }
0x356: {  	_ =	swait.ge [sflag:s22], $0x2800  }
0x357: {  	[sflag:s22] =	ssyncset.done $0x0  }
0x358: {  	[sflag:s22] =	ssyncadd.s32 $0xFFFFD800  }
0x359: {  	[tilespmem:s12], [sflag:$0x6] =	stream.linear.gather [spmem:s9], $0x2800, $0x38;
	[tilespmem:$0x1E140] =	vst v63  }
0x35a: {  	_ =	swait.ge [sflag:s13], $0x2800  }
0x35b: {  	[sflag:s13] =	ssyncset.done $0x0  }
0x35c: {  	s0 =	smov.u32 s25;
	s25 =	rddreg [dreg:$0xb];
	[sflag:s13] =	ssyncadd.s32 $0xFFFFD800  }
0x35d: {  	[hbm4b:s25+s23] =	stream.linear.scatter [tilespmem:s12], [sflag:$0x4], $0x2800, $0x38;
	[tilespmem:$0x1E140] =	vst v63  }
0x35e: {  	_ =	swait.ge [sflag:s22], $0x500  }
0x35f: {  	[sflag:s22] =	ssyncset.done $0x0  }
0x360: {  	[sflag:s22] =	ssyncadd.s32 $0xFFFFFB00  }
0x361: {  	[tilespmem:s7], [sflag:$0x6] =	stream.linear.gather [spmem:s1], $0x500, $0x38;
	[tilespmem:$0x1E140] =	vst v63  }
0x362: {  	_ =	swait.ge [sflag:s13], $0x500  }
0x363: {  	[sflag:s13] =	ssyncset.done $0x0  }
0x364: {  	s3 =	rddreg [dreg:$0x13];
	[sflag:s13] =	ssyncadd.s32 $0xFFFFFB00  }
0x365: {  	[hbm4b:s3+s23] =	stream.linear.scatter [tilespmem:s7], [sflag:$0x4], $0x500, $0x38;
	[tilespmem:$0x1E140] =	vst v63  }
0x366: {  	_ =	swait.ge [sflag:s22], $0x2800  }
0x367: {  	s10 =	smov.u32 s1;
	s1 =	sld [smem:$0x7F9]  }
0x368: {  	[sflag:s22] =	ssyncset.done $0x0  }
0x369: {  	[sflag:s22] =	ssyncadd.s32 $0xFFFFD800  }
0x36a: {  	[tilespmem:s26], [sflag:$0x6] =	stream.linear.gather [spmem:s1], $0x2800, $0x38;
	[tilespmem:$0x1E140] =	vst v63  }
0x36b: {  	_ =	swait.ge [sflag:s13], $0x2800  }
0x36c: {  	[sflag:s13] =	ssyncset.done $0x0  }
0x36d: {  	s16 =	rddreg [dreg:$0xc];
	[sflag:s13] =	ssyncadd.s32 $0xFFFFD800  }
0x36e: {  	[hbm4b:s16+s23] =	stream.linear.scatter [tilespmem:s26], [sflag:$0x4], $0x2800, $0x38;
	[tilespmem:$0x1E140] =	vst v63  }
0x36f: {  	_ =	swait.ge [sflag:s22], $0x500  }
0x370: {  	[sflag:s22] =	ssyncset.done $0x0  }
0x371: {  	[sflag:s22] =	ssyncadd.s32 $0xFFFFFB00  }
0x372: {  	[tilespmem:s15], [sflag:$0x6] =	stream.linear.gather [spmem:s30], $0x500, $0x38;
	[tilespmem:$0x1E140] =	vst v63  }
0x373: {  	_ =	swait.ge [sflag:s13], $0x500  }
0x374: {  	[sflag:s13] =	ssyncset.done $0x0  }
0x375: {  	s21 =	rddreg [dreg:$0x14];
	[sflag:s13] =	ssyncadd.s32 $0xFFFFFB00  }
0x376: {  	[hbm4b:s21+s23] =	stream.linear.scatter [tilespmem:s15], [sflag:$0x4], $0x500, $0x38;
	[tilespmem:$0x1E140] =	vst v63  }
0x377: {  	_ =	swait.ge [sflag:s22], $0x2800  }
0x378: {  	[sflag:s22] =	ssyncset.done $0x0  }
0x379: {  	[sflag:s22] =	ssyncadd.s32 $0xFFFFD800  }
0x37a: {  	[tilespmem:s12], [sflag:$0x6] =	stream.linear.gather [spmem:s18], $0x2800, $0x38;
	[tilespmem:$0x1E140] =	vst v63  }
0x37b: {  	_ =	swait.ge [sflag:s13], $0x2800  }
0x37c: {  	[sflag:s13] =	ssyncset.done $0x0  }
0x37d: {  	s25 =	rddreg [dreg:$0xd];
	[sflag:s13] =	ssyncadd.s32 $0xFFFFD800  }
0x37e: {  	[hbm4b:s25+s23] =	stream.linear.scatter [tilespmem:s12], [sflag:$0x4], $0x2800, $0x38;
	[tilespmem:$0x1E140] =	vst v63  }
0x37f: {  	_ =	swait.ge [sflag:s22], $0x500  }
0x380: {  	s21 =	sld [smem:$0x7FA]  }
0x381: {  	[sflag:s22] =	ssyncset.done $0x0  }
0x382: {  	s25 =	simm.s32 $0x1D740;
	[sflag:s22] =	ssyncadd.s32 $0xFFFFFB00  }
0x383: {  	[tilespmem:s25], [sflag:$0x6] =	stream.linear.gather [spmem:s21], $0x500, $0x38;
	[tilespmem:$0x1E140] =	vst v63  }
0x384: {  	_ =	swait.ge [sflag:s13], $0x500  }
0x385: {  	[sflag:s13] =	ssyncset.done $0x0  }
0x386: {  	s3 =	rddreg [dreg:$0x15];
	[sflag:s13] =	ssyncadd.s32 $0xFFFFFB00  }
0x387: {  	[hbm4b:s3+s23] =	stream.linear.scatter [tilespmem:s25], [sflag:$0x4], $0x500, $0x38;
	[tilespmem:$0x1E140] =	vst v63  }
0x388: {  	_ =	swait.ge [sflag:s22], $0x2800  }
0x389: {  	s16 =	sld [smem:$0x7FB]  }
0x38a: {  	[sflag:s22] =	ssyncset.done $0x0  }
0x38b: {  	[sflag:s22] =	ssyncadd.s32 $0xFFFFD800  }
0x38c: {  	[tilespmem:s26], [sflag:$0x6] =	stream.linear.gather [spmem:s16], $0x2800, $0x38;
	[tilespmem:$0x1E140] =	vst v63  }
0x38d: {  	_ =	swait.ge [sflag:s13], $0x2800  }
0x38e: {  	[sflag:s13] =	ssyncset.done $0x0  }
0x38f: {  	s7 =	smov.u32 s18;
	s18 =	rddreg [dreg:$0xe];
	[sflag:s13] =	ssyncadd.s32 $0xFFFFD800  }
0x390: {  	[hbm4b:s18+s23] =	stream.linear.scatter [tilespmem:s26], [sflag:$0x4], $0x2800, $0x38;
	[tilespmem:$0x1E140] =	vst v63  }
0x391: {  	_ =	swait.ge [sflag:s22], $0x500  }
0x392: {  	s18 =	sld [smem:$0x7FC]  }
0x393: {  	[sflag:s22] =	ssyncset.done $0x0  }
0x394: {  	[sflag:s22] =	ssyncadd.s32 $0xFFFFFB00  }
0x395: {  	[tilespmem:s15], [sflag:$0x6] =	stream.linear.gather [spmem:s18], $0x500, $0x38;
	[tilespmem:$0x1E140] =	vst v63  }
0x396: {  	_ =	swait.ge [sflag:s13], $0x500  }
0x397: {  	[sflag:s13] =	ssyncset.done $0x0  }
0x398: {  	s3 =	smov.u32 s16;
	s16 =	rddreg [dreg:$0x16];
	[sflag:s13] =	ssyncadd.s32 $0xFFFFFB00  }
0x399: {  	[hbm4b:s16+s23] =	stream.linear.scatter [tilespmem:s15], [sflag:$0x4], $0x500, $0x38;
	[tilespmem:$0x1E140] =	vst v63  }
0x39a: {  	_ =	swait.ge [sflag:s22], $0x2800  }
0x39b: {  	[sflag:s22] =	ssyncset.done $0x0  }
0x39c: {  	[sflag:s22] =	ssyncadd.s32 $0xFFFFD800  }
0x39d: {  	_ =	swait.ge [sflag:s22], $0x2800  }
0x39e: {  	[sflag:s22] =	ssyncset.done $0x0  }
0x39f: {  	[sflag:s22] =	ssyncadd.s32 $0xFFFFD800  }
0x3a0: {  	_ =	swait.ge [sflag:s22], $0x500  }
0x3a1: {  	[sflag:s22] =	ssyncset.done $0x0  }
0x3a2: {  	[sflag:s22] =	ssyncadd.s32 $0xFFFFFB00  }
0x3a3: {  	_ =	swait.ge [sflag:s22], $0x500  }
0x3a4: {  	s16 =	sld [smem:$0x7F8]  }
0x3a5: {  	s4 =	sld [smem:$0x7EE];
	_ =	sdelay $0x1  }
0x3a6: {  	s16 =	sadd.s32 $0x1, s16  }
0x3a7: {  	p0 =	sne.s32 s16, s4  }
.Ltmp5:
0x3a8: {  	_ = 	snop;
	(pc) =	sbr.rel @p0 .LBB2_1-.Ltmp5, $4  }
0x3a9: {  	_ = 	snop  }
0x3aa: {  	[sflag:s22] =	ssyncset.done $0x0  }
0x3ab: {  	[sflag:s22] =	ssyncadd.s32 $0xFFFFFB00;
	[smem:$0x7F8] =	sst s16  }
0x3ac: {  	s16 =	smov.u32 s10;
	s10 =	smov.u32 s0;
	s0 =	sld [smem:$0x7FD]  }
0x3ad: {  	_ =	sfence.sel $0x180000  }
0x3ae: {  	[bflag:$0x0] =	sbarrier.arrive $0xFFFF  }
0x3af: {  	_ =	strace $0x90000047  }
0x3b0: {  	s0 =	stileid.u32;
	[bflag:$0x2] =	sbarrier.arrive $0xFFFF  }
0x3b1: {  	p0 =	sne.s32 s0, $0x0;
	s0 =	rddreg [dreg:$0x5]  }
0x3b2: {  	s0 =	sadd.s32 @!p0 $0x100000, s0  }
0x3b3: {  	[sflag:s0] =	ssyncadd.tile.s32 @!p0 $0x1;
	_ =	shalt  }
.Lfunc_end2:
_tile_overlayer_lowered:
.L_overlay_start_2:
0x3b4: {  	(tag) =	ssettag $0x2  }
0x3b5: {  	s0 =	rddreg [dreg:$0x0];
	s2 =	stileid.u32  }
0x3b6: {  	s1 =	rddreg [dreg:$0x1];
	p0 =	sne.s32 s2, $0x0  }
0x3b7: {  	s3 =	rddreg [dreg:$0x2];
	[bflag:$0x3] =	sbarrier.arrive $0xFFFF;
	s2 =	simm.s32 @!p0 $0x1C06  }
0x3b8: {  	[timem:s3], [sflag:s2] =	dma.local @!p0 [hbm:s0], s1  }
0x3b9: {  	s0 =	simm.s32 @!p0 $0x6  }
0x3ba: {  	_ =	swait.ge @!p0 [sflag:s0], s1  }
0x3bb: {  	s1 =	ssub.s32 @!p0 $0x0, s1;
	[sflag:s0] =	ssyncset.done @!p0 $0x0  }
0x3bc: {  	[sflag:s0] =	ssyncadd.s32 @!p0 s1  }
0x3bd: {  	[bflag:$0x3] =	sbarrier.arrive $0xFFFF  }
0x3be: {  	_ =	shalt  }

</sc_bundles>
